<compile_context>
chip_gen: v7x
topology: tpu7x:2x2x1
jax: 0.10.2.dev20260603
libtpu: 0.0.44.dev20260713+nightly
codegen_flags: <defaults>
</compile_context>

<pallas_src>
import jax
import jax.numpy as jnp
from jax import lax
from jax.experimental import pallas as pl
from jax.experimental.pallas import tpu as pltpu
from jax.experimental.pallas import tpu_sc as plsc

N = 10000
NP = 10240
E = 320000
B = 2
NC = 1024
NT = 1024
DH = 128
STEPS = 3
NBLK = NP // 1024
RB = 2048
CK = 80
NCHUNK = E // CK
ROWS_PER_SUB = NP // 16
EK = 128
NCKS = 160
EPAD = 16 * NCKS * EK
NBUF = 2

_f32 = jnp.float32


def _enc_body(xcp_ref, cin_ref, posp_ref, hist_ref, wh_ref, wp_ref,
              w0_ref, b0_ref, w1_ref, b1_ref, w2_ref, b2_ref, xs_ref):
    xcp = xcp_ref[0]
    cin = cin_ref[0]
    h = jnp.maximum(jnp.dot(cin, w0_ref[...],
                            preferred_element_type=_f32) + b0_ref[...], 0.0)
    h = jnp.maximum(jnp.dot(h, w1_ref[...],
                            preferred_element_type=_f32) + b1_ref[...], 0.0)
    emb = jnp.dot(h, w2_ref[...], preferred_element_type=_f32) + b2_ref[...]
    xn2 = jnp.sum(xcp * xcp, axis=1, keepdims=True)

    def p1(j, carry):
        m, s = carry
        pb = posp_ref[pl.ds(j * 1024, 1024), :]
        pn2 = jnp.sum(pb * pb, axis=1)
        g = lax.dot_general(xcp, pb, (((1,), (1,)), ((), ())),
                            preferred_element_type=_f32)
        sc = 2.0 * g - xn2 - pn2[None, :]
        mb = jnp.max(sc, axis=1, keepdims=True)
        mn = jnp.maximum(m, mb)
        s = s * jnp.exp(m - mn) + jnp.sum(jnp.exp(sc - mn), axis=1,
                                          keepdims=True)
        return mn, s

    m0 = jnp.full((NC, 1), -1e30, _f32)
    s0 = jnp.zeros((NC, 1), _f32)
    m, s = lax.fori_loop(0, NBLK, p1, (m0, s0))
    mls = (m + jnp.log(s))[:, 0]
    xn2r = xn2[:, 0]

    def p2(j, _):
        pb = posp_ref[pl.ds(j * 1024, 1024), :]
        pn2 = jnp.sum(pb * pb, axis=1, keepdims=True)
        g2 = lax.dot_general(pb, xcp, (((1,), (1,)), ((), ())),
                             preferred_element_type=_f32)
        eb = jnp.exp(2.0 * g2 - pn2 - xn2r[None, :] - mls[None, :])
        lat_blk = jnp.dot(eb, emb, preferred_element_type=_f32)
        deg = (hist_ref[0, pl.ds(j * 1024, 1024), 0]
               + hist_ref[1, pl.ds(j * 1024, 1024), 0] + 1.0)
        dinv = lax.rsqrt(deg)[:, None]
        xs_ref[0, pl.ds(j * 1024, 1024), :] = dinv * (
            jnp.dot(lat_blk, wh_ref[...], preferred_element_type=_f32)
            + jnp.dot(pb, wp_ref[...], preferred_element_type=_f32))
        return 0

    lax.fori_loop(0, NBLK, p2, 0)


def _enc_call(xcp, cin, posp, histp, wh, wp, w0p, b0, w1, b1, w2, b2):
    return pl.pallas_call(
        _enc_body,
        grid=(B,),
        in_specs=[
            pl.BlockSpec((1, NC, 8), lambda b: (b, 0, 0)),
            pl.BlockSpec((1, NC, 8), lambda b: (b, 0, 0)),
            pl.BlockSpec((NP, 8), lambda b: (0, 0)),
            pl.BlockSpec((2, NP, 16), lambda b: (0, 0, 0)),
            pl.BlockSpec((DH, DH), lambda b: (0, 0)),
            pl.BlockSpec((8, DH), lambda b: (0, 0)),
            pl.BlockSpec((8, DH), lambda b: (0, 0)),
            pl.BlockSpec((DH,), lambda b: (0,)),
            pl.BlockSpec((DH, DH), lambda b: (0, 0)),
            pl.BlockSpec((DH,), lambda b: (0,)),
            pl.BlockSpec((DH, DH), lambda b: (0, 0)),
            pl.BlockSpec((DH,), lambda b: (0,)),
        ],
        out_specs=pl.BlockSpec((1, NP, DH), lambda b: (b, 0, 0)),
        out_shape=jax.ShapeDtypeStruct((B, NP, DH), _f32),
    )(xcp, cin, posp, histp, wh, wp, w0p, b0, w1, b1, w2, b2)


def _dinv_from_hist(hist_ref):
    deg = hist_ref[0, :, 0] + hist_ref[1, :, 0] + 1.0
    return lax.rsqrt(deg)[:, None]


def _comb_body(acc_ref, xsp_ref, pos2_ref, hist_ref, gb_ref, wh_ref, wp_ref,
               xs_ref):
    dinv = _dinv_from_hist(hist_ref)
    x = dinv * (acc_ref[...] + xsp_ref[...]) + gb_ref[...]
    xw = (jnp.dot(x, wh_ref[...], preferred_element_type=_f32)
          + jnp.dot(pos2_ref[...], wp_ref[...], preferred_element_type=_f32))
    xs_ref[...] = dinv * xw


_G = (B * NP) // RB


def _row_specs():
    return [
        pl.BlockSpec((RB, DH), lambda p: (p, 0)),
        pl.BlockSpec((RB, 8), lambda p: (p, 0)),
        pl.BlockSpec((2, RB, 16), lambda p: (0, p % (NP // RB), 0)),
    ]


def _comb_call(acc, xsp, pos2, histp, gb, wh, wp):
    return pl.pallas_call(
        _comb_body,
        grid=(_G,),
        in_specs=[
            pl.BlockSpec((RB, DH), lambda p: (p, 0)),
            _row_specs()[0],
            _row_specs()[1],
            _row_specs()[2],
            pl.BlockSpec((DH,), lambda p: (0,)),
            pl.BlockSpec((DH, DH), lambda p: (0, 0)),
            pl.BlockSpec((8, DH), lambda p: (0, 0)),
        ],
        out_specs=pl.BlockSpec((RB, DH), lambda p: (p, 0)),
        out_shape=jax.ShapeDtypeStruct((B * NP, DH), _f32),
    )(acc, xsp, pos2, histp, gb, wh, wp)


def _dec_body(xtp_ref, posp_ref, acc3_ref, xs3_ref, hist_ref, gb_ref,
              d0z_ref, d0x_ref, db0_ref, d1_ref, db1_ref, d2p_ref, db2p_ref,
              out_ref):
    xt = xtp_ref[0]
    xt2 = jnp.sum(xt * xt, axis=1, keepdims=True)

    def blk(j, carry):
        m, l, acc = carry
        pb = posp_ref[pl.ds(j * 1024, 1024), :]
        pn2 = jnp.sum(pb * pb, axis=1)
        deg = (hist_ref[0, pl.ds(j * 1024, 1024), 0]
               + hist_ref[1, pl.ds(j * 1024, 1024), 0] + 1.0)
        dinv = lax.rsqrt(deg)[:, None]
        xb = dinv * (acc3_ref[0, pl.ds(j * 1024, 1024), :]
                     + xs3_ref[0, pl.ds(j * 1024, 1024), :]) + gb_ref[...]
        sc = 2.0 * lax.dot_general(xt, pb, (((1,), (1,)), ((), ())),
                                   preferred_element_type=_f32) \
            - xt2 - pn2[None, :]
        mb = jnp.max(sc, axis=1, keepdims=True)
        mn = jnp.maximum(m, mb)
        alpha = jnp.exp(m - mn)
        p = jnp.exp(sc - mn)
        acc = acc * alpha + jnp.dot(p, xb, preferred_element_type=_f32)
        l = l * alpha + jnp.sum(p, axis=1, keepdims=True)
        return mn, l, acc

    m0 = jnp.full((NT, 1), -1e30, _f32)
    l0 = jnp.zeros((NT, 1), _f32)
    a0 = jnp.zeros((NT, DH), _f32)
    m, l, acc = lax.fori_loop(0, NBLK, blk, (m0, l0, a0))
    z = acc / l
    h = jnp.maximum(jnp.dot(z, d0z_ref[...], preferred_element_type=_f32)
                    + jnp.dot(xt, d0x_ref[...], preferred_element_type=_f32)
                    + db0_ref[...], 0.0)
    h = jnp.maximum(jnp.dot(h, d1_ref[...], preferred_element_type=_f32)
                    + db1_ref[...], 0.0)
    out_ref[0] = jnp.dot(h, d2p_ref[...],
                         preferred_element_type=_f32) + db2p_ref[...]


def _dec_call(xtp, posp, acc3, xs3, histp, gb, d0z, d0x, db0, d1, db1,
              d2p, db2p):
    return pl.pallas_call(
        _dec_body,
        grid=(B,),
        in_specs=[
            pl.BlockSpec((1, NT, 8), lambda b: (b, 0, 0)),
            pl.BlockSpec((NP, 8), lambda b: (0, 0)),
            pl.BlockSpec((1, NP, DH), lambda b: (b, 0, 0)),
            pl.BlockSpec((1, NP, DH), lambda b: (b, 0, 0)),
            pl.BlockSpec((2, NP, 16), lambda b: (0, 0, 0)),
            pl.BlockSpec((DH,), lambda b: (0,)),
            pl.BlockSpec((DH, DH), lambda b: (0, 0)),
            pl.BlockSpec((8, DH), lambda b: (0, 0)),
            pl.BlockSpec((DH,), lambda b: (0,)),
            pl.BlockSpec((DH, DH), lambda b: (0, 0)),
            pl.BlockSpec((DH,), lambda b: (0,)),
            pl.BlockSpec((DH, DH), lambda b: (0, 0)),
            pl.BlockSpec((DH,), lambda b: (0,)),
        ],
        out_specs=pl.BlockSpec((1, NT, DH), lambda b: (b, 0, 0)),
        out_shape=jax.ShapeDtypeStruct((B, NT, DH), _f32),
    )(xtp, posp, acc3, xs3, histp, gb, d0z, d0x, db0, d1, db1, d2p, db2p)


def _sc_mesh():
    return plsc.VectorSubcoreMesh(core_axis_name="c", subcore_axis_name="s",
                                  num_cores=2, num_subcores=16)


def _deg_body(dst2, hist, acc16, idxb, ones16, zbuf):
    c = lax.axis_index("c")
    s = lax.axis_index("s")

    def fill(i, _):
        ones16[i] = jnp.full((16,), 1.0, _f32)
        zbuf[i] = jnp.zeros((16,), _f32)
        return 0
    lax.fori_loop(0, CK, fill, 0)

    def zero(i, _):
        pltpu.sync_copy(zbuf, acc16.at[pl.ds(s * ROWS_PER_SUB + i * CK, CK)])
        return 0
    lax.fori_loop(0, ROWS_PER_SUB // CK, zero, 0)
    plsc.subcore_barrier()

    w = c * 16 + s

    def body(k, _):
        pltpu.sync_copy(dst2.at[w * (NCHUNK // 32) + k], idxb)
        pltpu.sync_copy(ones16, acc16.at[idxb], add=True)
        return 0
    lax.fori_loop(0, NCHUNK // 32, body, 0)
    plsc.subcore_barrier()
    pltpu.sync_copy(acc16.at[pl.ds(s * ROWS_PER_SUB, ROWS_PER_SUB)],
                    hist.at[c, pl.ds(s * ROWS_PER_SUB, ROWS_PER_SUB)])


def _deg_call(dst2):
    return pl.kernel(
        _deg_body,
        out_type=jax.ShapeDtypeStruct((2, NP, 16), _f32),
        mesh=_sc_mesh(),
        scratch_types=[
            pltpu.VMEM_SHARED((NP, 16), _f32),
            pltpu.VMEM((CK,), jnp.int32),
            pltpu.VMEM((CK, 16), _f32),
            pltpu.VMEM((CK, 16), _f32),
        ],
    )(dst2)


def _edge_body(edges5, xs, out, acc,
               sd00, sd01, sd10, sd11,
               rows0, rows1,
               gsem0, gsem1, isem0, isem1):
    c = lax.axis_index("c")
    s = lax.axis_index("s")
    rows = (rows0, rows1)
    sds = ((sd00, sd01), (sd10, sd11))
    gsems = (gsem0, gsem1)
    isems = (isem0, isem1)

    def fz(i, _):
        rows0[i // 8, pl.ds((i % 8) * 16, 16)] = jnp.zeros((16,), _f32)
        return 0
    lax.fori_loop(0, EK * 8, fz, 0)

    def zero(i, _):
        pltpu.sync_copy(rows0, acc.at[pl.ds(s * ROWS_PER_SUB + i * EK, EK)])
        return 0
    lax.fori_loop(0, ROWS_PER_SUB // EK, zero, 0)
    if ROWS_PER_SUB % EK:
        pltpu.sync_copy(
            rows0.at[pl.ds(0, ROWS_PER_SUB % EK)],
            acc.at[pl.ds(s * ROWS_PER_SUB + (ROWS_PER_SUB // EK) * EK,
                         ROWS_PER_SUB % EK)])
    plsc.subcore_barrier()

    def fire(sd, j):
        pltpu.async_copy(xs.at[sd.at[0]], rows[j], gsems[j])

    def drain_gather(j):
        pltpu.make_async_copy(xs.at[pl.ds(0, EK)], rows[j], gsems[j]).wait()

    def prefetch_idx(k, sd, j):
        pltpu.async_copy(edges5.at[c, s, k], sd, isems[j])

    def wait_idx(j):
        pltpu.make_async_copy(edges5.at[c, s, 0], sds[0][j],
                              isems[j]).wait()

    for j in range(NBUF):
        pltpu.sync_copy(edges5.at[c, s, j], sds[0][j])
    for j in range(NBUF):
        prefetch_idx(NBUF + j, sds[1][j], j)
    for j in range(NBUF):
        fire(sds[0][j], j)

    def body(i, _):
        for p in range(2):
            for j in range(NBUF):
                k = i * 2 * NBUF + p * NBUF + j
                drain_gather(j)
                pltpu.sync_copy(rows[j], acc.at[sds[p][j].at[1]], add=True)

                @pl.when(k + NBUF < NCKS)
                def _():
                    wait_idx(j)
                    fire(sds[1 - p][j], j)

                @pl.when(k + 2 * NBUF < NCKS)
                def _():
                    prefetch_idx(k + 2 * NBUF, sds[p][j], j)
        return 0
    lax.fori_loop(0, NCKS // (2 * NBUF), body, 0)
    plsc.subcore_barrier()
    pltpu.sync_copy(acc.at[pl.ds(s * ROWS_PER_SUB, ROWS_PER_SUB)],
                    out.at[c, pl.ds(s * ROWS_PER_SUB, ROWS_PER_SUB)])


def _edge_call(edges5, xs):
    return pl.kernel(
        _edge_body,
        out_type=jax.ShapeDtypeStruct((2, NP, DH), _f32),
        mesh=_sc_mesh(),
        scratch_types=[
            pltpu.VMEM_SHARED((NP, DH), _f32),
            pltpu.VMEM((2, EK), jnp.int32),
            pltpu.VMEM((2, EK), jnp.int32),
            pltpu.VMEM((2, EK), jnp.int32),
            pltpu.VMEM((2, EK), jnp.int32),
            pltpu.VMEM((EK, DH), _f32),
            pltpu.VMEM((EK, DH), _f32),
            pltpu.SemaphoreType.DMA,
            pltpu.SemaphoreType.DMA,
            pltpu.SemaphoreType.DMA,
            pltpu.SemaphoreType.DMA,
        ],
    )(edges5, xs)


def kernel(xc, yc, xt, pos, edge_index, enc_w0, enc_b0, enc_w1, enc_b1,
           enc_w2, enc_b2, gcn_w, gcn_b, dec_w0, dec_b0, dec_w1, dec_b1,
           dec_w2, dec_b2):
    posp = (jnp.zeros((NP, 8), _f32).at[:N, :3].set(pos)
            .at[N:, :3].set(1e4))
    xcp = jnp.zeros((B, NC, 8), _f32).at[:, :, :3].set(xc)
    cin = xcp.at[:, :, 3:7].set(yc)
    xtp = jnp.zeros((B, NT, 8), _f32).at[:, :, :3].set(xt)
    w0p = jnp.zeros((8, DH), _f32).at[:7].set(enc_w0)
    wh = gcn_w[:DH]
    wp = jnp.zeros((8, DH), _f32).at[:3].set(gcn_w[DH:])
    d0z = dec_w0[:DH]
    d0x = jnp.zeros((8, DH), _f32).at[:3].set(dec_w0[DH:])
    d2p = jnp.zeros((DH, DH), _f32).at[:, :4].set(dec_w2)
    db2p = jnp.zeros((DH,), _f32).at[:4].set(dec_b2)
    src = edge_index[0]
    dst = edge_index[1]
    srcp = jnp.concatenate([src, jnp.zeros((EPAD - E,), jnp.int32)])
    dstp = jnp.concatenate([dst, jnp.full((EPAD - E,), NP - 1, jnp.int32)])
    edges5 = jnp.stack([
        jnp.stack([srcp.reshape(16, NCKS, EK),
                   dstp.reshape(16, NCKS, EK)], axis=2),
        jnp.stack([(srcp + NP).reshape(16, NCKS, EK),
                   dstp.reshape(16, NCKS, EK)], axis=2),
    ])
    dst2 = dst.reshape(NCHUNK, CK)
    pos2 = jnp.tile(posp, (B, 1))

    histp = _deg_call(dst2)
    xs = _enc_call(xcp, cin, posp, histp, wh, wp, w0p, enc_b0, enc_w1,
                   enc_b1, enc_w2, enc_b2).reshape(B * NP, DH)
    acc = None
    for step in range(STEPS):
        acc = _edge_call(edges5, xs)
        if step < STEPS - 1:
            xs = _comb_call(acc.reshape(B * NP, DH), xs, pos2, histp,
                            gcn_b, wh, wp)
    out = _dec_call(xtp, posp, acc, xs.reshape(B, NP, DH), histp, gcn_b,
                    d0z, d0x, dec_b0, dec_w1, dec_b1, d2p, db2p)
    return out[:, :, :4]

# --- scband reference (transcript-rebuilt; emitter-appended) ---
"""Pipeline reference for scband-genpyg-14087492730938 (READ-ONLY COPY).

The authoritative reference and input builder live on the scoring server;
editing this copy changes nothing except your own understanding.
"""

import jax, jax.numpy as jnp
import numpy as np

N = 10000
E = 320000
B = 2
NC = 1024
NT = 1024
DX = 3
DYC = 4
DYT = 4
DH = 128
STEPS = 3


def _lin(k, fi, fo):
    s = 1.0 / np.sqrt(fi)
    kw, kb = jax.random.split(k)
    w = jax.random.uniform(kw, (fi, fo), minval=-s, maxval=s, dtype=jnp.float32)
    b = jax.random.uniform(kb, (fo,), minval=-s, maxval=s, dtype=jnp.float32)
    return w, b


def setup_inputs(seed: int = 0) -> dict:
    key = jax.random.key(seed)
    ks = jax.random.split(key, 16)
    inp = {}
    inp['xc'] = jax.random.normal(ks[0], (B, NC, DX), dtype=jnp.float32)
    inp['yc'] = jax.random.normal(ks[1], (B, NC, DYC), dtype=jnp.float32)
    inp['xt'] = jax.random.normal(ks[2], (B, NT, DX), dtype=jnp.float32)
    inp['pos'] = jax.random.normal(ks[3], (N, DX), dtype=jnp.float32)
    inp['edge_index'] = jax.random.randint(ks[4], (2, E), 0, N, dtype=jnp.int32)
    enc_dims = [DX + DYC, DH, DH, DH]
    for i in range(3):
        w, b = _lin(ks[5 + i], enc_dims[i], enc_dims[i + 1])
        inp['enc_w%d' % i] = w
        inp['enc_b%d' % i] = b
    w, b = _lin(ks[8], DH + DX, DH)
    inp['gcn_w'] = w
    inp['gcn_b'] = b
    dec_dims = [DH + DX, DH, DH, DYT]
    for i in range(3):
        w, b = _lin(ks[9 + i], dec_dims[i], dec_dims[i + 1])
        inp['dec_w%d' % i] = w
        inp['dec_b%d' % i] = b
    return inp


def _mlp(x, params):
    n = len(params)
    for i, (w, b) in enumerate(params):
        x = x @ w + b
        if i < n - 1:
            x = jax.nn.relu(x)
    return x


def _scores(x, pos):
    # softmax over graph nodes of negative squared distance (soft assignment)
    d2 = (jnp.sum(x * x, axis=-1)[:, :, None]
          + jnp.sum(pos * pos, axis=-1)[None, None, :]
          - 2.0 * jnp.einsum('bcd,nd->bcn', x, pos))
    return jax.nn.softmax(-d2, axis=-1)


def _gcn(x, src, dst, w, b, n):
    # GCNConv: add self loops, symmetric degree normalization, linear, scatter-add
    xw = x @ w
    deg = jnp.zeros((n,), jnp.float32).at[dst].add(1.0)
    dinv = jnp.where(deg > 0, jax.lax.rsqrt(deg), 0.0)
    coef = (dinv[src] * dinv[dst])[:, None]
    out = jnp.zeros((n, w.shape[1]), jnp.float32).at[dst].add(xw[src] * coef)
    return out + b


def reference(xc, yc, xt, pos, edge_index, enc_w0, enc_b0, enc_w1, enc_b1, enc_w2, enc_b2, gcn_w, gcn_b, dec_w0, dec_b0, dec_w1, dec_b1, dec_w2, dec_b2):
    enc = [(enc_w0, enc_b0), (enc_w1, enc_b1), (enc_w2, enc_b2)]
    dec = [(dec_w0, dec_b0), (dec_w1, dec_b1), (dec_w2, dec_b2)]
    b_sz = xc.shape[0]
    sc = _scores(xc, pos)                                  # [B, NC, N]
    emb = _mlp(jnp.concatenate([xc, yc], axis=-1), enc)    # [B, NC, DH]
    latents = jnp.einsum('bcn,bch->bnh', sc, emb)          # [B, N, DH]
    x = latents.reshape(b_sz * N, DH)
    pos_b = jnp.tile(pos, (b_sz, 1))                       # [B*N, DX]
    offs = (jnp.arange(b_sz, dtype=edge_index.dtype) * N)[None, :, None]
    ei = (edge_index[:, None, :] + offs).reshape(2, -1)    # batched disjoint graphs
    loop = jnp.arange(b_sz * N, dtype=ei.dtype)            # self loops
    src = jnp.concatenate([ei[0], loop])
    dst = jnp.concatenate([ei[1], loop])
    for _ in range(STEPS):  # share_blocks=True -> same weights every step
        x = _gcn(jnp.concatenate([x, pos_b], axis=-1), src, dst, gcn_w, gcn_b, b_sz * N)
    latents = x.reshape(b_sz, N, DH)
    st = _scores(xt, pos)                                  # [B, NT, N]
    z = jnp.einsum('btn,bnh->bth', st, latents)            # [B, NT, DH]
    z = jnp.concatenate([z, xt], axis=-1)
    return _mlp(z, dec)                                    # [B, NT, DYT]

if __name__ == "__main__":
    import jax
    _d = setup_inputs()
    print(jax.jit(kernel)(*tuple(_d.values())))

</pallas_src>

<mosaic_0001>
#map = affine_map<(d0, d1) -> (0, 0, 0, 0, 0)>
#map1 = affine_map<(d0, d1) -> (0, 0)>
#map2 = affine_map<(d0, d1) -> (0, 0, 0)>
module attributes {stable_mosaic.version = 14 : i64} {
  func.func @_edge_body(%arg0: i32, %arg1: i32, %arg2: memref<2x16x160x2x128xi32, #tpu.memory_space<hbm>>, %arg3: memref<20480x128xf32, #tpu.memory_space<hbm>>, %arg4: memref<2x10240x128xf32, #tpu.memory_space<hbm>>, %arg5: memref<10240x128xf32, #tpu.memory_space<vmem_shared>>, %arg6: memref<2x128xi32, #tpu.memory_space<vmem>>, %arg7: memref<2x128xi32, #tpu.memory_space<vmem>>, %arg8: memref<2x128xi32, #tpu.memory_space<vmem>>, %arg9: memref<2x128xi32, #tpu.memory_space<vmem>>, %arg10: memref<128x128xf32, #tpu.memory_space<vmem>>, %arg11: memref<128x128xf32, #tpu.memory_space<vmem>>, %arg12: memref<!tpu.dma_semaphore, #tpu.memory_space<semaphore_mem>>, %arg13: memref<!tpu.dma_semaphore, #tpu.memory_space<semaphore_mem>>, %arg14: memref<!tpu.dma_semaphore, #tpu.memory_space<semaphore_mem>>, %arg15: memref<!tpu.dma_semaphore, #tpu.memory_space<semaphore_mem>>) attributes {dimension_semantics = [#tpu.dimension_semantics<core_parallel>, #tpu.dimension_semantics<subcore_parallel>], iteration_bounds = array<i64: 2, 16>, scalar_prefetch = 0 : i64, scratch_operands = 11 : i64, tpu.core_type = #tpu.core_type<sc_vector_subcore>, window_params = [{transform_indices = #map}, {transform_indices = #map1}, {transform_indices = #map2}]} {
    %scan3A = arith.constant 0 : i32
    %scan3A_0 = arith.constant 0 : i32
    %scan3A_1 = arith.constant 1024 : i32
    %scan3A_2 = arith.addi %scan3A_0, %scan3A_1 : i32
    %scan3A_3 = arith.constant 1 : i32
    %scan3A_4 = scf.for %scan3A_56 = %scan3A_0 to %scan3A_2 step %scan3A_3 iter_args(%scan3A_57 = %scan3A) -> (i32)  : i32 {
      %broadcast_in_dim3A = arith.constant 0.000000e+00 : f32
      %broadcast_in_dim3A_58 = vector.broadcast %broadcast_in_dim3A : f32 to vector<16xf32>
      %jit3A = arith.constant 8 : i32
      %div3A = arith.divsi %scan3A_56, %jit3A : i32
      %sign3A = arith.constant 0 : i32
      %sign3A_59 = arith.cmpi sgt, %scan3A_56, %sign3A : i32
      %sign3A_60 = arith.extui %sign3A_59 : i1 to i32
      %sign3A_61 = arith.constant 0 : i32
      %sign3A_62 = arith.cmpi slt, %scan3A_56, %sign3A_61 : i32
      %sign3A_63 = arith.extui %sign3A_62 : i1 to i32
      %sign3A_64 = arith.subi %sign3A_60, %sign3A_63 : i32
      %sign3A_65 = arith.constant 0 : i32
      %sign3A_66 = arith.cmpi sgt, %jit3A, %sign3A_65 : i32
      %sign3A_67 = arith.extui %sign3A_66 : i1 to i32
      %sign3A_68 = arith.constant 0 : i32
      %sign3A_69 = arith.cmpi slt, %jit3A, %sign3A_68 : i32
      %sign3A_70 = arith.extui %sign3A_69 : i1 to i32
      %sign3A_71 = arith.subi %sign3A_67, %sign3A_70 : i32
      %ne3A = arith.cmpi ne, %sign3A_64, %sign3A_71 : i32
      %rem3A = arith.remsi %scan3A_56, %jit3A : i32
      %ne3A_72 = arith.constant 0 : i32
      %ne3A_73 = arith.cmpi ne, %rem3A, %ne3A_72 : i32
      %and3A = arith.andi %ne3A, %ne3A_73 : i1
      %sub3A = arith.constant 1 : i32
      %sub3A_74 = arith.subi %div3A, %sub3A : i32
      %select_n3A = arith.select %and3A, %sub3A_74, %div3A : i32
      %jit3A_75 = arith.constant 8 : i32
      %eq3A = arith.constant 0 : i32
      %eq3A_76 = arith.cmpi eq, %jit3A_75, %eq3A : i32
      %jit3A_77 = arith.constant 1 : i32
      %select_n3A_78 = arith.select %eq3A_76, %jit3A_77, %jit3A_75 : i32
      %rem3A_79 = arith.remsi %scan3A_56, %select_n3A_78 : i32
      %ne3A_80 = arith.constant 0 : i32
      %ne3A_81 = arith.cmpi ne, %rem3A_79, %ne3A_80 : i32
      %lt3A = arith.constant 0 : i32
      %lt3A_82 = arith.cmpi slt, %rem3A_79, %lt3A : i32
      %lt3A_83 = arith.constant 0 : i32
      %lt3A_84 = arith.cmpi slt, %select_n3A_78, %lt3A_83 : i32
      %ne3A_85 = arith.xori %lt3A_82, %lt3A_84 : i1
      %and3A_86 = arith.andi %ne3A_85, %ne3A_81 : i1
      %add3A = arith.addi %rem3A_79, %select_n3A_78 : i32
      %select_n3A_87 = arith.select %and3A_86, %add3A, %rem3A_79 : i32
      %mul3A_88 = arith.constant 16 : i32
      %mul3A_89 = arith.muli %select_n3A_87, %mul3A_88 : i32
      %swap3A = arith.index_cast %select_n3A : i32 to index
      %swap3A_90 = arith.index_cast %mul3A_89 : i32 to index
      %swap3A_91 = tpu.vector_load %arg10[%swap3A, %swap3A_90] {strides = array<i32>} : memref<128x128xf32, #tpu.memory_space<vmem>>, vector<1x16xf32>,
      %swap3A_92 = vector.shape_cast %swap3A_91 : vector<1x16xf32> to vector<16xf32>
      %swap3A_93 = vector.shape_cast %broadcast_in_dim3A_58 : vector<16xf32> to vector<1x16xf32>
      tpu.vector_store %arg10[%swap3A, %swap3A_90], %swap3A_93 {strides = array<i32>} : memref<128x128xf32, #tpu.memory_space<vmem>>, vector<1x16xf32>,
      %scan3A_94 = arith.constant 0 : i32
      scf.yield %scan3A_94 : i32
    }
    %scan3A_5 = arith.constant 1024 : i32
    %scan3A_6 = arith.constant 0 : i32
    %scan3A_7 = arith.constant 0 : i32
    %scan3A_8 = arith.constant 5 : i32
    %scan3A_9 = arith.addi %scan3A_7, %scan3A_8 : i32
    %scan3A_10 = arith.constant 1 : i32
    %scan3A_11 = scf.for %scan3A_56 = %scan3A_7 to %scan3A_9 step %scan3A_10 iter_args(%scan3A_57 = %scan3A_6) -> (i32)  : i32 {
      %mul3A_58 = arith.constant 640 : i32
      %mul3A_59 = arith.muli %arg1, %mul3A_58 : i32
      %mul3A_60 = arith.constant 128 : i32
      %mul3A_61 = arith.muli %scan3A_56, %mul3A_60 : i32
      %add3A = arith.addi %mul3A_59, %mul3A_61 : i32
      "tpu.region"() ({
        %run_scoped3A_63 = tpu.sem_alloc : memref<!tpu.dma_semaphore, #tpu.memory_space<semaphore_mem>>
        %dma_start3A_64 = arith.constant 0 : i32
        %dma_start3A_65 = tpu.memref_slice %arg5[%add3A, %dma_start3A_64] : memref<10240x128xf32, #tpu.memory_space<vmem_shared>> -> memref<128x128xf32, #tpu.memory_space<vmem_shared>>
        %dma_start3A_66 = arith.constant 0 : i32
        %dma_start3A_67 = tpu.memref_slice %arg5[%add3A, %dma_start3A_66] : memref<10240x128xf32, #tpu.memory_space<vmem_shared>> -> memref<128x128xf32, #tpu.memory_space<vmem_shared>>
        tpu.enqueue_dma source(%arg10 : memref<128x128xf32, #tpu.memory_space<vmem>>) target(%dma_start3A_67 : memref<128x128xf32, #tpu.memory_space<vmem_shared>>) target_semaphore(%run_scoped3A_63 : memref<!tpu.dma_semaphore, #tpu.memory_space<semaphore_mem>>)
        %dma_wait3A = arith.constant 0 : i32
        %dma_wait3A_68 = tpu.memref_slice %arg5[%add3A, %dma_wait3A] : memref<10240x128xf32, #tpu.memory_space<vmem_shared>> -> memref<128x128xf32, #tpu.memory_space<vmem_shared>>
        %dma_wait3A_69 = arith.constant 0 : i32
        %dma_wait3A_70 = tpu.memref_slice %arg5[%add3A, %dma_wait3A_69] : memref<10240x128xf32, #tpu.memory_space<vmem_shared>> -> memref<128x128xf32, #tpu.memory_space<vmem_shared>>
        tpu.wait_dma2 semaphore(%run_scoped3A_63 : memref<!tpu.dma_semaphore, #tpu.memory_space<semaphore_mem>>) src(%arg10 : memref<128x128xf32, #tpu.memory_space<vmem>>) dst(%dma_wait3A_70 : memref<128x128xf32, #tpu.memory_space<vmem_shared>>)
        tpu.yield
      }) : () -> ()
      %scan3A_62 = arith.constant 0 : i32
      scf.yield %scan3A_62 : i32
    }
    %scan3A_12 = arith.constant 5 : i32
    %barrier3A = arith.constant 0 : index
    tpu.barrier barrier_id(%barrier3A)
    %run_scoped3A = arith.constant 0 : i32
    "tpu.region"() ({
      %run_scoped3A_56 = tpu.sem_alloc : memref<!tpu.dma_semaphore, #tpu.memory_space<semaphore_mem>>
      %dma_start3A_57 = arith.constant 0 : i32
      %dma_start3A_58 = arith.constant 0 : i32
      %dma_start3A_59 = tpu.memref_slice %arg2[%arg0, %arg1, %run_scoped3A, %dma_start3A_57, %dma_start3A_58] : memref<2x16x160x2x128xi32, #tpu.memory_space<hbm>> -> memref<1x1x1x2x128xi32, #tpu.memory_space<hbm>>
      %dma_start3A_60 = tpu.memref_squeeze %dma_start3A_59 : memref<1x1x1x2x128xi32, #tpu.memory_space<hbm>> -> memref<2x128xi32, #tpu.memory_space<hbm>>
      %dma_start3A_61 = arith.constant 0 : i32
      %dma_start3A_62 = arith.constant 0 : i32
      %dma_start3A_63 = tpu.memref_slice %arg2[%arg0, %arg1, %run_scoped3A, %dma_start3A_61, %dma_start3A_62] : memref<2x16x160x2x128xi32, #tpu.memory_space<hbm>> -> memref<1x1x1x2x128xi32, #tpu.memory_space<hbm>>
      %dma_start3A_64 = tpu.memref_squeeze %dma_start3A_63 : memref<1x1x1x2x128xi32, #tpu.memory_space<hbm>> -> memref<2x128xi32, #tpu.memory_space<hbm>>
      tpu.enqueue_dma source(%dma_start3A_64 : memref<2x128xi32, #tpu.memory_space<hbm>>) target(%arg6 : memref<2x128xi32, #tpu.memory_space<vmem>>) target_semaphore(%run_scoped3A_56 : memref<!tpu.dma_semaphore, #tpu.memory_space<semaphore_mem>>)
      %dma_wait3A = arith.constant 0 : i32
      %dma_wait3A_65 = arith.constant 0 : i32
      %dma_wait3A_66 = tpu.memref_slice %arg2[%arg0, %arg1, %run_scoped3A, %dma_wait3A, %dma_wait3A_65] : memref<2x16x160x2x128xi32, #tpu.memory_space<hbm>> -> memref<1x1x1x2x128xi32, #tpu.memory_space<hbm>>
      %dma_wait3A_67 = tpu.memref_squeeze %dma_wait3A_66 : memref<1x1x1x2x128xi32, #tpu.memory_space<hbm>> -> memref<2x128xi32, #tpu.memory_space<hbm>>
      %dma_wait3A_68 = arith.constant 0 : i32
      %dma_wait3A_69 = arith.constant 0 : i32
      %dma_wait3A_70 = tpu.memref_slice %arg2[%arg0, %arg1, %run_scoped3A, %dma_wait3A_68, %dma_wait3A_69] : memref<2x16x160x2x128xi32, #tpu.memory_space<hbm>> -> memref<1x1x1x2x128xi32, #tpu.memory_space<hbm>>
      %dma_wait3A_71 = tpu.memref_squeeze %dma_wait3A_70 : memref<1x1x1x2x128xi32, #tpu.memory_space<hbm>> -> memref<2x128xi32, #tpu.memory_space<hbm>>
      tpu.wait_dma2 semaphore(%run_scoped3A_56 : memref<!tpu.dma_semaphore, #tpu.memory_space<semaphore_mem>>) src(%dma_wait3A_71 : memref<2x128xi32, #tpu.memory_space<hbm>>) dst(%arg6 : memref<2x128xi32, #tpu.memory_space<vmem>>)
      tpu.yield
    }) : () -> ()
    %run_scoped3A_13 = arith.constant 1 : i32
    "tpu.region"() ({
      %run_scoped3A_56 = tpu.sem_alloc : memref<!tpu.dma_semaphore, #tpu.memory_space<semaphore_mem>>
      %dma_start3A_57 = arith.constant 0 : i32
      %dma_start3A_58 = arith.constant 0 : i32
      %dma_start3A_59 = tpu.memref_slice %arg2[%arg0, %arg1, %run_scoped3A_13, %dma_start3A_57, %dma_start3A_58] : memref<2x16x160x2x128xi32, #tpu.memory_space<hbm>> -> memref<1x1x1x2x128xi32, #tpu.memory_space<hbm>>
      %dma_start3A_60 = tpu.memref_squeeze %dma_start3A_59 : memref<1x1x1x2x128xi32, #tpu.memory_space<hbm>> -> memref<2x128xi32, #tpu.memory_space<hbm>>
      %dma_start3A_61 = arith.constant 0 : i32
      %dma_start3A_62 = arith.constant 0 : i32
      %dma_start3A_63 = tpu.memref_slice %arg2[%arg0, %arg1, %run_scoped3A_13, %dma_start3A_61, %dma_start3A_62] : memref<2x16x160x2x128xi32, #tpu.memory_space<hbm>> -> memref<1x1x1x2x128xi32, #tpu.memory_space<hbm>>
      %dma_start3A_64 = tpu.memref_squeeze %dma_start3A_63 : memref<1x1x1x2x128xi32, #tpu.memory_space<hbm>> -> memref<2x128xi32, #tpu.memory_space<hbm>>
      tpu.enqueue_dma source(%dma_start3A_64 : memref<2x128xi32, #tpu.memory_space<hbm>>) target(%arg7 : memref<2x128xi32, #tpu.memory_space<vmem>>) target_semaphore(%run_scoped3A_56 : memref<!tpu.dma_semaphore, #tpu.memory_space<semaphore_mem>>)
      %dma_wait3A = arith.constant 0 : i32
      %dma_wait3A_65 = arith.constant 0 : i32
      %dma_wait3A_66 = tpu.memref_slice %arg2[%arg0, %arg1, %run_scoped3A_13, %dma_wait3A, %dma_wait3A_65] : memref<2x16x160x2x128xi32, #tpu.memory_space<hbm>> -> memref<1x1x1x2x128xi32, #tpu.memory_space<hbm>>
      %dma_wait3A_67 = tpu.memref_squeeze %dma_wait3A_66 : memref<1x1x1x2x128xi32, #tpu.memory_space<hbm>> -> memref<2x128xi32, #tpu.memory_space<hbm>>
      %dma_wait3A_68 = arith.constant 0 : i32
      %dma_wait3A_69 = arith.constant 0 : i32
      %dma_wait3A_70 = tpu.memref_slice %arg2[%arg0, %arg1, %run_scoped3A_13, %dma_wait3A_68, %dma_wait3A_69] : memref<2x16x160x2x128xi32, #tpu.memory_space<hbm>> -> memref<1x1x1x2x128xi32, #tpu.memory_space<hbm>>
      %dma_wait3A_71 = tpu.memref_squeeze %dma_wait3A_70 : memref<1x1x1x2x128xi32, #tpu.memory_space<hbm>> -> memref<2x128xi32, #tpu.memory_space<hbm>>
      tpu.wait_dma2 semaphore(%run_scoped3A_56 : memref<!tpu.dma_semaphore, #tpu.memory_space<semaphore_mem>>) src(%dma_wait3A_71 : memref<2x128xi32, #tpu.memory_space<hbm>>) dst(%arg7 : memref<2x128xi32, #tpu.memory_space<vmem>>)
      tpu.yield
    }) : () -> ()
    %dma_start3A = arith.constant 2 : i32
    %dma_start3A_14 = arith.constant 0 : i32
    %dma_start3A_15 = arith.constant 0 : i32
    %dma_start3A_16 = tpu.memref_slice %arg2[%arg0, %arg1, %dma_start3A, %dma_start3A_14, %dma_start3A_15] : memref<2x16x160x2x128xi32, #tpu.memory_space<hbm>> -> memref<1x1x1x2x128xi32, #tpu.memory_space<hbm>>
    %dma_start3A_17 = tpu.memref_squeeze %dma_start3A_16 : memref<1x1x1x2x128xi32, #tpu.memory_space<hbm>> -> memref<2x128xi32, #tpu.memory_space<hbm>>
    %dma_start3A_18 = arith.constant 0 : i32
    %dma_start3A_19 = arith.constant 0 : i32
    %dma_start3A_20 = tpu.memref_slice %arg2[%arg0, %arg1, %dma_start3A, %dma_start3A_18, %dma_start3A_19] : memref<2x16x160x2x128xi32, #tpu.memory_space<hbm>> -> memref<1x1x1x2x128xi32, #tpu.memory_space<hbm>>
    %dma_start3A_21 = tpu.memref_squeeze %dma_start3A_20 : memref<1x1x1x2x128xi32, #tpu.memory_space<hbm>> -> memref<2x128xi32, #tpu.memory_space<hbm>>
    tpu.enqueue_dma source(%dma_start3A_21 : memref<2x128xi32, #tpu.memory_space<hbm>>) target(%arg8 : memref<2x128xi32, #tpu.memory_space<vmem>>) target_semaphore(%arg14 : memref<!tpu.dma_semaphore, #tpu.memory_space<semaphore_mem>>)
    %dma_start3A_22 = arith.constant 3 : i32
    %dma_start3A_23 = arith.constant 0 : i32
    %dma_start3A_24 = arith.constant 0 : i32
    %dma_start3A_25 = tpu.memref_slice %arg2[%arg0, %arg1, %dma_start3A_22, %dma_start3A_23, %dma_start3A_24] : memref<2x16x160x2x128xi32, #tpu.memory_space<hbm>> -> memref<1x1x1x2x128xi32, #tpu.memory_space<hbm>>
    %dma_start3A_26 = tpu.memref_squeeze %dma_start3A_25 : memref<1x1x1x2x128xi32, #tpu.memory_space<hbm>> -> memref<2x128xi32, #tpu.memory_space<hbm>>
    %dma_start3A_27 = arith.constant 0 : i32
    %dma_start3A_28 = arith.constant 0 : i32
    %dma_start3A_29 = tpu.memref_slice %arg2[%arg0, %arg1, %dma_start3A_22, %dma_start3A_27, %dma_start3A_28] : memref<2x16x160x2x128xi32, #tpu.memory_space<hbm>> -> memref<1x1x1x2x128xi32, #tpu.memory_space<hbm>>
    %dma_start3A_30 = tpu.memref_squeeze %dma_start3A_29 : memref<1x1x1x2x128xi32, #tpu.memory_space<hbm>> -> memref<2x128xi32, #tpu.memory_space<hbm>>
    tpu.enqueue_dma source(%dma_start3A_30 : memref<2x128xi32, #tpu.memory_space<hbm>>) target(%arg9 : memref<2x128xi32, #tpu.memory_space<vmem>>) target_semaphore(%arg15 : memref<!tpu.dma_semaphore, #tpu.memory_space<semaphore_mem>>)
    %dma_start3A_31 = arith.constant 0 : i32
    %dma_start3A_32 = arith.constant 0 : i32
    %dma_start3A_33 = tpu.memref_slice %arg6[%dma_start3A_31, %dma_start3A_32] : memref<2x128xi32, #tpu.memory_space<vmem>> -> memref<1x128xi32, #tpu.memory_space<vmem>>
    %dma_start3A_34 = tpu.memref_squeeze %dma_start3A_33 : memref<1x128xi32, #tpu.memory_space<vmem>> -> memref<128xi32, #tpu.memory_space<vmem>>
    %dma_start3A_35 = arith.constant 0 : i32
    %dma_start3A_36 = arith.constant 0 : i32
    %dma_start3A_37 = tpu.memref_slice %arg3[%dma_start3A_35, %dma_start3A_36] : memref<20480x128xf32, #tpu.memory_space<hbm>> -> memref<20480x128xf32, #tpu.memory_space<hbm>>
    tpu.enqueue_indirect_dma source(%dma_start3A_37 : memref<20480x128xf32, #tpu.memory_space<hbm>>) target(%arg10 : memref<128x128xf32, #tpu.memory_space<vmem>>) offsets(%dma_start3A_34 : memref<128xi32, #tpu.memory_space<vmem>>) semaphore(%arg12 : memref<!tpu.dma_semaphore, #tpu.memory_space<semaphore_mem>>)
    %dma_start3A_38 = arith.constant 0 : i32
    %dma_start3A_39 = arith.constant 0 : i32
    %dma_start3A_40 = tpu.memref_slice %arg7[%dma_start3A_38, %dma_start3A_39] : memref<2x128xi32, #tpu.memory_space<vmem>> -> memref<1x128xi32, #tpu.memory_space<vmem>>
    %dma_start3A_41 = tpu.memref_squeeze %dma_start3A_40 : memref<1x128xi32, #tpu.memory_space<vmem>> -> memref<128xi32, #tpu.memory_space<vmem>>
    %dma_start3A_42 = arith.constant 0 : i32
    %dma_start3A_43 = arith.constant 0 : i32
    %dma_start3A_44 = tpu.memref_slice %arg3[%dma_start3A_42, %dma_start3A_43] : memref<20480x128xf32, #tpu.memory_space<hbm>> -> memref<20480x128xf32, #tpu.memory_space<hbm>>
    tpu.enqueue_indirect_dma source(%dma_start3A_44 : memref<20480x128xf32, #tpu.memory_space<hbm>>) target(%arg11 : memref<128x128xf32, #tpu.memory_space<vmem>>) offsets(%dma_start3A_41 : memref<128xi32, #tpu.memory_space<vmem>>) semaphore(%arg13 : memref<!tpu.dma_semaphore, #tpu.memory_space<semaphore_mem>>)
    %scan3A_45 = arith.constant 0 : i32
    %scan3A_46 = arith.constant 0 : i32
    %scan3A_47 = arith.constant 40 : i32
    %scan3A_48 = arith.addi %scan3A_46, %scan3A_47 : i32
    %scan3A_49 = arith.constant 1 : i32
    %scan3A_50 = scf.for %scan3A_56 = %scan3A_46 to %scan3A_48 step %scan3A_49 iter_args(%scan3A_57 = %scan3A_45) -> (i32)  : i32 {
      %mul3A_58 = arith.constant 2 : i32
      %mul3A_59 = arith.muli %scan3A_56, %mul3A_58 : i32
      %mul3A_60 = arith.constant 2 : i32
      %mul3A_61 = arith.muli %mul3A_59, %mul3A_60 : i32
      %add3A = arith.constant 0 : i32
      %add3A_62 = arith.addi %mul3A_61, %add3A : i32
      %add3A_63 = arith.constant 0 : i32
      %add3A_64 = arith.addi %add3A_62, %add3A_63 : i32
      %dma_wait3A = arith.constant 0 : i32
      %dma_wait3A_65 = arith.constant 0 : i32
      %dma_wait3A_66 = tpu.memref_slice %arg3[%dma_wait3A, %dma_wait3A_65] : memref<20480x128xf32, #tpu.memory_space<hbm>> -> memref<128x128xf32, #tpu.memory_space<hbm>>
      %dma_wait3A_67 = arith.constant 0 : i32
      %dma_wait3A_68 = arith.constant 0 : i32
      %dma_wait3A_69 = tpu.memref_slice %arg3[%dma_wait3A_67, %dma_wait3A_68] : memref<20480x128xf32, #tpu.memory_space<hbm>> -> memref<128x128xf32, #tpu.memory_space<hbm>>
      tpu.wait_dma2 semaphore(%arg12 : memref<!tpu.dma_semaphore, #tpu.memory_space<semaphore_mem>>) src(%dma_wait3A_69 : memref<128x128xf32, #tpu.memory_space<hbm>>) dst(%arg10 : memref<128x128xf32, #tpu.memory_space<vmem>>)
      %run_scoped3A_70 = arith.constant 1 : i32
      "tpu.region"() ({
        %run_scoped3A_170 = tpu.sem_alloc : memref<!tpu.dma_semaphore, #tpu.memory_space<semaphore_mem>>
        %dma_start3A_171 = arith.constant 0 : i32
        %dma_start3A_172 = tpu.memref_slice %arg6[%run_scoped3A_70, %dma_start3A_171] : memref<2x128xi32, #tpu.memory_space<vmem>> -> memref<1x128xi32, #tpu.memory_space<vmem>>
        %dma_start3A_173 = tpu.memref_squeeze %dma_start3A_172 : memref<1x128xi32, #tpu.memory_space<vmem>> -> memref<128xi32, #tpu.memory_space<vmem>>
        %dma_start3A_174 = arith.constant 0 : i32
        %dma_start3A_175 = arith.constant 0 : i32
        %dma_start3A_176 = tpu.memref_slice %arg5[%dma_start3A_174, %dma_start3A_175] : memref<10240x128xf32, #tpu.memory_space<vmem_shared>> -> memref<10240x128xf32, #tpu.memory_space<vmem_shared>>
        tpu.enqueue_indirect_dma source(%arg10 : memref<128x128xf32, #tpu.memory_space<vmem>>) target(%dma_start3A_176 : memref<10240x128xf32, #tpu.memory_space<vmem_shared>>) offsets(%dma_start3A_173 : memref<128xi32, #tpu.memory_space<vmem>>) semaphore(%run_scoped3A_170 : memref<!tpu.dma_semaphore, #tpu.memory_space<semaphore_mem>>) {add = true}
        %dma_wait3A_177 = arith.constant 0 : i32
        %dma_wait3A_178 = tpu.memref_slice %arg6[%run_scoped3A_70, %dma_wait3A_177] : memref<2x128xi32, #tpu.memory_space<vmem>> -> memref<1x128xi32, #tpu.memory_space<vmem>>
        %dma_wait3A_179 = tpu.memref_squeeze %dma_wait3A_178 : memref<1x128xi32, #tpu.memory_space<vmem>> -> memref<128xi32, #tpu.memory_space<vmem>>
        %dma_wait3A_180 = arith.constant 0 : i32
        %dma_wait3A_181 = arith.constant 0 : i32
        %dma_wait3A_182 = tpu.memref_slice %arg5[%dma_wait3A_180, %dma_wait3A_181] : memref<10240x128xf32, #tpu.memory_space<vmem_shared>> -> memref<10240x128xf32, #tpu.memory_space<vmem_shared>>
        tpu.wait_indirect_dma semaphore(%run_scoped3A_170 : memref<!tpu.dma_semaphore, #tpu.memory_space<semaphore_mem>>) src(%arg10 : memref<128x128xf32, #tpu.memory_space<vmem>>) dst(%dma_wait3A_182 : memref<10240x128xf32, #tpu.memory_space<vmem_shared>>)
        tpu.yield
      }) : () -> ()
      %add3A_71 = arith.constant 2 : i32
      %add3A_72 = arith.addi %add3A_64, %add3A_71 : i32
      %lt3A = arith.constant 160 : i32
      %lt3A_73 = arith.cmpi slt, %add3A_72, %lt3A : i32
      %convert_element_type3A = arith.extui %lt3A_73 : i1 to i32
      %cond3A = arith.constant 0 : i32
      %cond3A_74 = arith.cmpi ne, %convert_element_type3A, %cond3A : i32
      scf.if %cond3A_74 {
        %dma_wait3A_170 = arith.constant 0 : i32
        %dma_wait3A_171 = arith.constant 0 : i32
        %dma_wait3A_172 = arith.constant 0 : i32
        %dma_wait3A_173 = tpu.memref_slice %arg2[%arg0, %arg1, %dma_wait3A_170, %dma_wait3A_171, %dma_wait3A_172] : memref<2x16x160x2x128xi32, #tpu.memory_space<hbm>> -> memref<1x1x1x2x128xi32, #tpu.memory_space<hbm>>
        %dma_wait3A_174 = tpu.memref_squeeze %dma_wait3A_173 : memref<1x1x1x2x128xi32, #tpu.memory_space<hbm>> -> memref<2x128xi32, #tpu.memory_space<hbm>>
        %dma_wait3A_175 = arith.constant 0 : i32
        %dma_wait3A_176 = arith.constant 0 : i32
        %dma_wait3A_177 = tpu.memref_slice %arg2[%arg0, %arg1, %dma_wait3A_170, %dma_wait3A_175, %dma_wait3A_176] : memref<2x16x160x2x128xi32, #tpu.memory_space<hbm>> -> memref<1x1x1x2x128xi32, #tpu.memory_space<hbm>>
        %dma_wait3A_178 = tpu.memref_squeeze %dma_wait3A_177 : memref<1x1x1x2x128xi32, #tpu.memory_space<hbm>> -> memref<2x128xi32, #tpu.memory_space<hbm>>
        tpu.wait_dma2 semaphore(%arg14 : memref<!tpu.dma_semaphore, #tpu.memory_space<semaphore_mem>>) src(%dma_wait3A_178 : memref<2x128xi32, #tpu.memory_space<hbm>>) dst(%arg6 : memref<2x128xi32, #tpu.memory_space<vmem>>)
        %dma_start3A_179 = arith.constant 0 : i32
        %dma_start3A_180 = arith.constant 0 : i32
        %dma_start3A_181 = tpu.memref_slice %arg8[%dma_start3A_179, %dma_start3A_180] : memref<2x128xi32, #tpu.memory_space<vmem>> -> memref<1x128xi32, #tpu.memory_space<vmem>>
        %dma_start3A_182 = tpu.memref_squeeze %dma_start3A_181 : memref<1x128xi32, #tpu.memory_space<vmem>> -> memref<128xi32, #tpu.memory_space<vmem>>
        %dma_start3A_183 = arith.constant 0 : i32
        %dma_start3A_184 = arith.constant 0 : i32
        %dma_start3A_185 = tpu.memref_slice %arg3[%dma_start3A_183, %dma_start3A_184] : memref<20480x128xf32, #tpu.memory_space<hbm>> -> memref<20480x128xf32, #tpu.memory_space<hbm>>
        tpu.enqueue_indirect_dma source(%dma_start3A_185 : memref<20480x128xf32, #tpu.memory_space<hbm>>) target(%arg10 : memref<128x128xf32, #tpu.memory_space<vmem>>) offsets(%dma_start3A_182 : memref<128xi32, #tpu.memory_space<vmem>>) semaphore(%arg12 : memref<!tpu.dma_semaphore, #tpu.memory_space<semaphore_mem>>)
      } else {
      }
      %add3A_75 = arith.constant 4 : i32
      %add3A_76 = arith.addi %add3A_64, %add3A_75 : i32
      %lt3A_77 = arith.constant 160 : i32
      %lt3A_78 = arith.cmpi slt, %add3A_76, %lt3A_77 : i32
      %convert_element_type3A_79 = arith.extui %lt3A_78 : i1 to i32
      %cond3A_80 = arith.constant 0 : i32
      %cond3A_81 = arith.cmpi ne, %convert_element_type3A_79, %cond3A_80 : i32
      scf.if %cond3A_81 {
        %add3A_170 = arith.constant 4 : i32
        %add3A_171 = arith.addi %add3A_64, %add3A_170 : i32
        %dma_start3A_172 = arith.constant 0 : i32
        %dma_start3A_173 = arith.constant 0 : i32
        %dma_start3A_174 = tpu.memref_slice %arg2[%arg0, %arg1, %add3A_171, %dma_start3A_172, %dma_start3A_173] : memref<2x16x160x2x128xi32, #tpu.memory_space<hbm>> -> memref<1x1x1x2x128xi32, #tpu.memory_space<hbm>>
        %dma_start3A_175 = tpu.memref_squeeze %dma_start3A_174 : memref<1x1x1x2x128xi32, #tpu.memory_space<hbm>> -> memref<2x128xi32, #tpu.memory_space<hbm>>
        %dma_start3A_176 = arith.constant 0 : i32
        %dma_start3A_177 = arith.constant 0 : i32
        %dma_start3A_178 = tpu.memref_slice %arg2[%arg0, %arg1, %add3A_171, %dma_start3A_176, %dma_start3A_177] : memref<2x16x160x2x128xi32, #tpu.memory_space<hbm>> -> memref<1x1x1x2x128xi32, #tpu.memory_space<hbm>>
        %dma_start3A_179 = tpu.memref_squeeze %dma_start3A_178 : memref<1x1x1x2x128xi32, #tpu.memory_space<hbm>> -> memref<2x128xi32, #tpu.memory_space<hbm>>
        tpu.enqueue_dma source(%dma_start3A_179 : memref<2x128xi32, #tpu.memory_space<hbm>>) target(%arg6 : memref<2x128xi32, #tpu.memory_space<vmem>>) target_semaphore(%arg14 : memref<!tpu.dma_semaphore, #tpu.memory_space<semaphore_mem>>)
      } else {
      }
      %mul3A_82 = arith.constant 2 : i32
      %mul3A_83 = arith.muli %scan3A_56, %mul3A_82 : i32
      %mul3A_84 = arith.constant 2 : i32
      %mul3A_85 = arith.muli %mul3A_83, %mul3A_84 : i32
      %add3A_86 = arith.constant 0 : i32
      %add3A_87 = arith.addi %mul3A_85, %add3A_86 : i32
      %add3A_88 = arith.constant 1 : i32
      %add3A_89 = arith.addi %add3A_87, %add3A_88 : i32
      %dma_wait3A_90 = arith.constant 0 : i32
      %dma_wait3A_91 = arith.constant 0 : i32
      %dma_wait3A_92 = tpu.memref_slice %arg3[%dma_wait3A_90, %dma_wait3A_91] : memref<20480x128xf32, #tpu.memory_space<hbm>> -> memref<128x128xf32, #tpu.memory_space<hbm>>
      %dma_wait3A_93 = arith.constant 0 : i32
      %dma_wait3A_94 = arith.constant 0 : i32
      %dma_wait3A_95 = tpu.memref_slice %arg3[%dma_wait3A_93, %dma_wait3A_94] : memref<20480x128xf32, #tpu.memory_space<hbm>> -> memref<128x128xf32, #tpu.memory_space<hbm>>
      tpu.wait_dma2 semaphore(%arg13 : memref<!tpu.dma_semaphore, #tpu.memory_space<semaphore_mem>>) src(%dma_wait3A_95 : memref<128x128xf32, #tpu.memory_space<hbm>>) dst(%arg11 : memref<128x128xf32, #tpu.memory_space<vmem>>)
      %run_scoped3A_96 = arith.constant 1 : i32
      "tpu.region"() ({
        %run_scoped3A_170 = tpu.sem_alloc : memref<!tpu.dma_semaphore, #tpu.memory_space<semaphore_mem>>
        %dma_start3A_171 = arith.constant 0 : i32
        %dma_start3A_172 = tpu.memref_slice %arg7[%run_scoped3A_96, %dma_start3A_171] : memref<2x128xi32, #tpu.memory_space<vmem>> -> memref<1x128xi32, #tpu.memory_space<vmem>>
        %dma_start3A_173 = tpu.memref_squeeze %dma_start3A_172 : memref<1x128xi32, #tpu.memory_space<vmem>> -> memref<128xi32, #tpu.memory_space<vmem>>
        %dma_start3A_174 = arith.constant 0 : i32
        %dma_start3A_175 = arith.constant 0 : i32
        %dma_start3A_176 = tpu.memref_slice %arg5[%dma_start3A_174, %dma_start3A_175] : memref<10240x128xf32, #tpu.memory_space<vmem_shared>> -> memref<10240x128xf32, #tpu.memory_space<vmem_shared>>
        tpu.enqueue_indirect_dma source(%arg11 : memref<128x128xf32, #tpu.memory_space<vmem>>) target(%dma_start3A_176 : memref<10240x128xf32, #tpu.memory_space<vmem_shared>>) offsets(%dma_start3A_173 : memref<128xi32, #tpu.memory_space<vmem>>) semaphore(%run_scoped3A_170 : memref<!tpu.dma_semaphore, #tpu.memory_space<semaphore_mem>>) {add = true}
        %dma_wait3A_177 = arith.constant 0 : i32
        %dma_wait3A_178 = tpu.memref_slice %arg7[%run_scoped3A_96, %dma_wait3A_177] : memref<2x128xi32, #tpu.memory_space<vmem>> -> memref<1x128xi32, #tpu.memory_space<vmem>>
        %dma_wait3A_179 = tpu.memref_squeeze %dma_wait3A_178 : memref<1x128xi32, #tpu.memory_space<vmem>> -> memref<128xi32, #tpu.memory_space<vmem>>
        %dma_wait3A_180 = arith.constant 0 : i32
        %dma_wait3A_181 = arith.constant 0 : i32
        %dma_wait3A_182 = tpu.memref_slice %arg5[%dma_wait3A_180, %dma_wait3A_181] : memref<10240x128xf32, #tpu.memory_space<vmem_shared>> -> memref<10240x128xf32, #tpu.memory_space<vmem_shared>>
        tpu.wait_indirect_dma semaphore(%run_scoped3A_170 : memref<!tpu.dma_semaphore, #tpu.memory_space<semaphore_mem>>) src(%arg11 : memref<128x128xf32, #tpu.memory_space<vmem>>) dst(%dma_wait3A_182 : memref<10240x128xf32, #tpu.memory_space<vmem_shared>>)
        tpu.yield
      }) : () -> ()
      %add3A_97 = arith.constant 2 : i32
      %add3A_98 = arith.addi %add3A_89, %add3A_97 : i32
      %lt3A_99 = arith.constant 160 : i32
      %lt3A_100 = arith.cmpi slt, %add3A_98, %lt3A_99 : i32
      %convert_element_type3A_101 = arith.extui %lt3A_100 : i1 to i32
      %cond3A_102 = arith.constant 0 : i32
      %cond3A_103 = arith.cmpi ne, %convert_element_type3A_101, %cond3A_102 : i32
      scf.if %cond3A_103 {
        %dma_wait3A_170 = arith.constant 0 : i32
        %dma_wait3A_171 = arith.constant 0 : i32
        %dma_wait3A_172 = arith.constant 0 : i32
        %dma_wait3A_173 = tpu.memref_slice %arg2[%arg0, %arg1, %dma_wait3A_170, %dma_wait3A_171, %dma_wait3A_172] : memref<2x16x160x2x128xi32, #tpu.memory_space<hbm>> -> memref<1x1x1x2x128xi32, #tpu.memory_space<hbm>>
        %dma_wait3A_174 = tpu.memref_squeeze %dma_wait3A_173 : memref<1x1x1x2x128xi32, #tpu.memory_space<hbm>> -> memref<2x128xi32, #tpu.memory_space<hbm>>
        %dma_wait3A_175 = arith.constant 0 : i32
        %dma_wait3A_176 = arith.constant 0 : i32
        %dma_wait3A_177 = tpu.memref_slice %arg2[%arg0, %arg1, %dma_wait3A_170, %dma_wait3A_175, %dma_wait3A_176] : memref<2x16x160x2x128xi32, #tpu.memory_space<hbm>> -> memref<1x1x1x2x128xi32, #tpu.memory_space<hbm>>
        %dma_wait3A_178 = tpu.memref_squeeze %dma_wait3A_177 : memref<1x1x1x2x128xi32, #tpu.memory_space<hbm>> -> memref<2x128xi32, #tpu.memory_space<hbm>>
        tpu.wait_dma2 semaphore(%arg15 : memref<!tpu.dma_semaphore, #tpu.memory_space<semaphore_mem>>) src(%dma_wait3A_178 : memref<2x128xi32, #tpu.memory_space<hbm>>) dst(%arg7 : memref<2x128xi32, #tpu.memory_space<vmem>>)
        %dma_start3A_179 = arith.constant 0 : i32
        %dma_start3A_180 = arith.constant 0 : i32
        %dma_start3A_181 = tpu.memref_slice %arg9[%dma_start3A_179, %dma_start3A_180] : memref<2x128xi32, #tpu.memory_space<vmem>> -> memref<1x128xi32, #tpu.memory_space<vmem>>
        %dma_start3A_182 = tpu.memref_squeeze %dma_start3A_181 : memref<1x128xi32, #tpu.memory_space<vmem>> -> memref<128xi32, #tpu.memory_space<vmem>>
        %dma_start3A_183 = arith.constant 0 : i32
        %dma_start3A_184 = arith.constant 0 : i32
        %dma_start3A_185 = tpu.memref_slice %arg3[%dma_start3A_183, %dma_start3A_184] : memref<20480x128xf32, #tpu.memory_space<hbm>> -> memref<20480x128xf32, #tpu.memory_space<hbm>>
        tpu.enqueue_indirect_dma source(%dma_start3A_185 : memref<20480x128xf32, #tpu.memory_space<hbm>>) target(%arg11 : memref<128x128xf32, #tpu.memory_space<vmem>>) offsets(%dma_start3A_182 : memref<128xi32, #tpu.memory_space<vmem>>) semaphore(%arg13 : memref<!tpu.dma_semaphore, #tpu.memory_space<semaphore_mem>>)
      } else {
      }
      %add3A_104 = arith.constant 4 : i32
      %add3A_105 = arith.addi %add3A_89, %add3A_104 : i32
      %lt3A_106 = arith.constant 160 : i32
      %lt3A_107 = arith.cmpi slt, %add3A_105, %lt3A_106 : i32
      %convert_element_type3A_108 = arith.extui %lt3A_107 : i1 to i32
      %cond3A_109 = arith.constant 0 : i32
      %cond3A_110 = arith.cmpi ne, %convert_element_type3A_108, %cond3A_109 : i32
      scf.if %cond3A_110 {
        %add3A_170 = arith.constant 4 : i32
        %add3A_171 = arith.addi %add3A_89, %add3A_170 : i32
        %dma_start3A_172 = arith.constant 0 : i32
        %dma_start3A_173 = arith.constant 0 : i32
        %dma_start3A_174 = tpu.memref_slice %arg2[%arg0, %arg1, %add3A_171, %dma_start3A_172, %dma_start3A_173] : memref<2x16x160x2x128xi32, #tpu.memory_space<hbm>> -> memref<1x1x1x2x128xi32, #tpu.memory_space<hbm>>
        %dma_start3A_175 = tpu.memref_squeeze %dma_start3A_174 : memref<1x1x1x2x128xi32, #tpu.memory_space<hbm>> -> memref<2x128xi32, #tpu.memory_space<hbm>>
        %dma_start3A_176 = arith.constant 0 : i32
        %dma_start3A_177 = arith.constant 0 : i32
        %dma_start3A_178 = tpu.memref_slice %arg2[%arg0, %arg1, %add3A_171, %dma_start3A_176, %dma_start3A_177] : memref<2x16x160x2x128xi32, #tpu.memory_space<hbm>> -> memref<1x1x1x2x128xi32, #tpu.memory_space<hbm>>
        %dma_start3A_179 = tpu.memref_squeeze %dma_start3A_178 : memref<1x1x1x2x128xi32, #tpu.memory_space<hbm>> -> memref<2x128xi32, #tpu.memory_space<hbm>>
        tpu.enqueue_dma source(%dma_start3A_179 : memref<2x128xi32, #tpu.memory_space<hbm>>) target(%arg7 : memref<2x128xi32, #tpu.memory_space<vmem>>) target_semaphore(%arg15 : memref<!tpu.dma_semaphore, #tpu.memory_space<semaphore_mem>>)
      } else {
      }
      %mul3A_111 = arith.constant 2 : i32
      %mul3A_112 = arith.muli %scan3A_56, %mul3A_111 : i32
      %mul3A_113 = arith.constant 2 : i32
      %mul3A_114 = arith.muli %mul3A_112, %mul3A_113 : i32
      %add3A_115 = arith.constant 2 : i32
      %add3A_116 = arith.addi %mul3A_114, %add3A_115 : i32
      %add3A_117 = arith.constant 0 : i32
      %add3A_118 = arith.addi %add3A_116, %add3A_117 : i32
      %dma_wait3A_119 = arith.constant 0 : i32
      %dma_wait3A_120 = arith.constant 0 : i32
      %dma_wait3A_121 = tpu.memref_slice %arg3[%dma_wait3A_119, %dma_wait3A_120] : memref<20480x128xf32, #tpu.memory_space<hbm>> -> memref<128x128xf32, #tpu.memory_space<hbm>>
      %dma_wait3A_122 = arith.constant 0 : i32
      %dma_wait3A_123 = arith.constant 0 : i32
      %dma_wait3A_124 = tpu.memref_slice %arg3[%dma_wait3A_122, %dma_wait3A_123] : memref<20480x128xf32, #tpu.memory_space<hbm>> -> memref<128x128xf32, #tpu.memory_space<hbm>>
      tpu.wait_dma2 semaphore(%arg12 : memref<!tpu.dma_semaphore, #tpu.memory_space<semaphore_mem>>) src(%dma_wait3A_124 : memref<128x128xf32, #tpu.memory_space<hbm>>) dst(%arg10 : memref<128x128xf32, #tpu.memory_space<vmem>>)
      %run_scoped3A_125 = arith.constant 1 : i32
      "tpu.region"() ({
        %run_scoped3A_170 = tpu.sem_alloc : memref<!tpu.dma_semaphore, #tpu.memory_space<semaphore_mem>>
        %dma_start3A_171 = arith.constant 0 : i32
        %dma_start3A_172 = tpu.memref_slice %arg8[%run_scoped3A_125, %dma_start3A_171] : memref<2x128xi32, #tpu.memory_space<vmem>> -> memref<1x128xi32, #tpu.memory_space<vmem>>
        %dma_start3A_173 = tpu.memref_squeeze %dma_start3A_172 : memref<1x128xi32, #tpu.memory_space<vmem>> -> memref<128xi32, #tpu.memory_space<vmem>>
        %dma_start3A_174 = arith.constant 0 : i32
        %dma_start3A_175 = arith.constant 0 : i32
        %dma_start3A_176 = tpu.memref_slice %arg5[%dma_start3A_174, %dma_start3A_175] : memref<10240x128xf32, #tpu.memory_space<vmem_shared>> -> memref<10240x128xf32, #tpu.memory_space<vmem_shared>>
        tpu.enqueue_indirect_dma source(%arg10 : memref<128x128xf32, #tpu.memory_space<vmem>>) target(%dma_start3A_176 : memref<10240x128xf32, #tpu.memory_space<vmem_shared>>) offsets(%dma_start3A_173 : memref<128xi32, #tpu.memory_space<vmem>>) semaphore(%run_scoped3A_170 : memref<!tpu.dma_semaphore, #tpu.memory_space<semaphore_mem>>) {add = true}
        %dma_wait3A_177 = arith.constant 0 : i32
        %dma_wait3A_178 = tpu.memref_slice %arg8[%run_scoped3A_125, %dma_wait3A_177] : memref<2x128xi32, #tpu.memory_space<vmem>> -> memref<1x128xi32, #tpu.memory_space<vmem>>
        %dma_wait3A_179 = tpu.memref_squeeze %dma_wait3A_178 : memref<1x128xi32, #tpu.memory_space<vmem>> -> memref<128xi32, #tpu.memory_space<vmem>>
        %dma_wait3A_180 = arith.constant 0 : i32
        %dma_wait3A_181 = arith.constant 0 : i32
        %dma_wait3A_182 = tpu.memref_slice %arg5[%dma_wait3A_180, %dma_wait3A_181] : memref<10240x128xf32, #tpu.memory_space<vmem_shared>> -> memref<10240x128xf32, #tpu.memory_space<vmem_shared>>
        tpu.wait_indirect_dma semaphore(%run_scoped3A_170 : memref<!tpu.dma_semaphore, #tpu.memory_space<semaphore_mem>>) src(%arg10 : memref<128x128xf32, #tpu.memory_space<vmem>>) dst(%dma_wait3A_182 : memref<10240x128xf32, #tpu.memory_space<vmem_shared>>)
        tpu.yield
      }) : () -> ()
      %add3A_126 = arith.constant 2 : i32
      %add3A_127 = arith.addi %add3A_118, %add3A_126 : i32
      %lt3A_128 = arith.constant 160 : i32
      %lt3A_129 = arith.cmpi slt, %add3A_127, %lt3A_128 : i32
      %convert_element_type3A_130 = arith.extui %lt3A_129 : i1 to i32
      %cond3A_131 = arith.constant 0 : i32
      %cond3A_132 = arith.cmpi ne, %convert_element_type3A_130, %cond3A_131 : i32
      scf.if %cond3A_132 {
        %dma_wait3A_170 = arith.constant 0 : i32
        %dma_wait3A_171 = arith.constant 0 : i32
        %dma_wait3A_172 = arith.constant 0 : i32
        %dma_wait3A_173 = tpu.memref_slice %arg2[%arg0, %arg1, %dma_wait3A_170, %dma_wait3A_171, %dma_wait3A_172] : memref<2x16x160x2x128xi32, #tpu.memory_space<hbm>> -> memref<1x1x1x2x128xi32, #tpu.memory_space<hbm>>
        %dma_wait3A_174 = tpu.memref_squeeze %dma_wait3A_173 : memref<1x1x1x2x128xi32, #tpu.memory_space<hbm>> -> memref<2x128xi32, #tpu.memory_space<hbm>>
        %dma_wait3A_175 = arith.constant 0 : i32
        %dma_wait3A_176 = arith.constant 0 : i32
        %dma_wait3A_177 = tpu.memref_slice %arg2[%arg0, %arg1, %dma_wait3A_170, %dma_wait3A_175, %dma_wait3A_176] : memref<2x16x160x2x128xi32, #tpu.memory_space<hbm>> -> memref<1x1x1x2x128xi32, #tpu.memory_space<hbm>>
        %dma_wait3A_178 = tpu.memref_squeeze %dma_wait3A_177 : memref<1x1x1x2x128xi32, #tpu.memory_space<hbm>> -> memref<2x128xi32, #tpu.memory_space<hbm>>
        tpu.wait_dma2 semaphore(%arg14 : memref<!tpu.dma_semaphore, #tpu.memory_space<semaphore_mem>>) src(%dma_wait3A_178 : memref<2x128xi32, #tpu.memory_space<hbm>>) dst(%arg6 : memref<2x128xi32, #tpu.memory_space<vmem>>)
        %dma_start3A_179 = arith.constant 0 : i32
        %dma_start3A_180 = arith.constant 0 : i32
        %dma_start3A_181 = tpu.memref_slice %arg6[%dma_start3A_179, %dma_start3A_180] : memref<2x128xi32, #tpu.memory_space<vmem>> -> memref<1x128xi32, #tpu.memory_space<vmem>>
        %dma_start3A_182 = tpu.memref_squeeze %dma_start3A_181 : memref<1x128xi32, #tpu.memory_space<vmem>> -> memref<128xi32, #tpu.memory_space<vmem>>
        %dma_start3A_183 = arith.constant 0 : i32
        %dma_start3A_184 = arith.constant 0 : i32
        %dma_start3A_185 = tpu.memref_slice %arg3[%dma_start3A_183, %dma_start3A_184] : memref<20480x128xf32, #tpu.memory_space<hbm>> -> memref<20480x128xf32, #tpu.memory_space<hbm>>
        tpu.enqueue_indirect_dma source(%dma_start3A_185 : memref<20480x128xf32, #tpu.memory_space<hbm>>) target(%arg10 : memref<128x128xf32, #tpu.memory_space<vmem>>) offsets(%dma_start3A_182 : memref<128xi32, #tpu.memory_space<vmem>>) semaphore(%arg12 : memref<!tpu.dma_semaphore, #tpu.memory_space<semaphore_mem>>)
      } else {
      }
      %add3A_133 = arith.constant 4 : i32
      %add3A_134 = arith.addi %add3A_118, %add3A_133 : i32
      %lt3A_135 = arith.constant 160 : i32
      %lt3A_136 = arith.cmpi slt, %add3A_134, %lt3A_135 : i32
      %convert_element_type3A_137 = arith.extui %lt3A_136 : i1 to i32
      %cond3A_138 = arith.constant 0 : i32
      %cond3A_139 = arith.cmpi ne, %convert_element_type3A_137, %cond3A_138 : i32
      scf.if %cond3A_139 {
        %add3A_170 = arith.constant 4 : i32
        %add3A_171 = arith.addi %add3A_118, %add3A_170 : i32
        %dma_start3A_172 = arith.constant 0 : i32
        %dma_start3A_173 = arith.constant 0 : i32
        %dma_start3A_174 = tpu.memref_slice %arg2[%arg0, %arg1, %add3A_171, %dma_start3A_172, %dma_start3A_173] : memref<2x16x160x2x128xi32, #tpu.memory_space<hbm>> -> memref<1x1x1x2x128xi32, #tpu.memory_space<hbm>>
        %dma_start3A_175 = tpu.memref_squeeze %dma_start3A_174 : memref<1x1x1x2x128xi32, #tpu.memory_space<hbm>> -> memref<2x128xi32, #tpu.memory_space<hbm>>
        %dma_start3A_176 = arith.constant 0 : i32
        %dma_start3A_177 = arith.constant 0 : i32
        %dma_start3A_178 = tpu.memref_slice %arg2[%arg0, %arg1, %add3A_171, %dma_start3A_176, %dma_start3A_177] : memref<2x16x160x2x128xi32, #tpu.memory_space<hbm>> -> memref<1x1x1x2x128xi32, #tpu.memory_space<hbm>>
        %dma_start3A_179 = tpu.memref_squeeze %dma_start3A_178 : memref<1x1x1x2x128xi32, #tpu.memory_space<hbm>> -> memref<2x128xi32, #tpu.memory_space<hbm>>
        tpu.enqueue_dma source(%dma_start3A_179 : memref<2x128xi32, #tpu.memory_space<hbm>>) target(%arg8 : memref<2x128xi32, #tpu.memory_space<vmem>>) target_semaphore(%arg14 : memref<!tpu.dma_semaphore, #tpu.memory_space<semaphore_mem>>)
      } else {
      }
      %mul3A_140 = arith.constant 2 : i32
      %mul3A_141 = arith.muli %scan3A_56, %mul3A_140 : i32
      %mul3A_142 = arith.constant 2 : i32
      %mul3A_143 = arith.muli %mul3A_141, %mul3A_142 : i32
      %add3A_144 = arith.constant 2 : i32
      %add3A_145 = arith.addi %mul3A_143, %add3A_144 : i32
      %add3A_146 = arith.constant 1 : i32
      %add3A_147 = arith.addi %add3A_145, %add3A_146 : i32
      %dma_wait3A_148 = arith.constant 0 : i32
      %dma_wait3A_149 = arith.constant 0 : i32
      %dma_wait3A_150 = tpu.memref_slice %arg3[%dma_wait3A_148, %dma_wait3A_149] : memref<20480x128xf32, #tpu.memory_space<hbm>> -> memref<128x128xf32, #tpu.memory_space<hbm>>
      %dma_wait3A_151 = arith.constant 0 : i32
      %dma_wait3A_152 = arith.constant 0 : i32
      %dma_wait3A_153 = tpu.memref_slice %arg3[%dma_wait3A_151, %dma_wait3A_152] : memref<20480x128xf32, #tpu.memory_space<hbm>> -> memref<128x128xf32, #tpu.memory_space<hbm>>
      tpu.wait_dma2 semaphore(%arg13 : memref<!tpu.dma_semaphore, #tpu.memory_space<semaphore_mem>>) src(%dma_wait3A_153 : memref<128x128xf32, #tpu.memory_space<hbm>>) dst(%arg11 : memref<128x128xf32, #tpu.memory_space<vmem>>)
      %run_scoped3A_154 = arith.constant 1 : i32
      "tpu.region"() ({
        %run_scoped3A_170 = tpu.sem_alloc : memref<!tpu.dma_semaphore, #tpu.memory_space<semaphore_mem>>
        %dma_start3A_171 = arith.constant 0 : i32
        %dma_start3A_172 = tpu.memref_slice %arg9[%run_scoped3A_154, %dma_start3A_171] : memref<2x128xi32, #tpu.memory_space<vmem>> -> memref<1x128xi32, #tpu.memory_space<vmem>>
        %dma_start3A_173 = tpu.memref_squeeze %dma_start3A_172 : memref<1x128xi32, #tpu.memory_space<vmem>> -> memref<128xi32, #tpu.memory_space<vmem>>
        %dma_start3A_174 = arith.constant 0 : i32
        %dma_start3A_175 = arith.constant 0 : i32
        %dma_start3A_176 = tpu.memref_slice %arg5[%dma_start3A_174, %dma_start3A_175] : memref<10240x128xf32, #tpu.memory_space<vmem_shared>> -> memref<10240x128xf32, #tpu.memory_space<vmem_shared>>
        tpu.enqueue_indirect_dma source(%arg11 : memref<128x128xf32, #tpu.memory_space<vmem>>) target(%dma_start3A_176 : memref<10240x128xf32, #tpu.memory_space<vmem_shared>>) offsets(%dma_start3A_173 : memref<128xi32, #tpu.memory_space<vmem>>) semaphore(%run_scoped3A_170 : memref<!tpu.dma_semaphore, #tpu.memory_space<semaphore_mem>>) {add = true}
        %dma_wait3A_177 = arith.constant 0 : i32
        %dma_wait3A_178 = tpu.memref_slice %arg9[%run_scoped3A_154, %dma_wait3A_177] : memref<2x128xi32, #tpu.memory_space<vmem>> -> memref<1x128xi32, #tpu.memory_space<vmem>>
        %dma_wait3A_179 = tpu.memref_squeeze %dma_wait3A_178 : memref<1x128xi32, #tpu.memory_space<vmem>> -> memref<128xi32, #tpu.memory_space<vmem>>
        %dma_wait3A_180 = arith.constant 0 : i32
        %dma_wait3A_181 = arith.constant 0 : i32
        %dma_wait3A_182 = tpu.memref_slice %arg5[%dma_wait3A_180, %dma_wait3A_181] : memref<10240x128xf32, #tpu.memory_space<vmem_shared>> -> memref<10240x128xf32, #tpu.memory_space<vmem_shared>>
        tpu.wait_indirect_dma semaphore(%run_scoped3A_170 : memref<!tpu.dma_semaphore, #tpu.memory_space<semaphore_mem>>) src(%arg11 : memref<128x128xf32, #tpu.memory_space<vmem>>) dst(%dma_wait3A_182 : memref<10240x128xf32, #tpu.memory_space<vmem_shared>>)
        tpu.yield
      }) : () -> ()
      %add3A_155 = arith.constant 2 : i32
      %add3A_156 = arith.addi %add3A_147, %add3A_155 : i32
      %lt3A_157 = arith.constant 160 : i32
      %lt3A_158 = arith.cmpi slt, %add3A_156, %lt3A_157 : i32
      %convert_element_type3A_159 = arith.extui %lt3A_158 : i1 to i32
      %cond3A_160 = arith.constant 0 : i32
      %cond3A_161 = arith.cmpi ne, %convert_element_type3A_159, %cond3A_160 : i32
      scf.if %cond3A_161 {
        %dma_wait3A_170 = arith.constant 0 : i32
        %dma_wait3A_171 = arith.constant 0 : i32
        %dma_wait3A_172 = arith.constant 0 : i32
        %dma_wait3A_173 = tpu.memref_slice %arg2[%arg0, %arg1, %dma_wait3A_170, %dma_wait3A_171, %dma_wait3A_172] : memref<2x16x160x2x128xi32, #tpu.memory_space<hbm>> -> memref<1x1x1x2x128xi32, #tpu.memory_space<hbm>>
        %dma_wait3A_174 = tpu.memref_squeeze %dma_wait3A_173 : memref<1x1x1x2x128xi32, #tpu.memory_space<hbm>> -> memref<2x128xi32, #tpu.memory_space<hbm>>
        %dma_wait3A_175 = arith.constant 0 : i32
        %dma_wait3A_176 = arith.constant 0 : i32
        %dma_wait3A_177 = tpu.memref_slice %arg2[%arg0, %arg1, %dma_wait3A_170, %dma_wait3A_175, %dma_wait3A_176] : memref<2x16x160x2x128xi32, #tpu.memory_space<hbm>> -> memref<1x1x1x2x128xi32, #tpu.memory_space<hbm>>
        %dma_wait3A_178 = tpu.memref_squeeze %dma_wait3A_177 : memref<1x1x1x2x128xi32, #tpu.memory_space<hbm>> -> memref<2x128xi32, #tpu.memory_space<hbm>>
        tpu.wait_dma2 semaphore(%arg15 : memref<!tpu.dma_semaphore, #tpu.memory_space<semaphore_mem>>) src(%dma_wait3A_178 : memref<2x128xi32, #tpu.memory_space<hbm>>) dst(%arg7 : memref<2x128xi32, #tpu.memory_space<vmem>>)
        %dma_start3A_179 = arith.constant 0 : i32
        %dma_start3A_180 = arith.constant 0 : i32
        %dma_start3A_181 = tpu.memref_slice %arg7[%dma_start3A_179, %dma_start3A_180] : memref<2x128xi32, #tpu.memory_space<vmem>> -> memref<1x128xi32, #tpu.memory_space<vmem>>
        %dma_start3A_182 = tpu.memref_squeeze %dma_start3A_181 : memref<1x128xi32, #tpu.memory_space<vmem>> -> memref<128xi32, #tpu.memory_space<vmem>>
        %dma_start3A_183 = arith.constant 0 : i32
        %dma_start3A_184 = arith.constant 0 : i32
        %dma_start3A_185 = tpu.memref_slice %arg3[%dma_start3A_183, %dma_start3A_184] : memref<20480x128xf32, #tpu.memory_space<hbm>> -> memref<20480x128xf32, #tpu.memory_space<hbm>>
        tpu.enqueue_indirect_dma source(%dma_start3A_185 : memref<20480x128xf32, #tpu.memory_space<hbm>>) target(%arg11 : memref<128x128xf32, #tpu.memory_space<vmem>>) offsets(%dma_start3A_182 : memref<128xi32, #tpu.memory_space<vmem>>) semaphore(%arg13 : memref<!tpu.dma_semaphore, #tpu.memory_space<semaphore_mem>>)
      } else {
      }
      %add3A_162 = arith.constant 4 : i32
      %add3A_163 = arith.addi %add3A_147, %add3A_162 : i32
      %lt3A_164 = arith.constant 160 : i32
      %lt3A_165 = arith.cmpi slt, %add3A_163, %lt3A_164 : i32
      %convert_element_type3A_166 = arith.extui %lt3A_165 : i1 to i32
      %cond3A_167 = arith.constant 0 : i32
      %cond3A_168 = arith.cmpi ne, %convert_element_type3A_166, %cond3A_167 : i32
      scf.if %cond3A_168 {
        %add3A_170 = arith.constant 4 : i32
        %add3A_171 = arith.addi %add3A_147, %add3A_170 : i32
        %dma_start3A_172 = arith.constant 0 : i32
        %dma_start3A_173 = arith.constant 0 : i32
        %dma_start3A_174 = tpu.memref_slice %arg2[%arg0, %arg1, %add3A_171, %dma_start3A_172, %dma_start3A_173] : memref<2x16x160x2x128xi32, #tpu.memory_space<hbm>> -> memref<1x1x1x2x128xi32, #tpu.memory_space<hbm>>
        %dma_start3A_175 = tpu.memref_squeeze %dma_start3A_174 : memref<1x1x1x2x128xi32, #tpu.memory_space<hbm>> -> memref<2x128xi32, #tpu.memory_space<hbm>>
        %dma_start3A_176 = arith.constant 0 : i32
        %dma_start3A_177 = arith.constant 0 : i32
        %dma_start3A_178 = tpu.memref_slice %arg2[%arg0, %arg1, %add3A_171, %dma_start3A_176, %dma_start3A_177] : memref<2x16x160x2x128xi32, #tpu.memory_space<hbm>> -> memref<1x1x1x2x128xi32, #tpu.memory_space<hbm>>
        %dma_start3A_179 = tpu.memref_squeeze %dma_start3A_178 : memref<1x1x1x2x128xi32, #tpu.memory_space<hbm>> -> memref<2x128xi32, #tpu.memory_space<hbm>>
        tpu.enqueue_dma source(%dma_start3A_179 : memref<2x128xi32, #tpu.memory_space<hbm>>) target(%arg9 : memref<2x128xi32, #tpu.memory_space<vmem>>) target_semaphore(%arg15 : memref<!tpu.dma_semaphore, #tpu.memory_space<semaphore_mem>>)
      } else {
      }
      %scan3A_169 = arith.constant 0 : i32
      scf.yield %scan3A_169 : i32
    }
    %scan3A_51 = arith.constant 40 : i32
    %barrier3A_52 = arith.constant 0 : index
    tpu.barrier barrier_id(%barrier3A_52)
    %mul3A = arith.constant 640 : i32
    %mul3A_53 = arith.muli %arg1, %mul3A : i32
    %mul3A_54 = arith.constant 640 : i32
    %mul3A_55 = arith.muli %arg1, %mul3A_54 : i32
    "tpu.region"() ({
      %run_scoped3A_56 = tpu.sem_alloc : memref<!tpu.dma_semaphore, #tpu.memory_space<semaphore_mem>>
      %dma_start3A_57 = arith.constant 0 : i32
      %dma_start3A_58 = tpu.memref_slice %arg4[%arg0, %mul3A_55, %dma_start3A_57] : memref<2x10240x128xf32, #tpu.memory_space<hbm>> -> memref<1x640x128xf32, #tpu.memory_space<hbm>>
      %dma_start3A_59 = tpu.memref_squeeze %dma_start3A_58 : memref<1x640x128xf32, #tpu.memory_space<hbm>> -> memref<640x128xf32, #tpu.memory_space<hbm>>
      %dma_start3A_60 = arith.constant 0 : i32
      %dma_start3A_61 = tpu.memref_slice %arg5[%mul3A_53, %dma_start3A_60] : memref<10240x128xf32, #tpu.memory_space<vmem_shared>> -> memref<640x128xf32, #tpu.memory_space<vmem_shared>>
      tpu.enqueue_dma source(%dma_start3A_61 : memref<640x128xf32, #tpu.memory_space<vmem_shared>>) target(%dma_start3A_59 : memref<640x128xf32, #tpu.memory_space<hbm>>) target_semaphore(%run_scoped3A_56 : memref<!tpu.dma_semaphore, #tpu.memory_space<semaphore_mem>>)
      %dma_wait3A = arith.constant 0 : i32
      %dma_wait3A_62 = tpu.memref_slice %arg4[%arg0, %mul3A_55, %dma_wait3A] : memref<2x10240x128xf32, #tpu.memory_space<hbm>> -> memref<1x640x128xf32, #tpu.memory_space<hbm>>
      %dma_wait3A_63 = tpu.memref_squeeze %dma_wait3A_62 : memref<1x640x128xf32, #tpu.memory_space<hbm>> -> memref<640x128xf32, #tpu.memory_space<hbm>>
      %dma_wait3A_64 = arith.constant 0 : i32
      %dma_wait3A_65 = tpu.memref_slice %arg5[%mul3A_53, %dma_wait3A_64] : memref<10240x128xf32, #tpu.memory_space<vmem_shared>> -> memref<640x128xf32, #tpu.memory_space<vmem_shared>>
      tpu.wait_dma2 semaphore(%run_scoped3A_56 : memref<!tpu.dma_semaphore, #tpu.memory_space<semaphore_mem>>) src(%dma_wait3A_65 : memref<640x128xf32, #tpu.memory_space<vmem_shared>>) dst(%dma_wait3A_63 : memref<640x128xf32, #tpu.memory_space<hbm>>)
      tpu.yield
    }) : () -> ()
    return
  }
}

#map = affine_map<(d0, d1) -> (0, 0)>
#map1 = affine_map<(d0, d1) -> (0, 0, 0)>
module attributes {stable_mosaic.version = 14 : i64} {
  func.func @_deg_body(%arg0: i32, %arg1: i32, %arg2: memref<4000x80xi32, #tpu.memory_space<hbm>>, %arg3: memref<2x10240x16xf32, #tpu.memory_space<hbm>>, %arg4: memref<10240x16xf32, #tpu.memory_space<vmem_shared>>, %arg5: memref<80xi32, #tpu.memory_space<vmem>>, %arg6: memref<80x16xf32, #tpu.memory_space<vmem>>, %arg7: memref<80x16xf32, #tpu.memory_space<vmem>>) attributes {dimension_semantics = [#tpu.dimension_semantics<core_parallel>, #tpu.dimension_semantics<subcore_parallel>], iteration_bounds = array<i64: 2, 16>, scalar_prefetch = 0 : i64, scratch_operands = 4 : i64, tpu.core_type = #tpu.core_type<sc_vector_subcore>, window_params = [{transform_indices = #map}, {transform_indices = #map1}]} {
    %scan3A = arith.constant 0 : i32
    %scan3A_0 = arith.constant 0 : i32
    %scan3A_1 = arith.constant 80 : i32
    %scan3A_2 = arith.addi %scan3A_0, %scan3A_1 : i32
    %scan3A_3 = arith.constant 1 : i32
    %scan3A_4 = scf.for %scan3A_26 = %scan3A_0 to %scan3A_2 step %scan3A_3 iter_args(%scan3A_27 = %scan3A) -> (i32)  : i32 {
      %broadcast_in_dim3A = arith.constant 1.000000e+00 : f32
      %broadcast_in_dim3A_28 = vector.broadcast %broadcast_in_dim3A : f32 to vector<16xf32>
      %swap3A = arith.index_cast %scan3A_26 : i32 to index
      %swap3A_29 = arith.constant 0 : index
      %swap3A_30 = tpu.vector_load %arg6[%swap3A, %swap3A_29] {strides = array<i32>} : memref<80x16xf32, #tpu.memory_space<vmem>>, vector<1x16xf32>,
      %swap3A_31 = vector.shape_cast %swap3A_30 : vector<1x16xf32> to vector<16xf32>
      %swap3A_32 = vector.shape_cast %broadcast_in_dim3A_28 : vector<16xf32> to vector<1x16xf32>
      tpu.vector_store %arg6[%swap3A, %swap3A_29], %swap3A_32 {strides = array<i32>} : memref<80x16xf32, #tpu.memory_space<vmem>>, vector<1x16xf32>,
      %broadcast_in_dim3A_33 = arith.constant 0.000000e+00 : f32
      %broadcast_in_dim3A_34 = vector.broadcast %broadcast_in_dim3A_33 : f32 to vector<16xf32>
      %swap3A_35 = arith.index_cast %scan3A_26 : i32 to index
      %swap3A_36 = arith.constant 0 : index
      %swap3A_37 = tpu.vector_load %arg7[%swap3A_35, %swap3A_36] {strides = array<i32>} : memref<80x16xf32, #tpu.memory_space<vmem>>, vector<1x16xf32>,
      %swap3A_38 = vector.shape_cast %swap3A_37 : vector<1x16xf32> to vector<16xf32>
      %swap3A_39 = vector.shape_cast %broadcast_in_dim3A_34 : vector<16xf32> to vector<1x16xf32>
      tpu.vector_store %arg7[%swap3A_35, %swap3A_36], %swap3A_39 {strides = array<i32>} : memref<80x16xf32, #tpu.memory_space<vmem>>, vector<1x16xf32>,
      %scan3A_40 = arith.constant 0 : i32
      scf.yield %scan3A_40 : i32
    }
    %scan3A_5 = arith.constant 80 : i32
    %scan3A_6 = arith.constant 0 : i32
    %scan3A_7 = arith.constant 0 : i32
    %scan3A_8 = arith.constant 8 : i32
    %scan3A_9 = arith.addi %scan3A_7, %scan3A_8 : i32
    %scan3A_10 = arith.constant 1 : i32
    %scan3A_11 = scf.for %scan3A_26 = %scan3A_7 to %scan3A_9 step %scan3A_10 iter_args(%scan3A_27 = %scan3A_6) -> (i32)  : i32 {
      %mul3A_28 = arith.constant 640 : i32
      %mul3A_29 = arith.muli %arg1, %mul3A_28 : i32
      %mul3A_30 = arith.constant 80 : i32
      %mul3A_31 = arith.muli %scan3A_26, %mul3A_30 : i32
      %add3A_32 = arith.addi %mul3A_29, %mul3A_31 : i32
      "tpu.region"() ({
        %run_scoped3A = tpu.sem_alloc : memref<!tpu.dma_semaphore, #tpu.memory_space<semaphore_mem>>
        %dma_start3A = arith.constant 0 : i32
        %dma_start3A_34 = tpu.memref_slice %arg4[%add3A_32, %dma_start3A] : memref<10240x16xf32, #tpu.memory_space<vmem_shared>> -> memref<80x16xf32, #tpu.memory_space<vmem_shared>>
        %dma_start3A_35 = arith.constant 0 : i32
        %dma_start3A_36 = tpu.memref_slice %arg4[%add3A_32, %dma_start3A_35] : memref<10240x16xf32, #tpu.memory_space<vmem_shared>> -> memref<80x16xf32, #tpu.memory_space<vmem_shared>>
        tpu.enqueue_dma source(%arg7 : memref<80x16xf32, #tpu.memory_space<vmem>>) target(%dma_start3A_36 : memref<80x16xf32, #tpu.memory_space<vmem_shared>>) target_semaphore(%run_scoped3A : memref<!tpu.dma_semaphore, #tpu.memory_space<semaphore_mem>>)
        %dma_wait3A = arith.constant 0 : i32
        %dma_wait3A_37 = tpu.memref_slice %arg4[%add3A_32, %dma_wait3A] : memref<10240x16xf32, #tpu.memory_space<vmem_shared>> -> memref<80x16xf32, #tpu.memory_space<vmem_shared>>
        %dma_wait3A_38 = arith.constant 0 : i32
        %dma_wait3A_39 = tpu.memref_slice %arg4[%add3A_32, %dma_wait3A_38] : memref<10240x16xf32, #tpu.memory_space<vmem_shared>> -> memref<80x16xf32, #tpu.memory_space<vmem_shared>>
        tpu.wait_dma2 semaphore(%run_scoped3A : memref<!tpu.dma_semaphore, #tpu.memory_space<semaphore_mem>>) src(%arg7 : memref<80x16xf32, #tpu.memory_space<vmem>>) dst(%dma_wait3A_39 : memref<80x16xf32, #tpu.memory_space<vmem_shared>>)
        tpu.yield
      }) : () -> ()
      %scan3A_33 = arith.constant 0 : i32
      scf.yield %scan3A_33 : i32
    }
    %scan3A_12 = arith.constant 8 : i32
    %barrier3A = arith.constant 0 : index
    tpu.barrier barrier_id(%barrier3A)
    %mul3A = arith.constant 16 : i32
    %mul3A_13 = arith.muli %arg0, %mul3A : i32
    %add3A = arith.addi %mul3A_13, %arg1 : i32
    %scan3A_14 = arith.constant 0 : i32
    %scan3A_15 = arith.constant 0 : i32
    %scan3A_16 = arith.constant 125 : i32
    %scan3A_17 = arith.addi %scan3A_15, %scan3A_16 : i32
    %scan3A_18 = arith.constant 1 : i32
    %scan3A_19 = scf.for %scan3A_26 = %scan3A_15 to %scan3A_17 step %scan3A_18 iter_args(%scan3A_27 = %scan3A_14) -> (i32)  : i32 {
      %mul3A_28 = arith.constant 125 : i32
      %mul3A_29 = arith.muli %add3A, %mul3A_28 : i32
      %add3A_30 = arith.addi %mul3A_29, %scan3A_26 : i32
      "tpu.region"() ({
        %run_scoped3A = tpu.sem_alloc : memref<!tpu.dma_semaphore, #tpu.memory_space<semaphore_mem>>
        %dma_start3A = arith.constant 0 : i32
        %dma_start3A_32 = tpu.memref_slice %arg2[%add3A_30, %dma_start3A] : memref<4000x80xi32, #tpu.memory_space<hbm>> -> memref<1x80xi32, #tpu.memory_space<hbm>>
        %dma_start3A_33 = tpu.memref_squeeze %dma_start3A_32 : memref<1x80xi32, #tpu.memory_space<hbm>> -> memref<80xi32, #tpu.memory_space<hbm>>
        %dma_start3A_34 = arith.constant 0 : i32
        %dma_start3A_35 = tpu.memref_slice %arg2[%add3A_30, %dma_start3A_34] : memref<4000x80xi32, #tpu.memory_space<hbm>> -> memref<1x80xi32, #tpu.memory_space<hbm>>
        %dma_start3A_36 = tpu.memref_squeeze %dma_start3A_35 : memref<1x80xi32, #tpu.memory_space<hbm>> -> memref<80xi32, #tpu.memory_space<hbm>>
        tpu.enqueue_dma source(%dma_start3A_36 : memref<80xi32, #tpu.memory_space<hbm>>) target(%arg5 : memref<80xi32, #tpu.memory_space<vmem>>) target_semaphore(%run_scoped3A : memref<!tpu.dma_semaphore, #tpu.memory_space<semaphore_mem>>)
        %dma_wait3A = arith.constant 0 : i32
        %dma_wait3A_37 = tpu.memref_slice %arg2[%add3A_30, %dma_wait3A] : memref<4000x80xi32, #tpu.memory_space<hbm>> -> memref<1x80xi32, #tpu.memory_space<hbm>>
        %dma_wait3A_38 = tpu.memref_squeeze %dma_wait3A_37 : memref<1x80xi32, #tpu.memory_space<hbm>> -> memref<80xi32, #tpu.memory_space<hbm>>
        %dma_wait3A_39 = arith.constant 0 : i32
        %dma_wait3A_40 = tpu.memref_slice %arg2[%add3A_30, %dma_wait3A_39] : memref<4000x80xi32, #tpu.memory_space<hbm>> -> memref<1x80xi32, #tpu.memory_space<hbm>>
        %dma_wait3A_41 = tpu.memref_squeeze %dma_wait3A_40 : memref<1x80xi32, #tpu.memory_space<hbm>> -> memref<80xi32, #tpu.memory_space<hbm>>
        tpu.wait_dma2 semaphore(%run_scoped3A : memref<!tpu.dma_semaphore, #tpu.memory_space<semaphore_mem>>) src(%dma_wait3A_41 : memref<80xi32, #tpu.memory_space<hbm>>) dst(%arg5 : memref<80xi32, #tpu.memory_space<vmem>>)
        tpu.yield
      }) : () -> ()
      "tpu.region"() ({
        %run_scoped3A = tpu.sem_alloc : memref<!tpu.dma_semaphore, #tpu.memory_space<semaphore_mem>>
        %dma_start3A = arith.constant 0 : i32
        %dma_start3A_32 = arith.constant 0 : i32
        %dma_start3A_33 = tpu.memref_slice %arg4[%dma_start3A, %dma_start3A_32] : memref<10240x16xf32, #tpu.memory_space<vmem_shared>> -> memref<10240x16xf32, #tpu.memory_space<vmem_shared>>
        tpu.enqueue_indirect_dma source(%arg6 : memref<80x16xf32, #tpu.memory_space<vmem>>) target(%dma_start3A_33 : memref<10240x16xf32, #tpu.memory_space<vmem_shared>>) offsets(%arg5 : memref<80xi32, #tpu.memory_space<vmem>>) semaphore(%run_scoped3A : memref<!tpu.dma_semaphore, #tpu.memory_space<semaphore_mem>>) {add = true}
        %dma_wait3A = arith.constant 0 : i32
        %dma_wait3A_34 = arith.constant 0 : i32
        %dma_wait3A_35 = tpu.memref_slice %arg4[%dma_wait3A, %dma_wait3A_34] : memref<10240x16xf32, #tpu.memory_space<vmem_shared>> -> memref<10240x16xf32, #tpu.memory_space<vmem_shared>>
        tpu.wait_indirect_dma semaphore(%run_scoped3A : memref<!tpu.dma_semaphore, #tpu.memory_space<semaphore_mem>>) src(%arg6 : memref<80x16xf32, #tpu.memory_space<vmem>>) dst(%dma_wait3A_35 : memref<10240x16xf32, #tpu.memory_space<vmem_shared>>)
        tpu.yield
      }) : () -> ()
      %scan3A_31 = arith.constant 0 : i32
      scf.yield %scan3A_31 : i32
    }
    %scan3A_20 = arith.constant 125 : i32
    %barrier3A_21 = arith.constant 0 : index
    tpu.barrier barrier_id(%barrier3A_21)
    %mul3A_22 = arith.constant 640 : i32
    %mul3A_23 = arith.muli %arg1, %mul3A_22 : i32
    %mul3A_24 = arith.constant 640 : i32
    %mul3A_25 = arith.muli %arg1, %mul3A_24 : i32
    "tpu.region"() ({
      %run_scoped3A = tpu.sem_alloc : memref<!tpu.dma_semaphore, #tpu.memory_space<semaphore_mem>>
      %dma_start3A = arith.constant 0 : i32
      %dma_start3A_26 = tpu.memref_slice %arg3[%arg0, %mul3A_25, %dma_start3A] : memref<2x10240x16xf32, #tpu.memory_space<hbm>> -> memref<1x640x16xf32, #tpu.memory_space<hbm>>
      %dma_start3A_27 = tpu.memref_squeeze %dma_start3A_26 : memref<1x640x16xf32, #tpu.memory_space<hbm>> -> memref<640x16xf32, #tpu.memory_space<hbm>>
      %dma_start3A_28 = arith.constant 0 : i32
      %dma_start3A_29 = tpu.memref_slice %arg4[%mul3A_23, %dma_start3A_28] : memref<10240x16xf32, #tpu.memory_space<vmem_shared>> -> memref<640x16xf32, #tpu.memory_space<vmem_shared>>
      tpu.enqueue_dma source(%dma_start3A_29 : memref<640x16xf32, #tpu.memory_space<vmem_shared>>) target(%dma_start3A_27 : memref<640x16xf32, #tpu.memory_space<hbm>>) target_semaphore(%run_scoped3A : memref<!tpu.dma_semaphore, #tpu.memory_space<semaphore_mem>>)
      %dma_wait3A = arith.constant 0 : i32
      %dma_wait3A_30 = tpu.memref_slice %arg3[%arg0, %mul3A_25, %dma_wait3A] : memref<2x10240x16xf32, #tpu.memory_space<hbm>> -> memref<1x640x16xf32, #tpu.memory_space<hbm>>
      %dma_wait3A_31 = tpu.memref_squeeze %dma_wait3A_30 : memref<1x640x16xf32, #tpu.memory_space<hbm>> -> memref<640x16xf32, #tpu.memory_space<hbm>>
      %dma_wait3A_32 = arith.constant 0 : i32
      %dma_wait3A_33 = tpu.memref_slice %arg4[%mul3A_23, %dma_wait3A_32] : memref<10240x16xf32, #tpu.memory_space<vmem_shared>> -> memref<640x16xf32, #tpu.memory_space<vmem_shared>>
      tpu.wait_dma2 semaphore(%run_scoped3A : memref<!tpu.dma_semaphore, #tpu.memory_space<semaphore_mem>>) src(%dma_wait3A_33 : memref<640x16xf32, #tpu.memory_space<vmem_shared>>) dst(%dma_wait3A_31 : memref<640x16xf32, #tpu.memory_space<hbm>>)
      tpu.yield
    }) : () -> ()
    return
  }
}

#map = affine_map<(d0, d1) -> (0, 0, 0, 0, 0)>
#map1 = affine_map<(d0, d1) -> (0, 0)>
#map2 = affine_map<(d0, d1) -> (0, 0, 0)>
module attributes {stable_mosaic.version = 14 : i64} {
  func.func @_edge_body(%arg0: i32, %arg1: i32, %arg2: memref<2x16x160x2x128xi32, #tpu.memory_space<hbm>>, %arg3: memref<20480x128xf32, #tpu.memory_space<hbm>>, %arg4: memref<2x10240x128xf32, #tpu.memory_space<hbm>>, %arg5: memref<10240x128xf32, #tpu.memory_space<vmem_shared>>, %arg6: memref<2x128xi32, #tpu.memory_space<vmem>>, %arg7: memref<2x128xi32, #tpu.memory_space<vmem>>, %arg8: memref<2x128xi32, #tpu.memory_space<vmem>>, %arg9: memref<2x128xi32, #tpu.memory_space<vmem>>, %arg10: memref<128x128xf32, #tpu.memory_space<vmem>>, %arg11: memref<128x128xf32, #tpu.memory_space<vmem>>, %arg12: memref<!tpu.dma_semaphore, #tpu.memory_space<semaphore_mem>>, %arg13: memref<!tpu.dma_semaphore, #tpu.memory_space<semaphore_mem>>, %arg14: memref<!tpu.dma_semaphore, #tpu.memory_space<semaphore_mem>>, %arg15: memref<!tpu.dma_semaphore, #tpu.memory_space<semaphore_mem>>) attributes {dimension_semantics = [#tpu.dimension_semantics<core_parallel>, #tpu.dimension_semantics<subcore_parallel>], iteration_bounds = array<i64: 2, 16>, scalar_prefetch = 0 : i64, scratch_operands = 11 : i64, tpu.core_type = #tpu.core_type<sc_vector_subcore>, window_params = [{transform_indices = #map}, {transform_indices = #map1}, {transform_indices = #map2}]} {
    %scan3A = arith.constant 0 : i32
    %scan3A_0 = arith.constant 0 : i32
    %scan3A_1 = arith.constant 1024 : i32
    %scan3A_2 = arith.addi %scan3A_0, %scan3A_1 : i32
    %scan3A_3 = arith.constant 1 : i32
    %scan3A_4 = scf.for %scan3A_56 = %scan3A_0 to %scan3A_2 step %scan3A_3 iter_args(%scan3A_57 = %scan3A) -> (i32)  : i32 {
      %broadcast_in_dim3A = arith.constant 0.000000e+00 : f32
      %broadcast_in_dim3A_58 = vector.broadcast %broadcast_in_dim3A : f32 to vector<16xf32>
      %jit3A = arith.constant 8 : i32
      %div3A = arith.divsi %scan3A_56, %jit3A : i32
      %sign3A = arith.constant 0 : i32
      %sign3A_59 = arith.cmpi sgt, %scan3A_56, %sign3A : i32
      %sign3A_60 = arith.extui %sign3A_59 : i1 to i32
      %sign3A_61 = arith.constant 0 : i32
      %sign3A_62 = arith.cmpi slt, %scan3A_56, %sign3A_61 : i32
      %sign3A_63 = arith.extui %sign3A_62 : i1 to i32
      %sign3A_64 = arith.subi %sign3A_60, %sign3A_63 : i32
      %sign3A_65 = arith.constant 0 : i32
      %sign3A_66 = arith.cmpi sgt, %jit3A, %sign3A_65 : i32
      %sign3A_67 = arith.extui %sign3A_66 : i1 to i32
      %sign3A_68 = arith.constant 0 : i32
      %sign3A_69 = arith.cmpi slt, %jit3A, %sign3A_68 : i32
      %sign3A_70 = arith.extui %sign3A_69 : i1 to i32
      %sign3A_71 = arith.subi %sign3A_67, %sign3A_70 : i32
      %ne3A = arith.cmpi ne, %sign3A_64, %sign3A_71 : i32
      %rem3A = arith.remsi %scan3A_56, %jit3A : i32
      %ne3A_72 = arith.constant 0 : i32
      %ne3A_73 = arith.cmpi ne, %rem3A, %ne3A_72 : i32
      %and3A = arith.andi %ne3A, %ne3A_73 : i1
      %sub3A = arith.constant 1 : i32
      %sub3A_74 = arith.subi %div3A, %sub3A : i32
      %select_n3A = arith.select %and3A, %sub3A_74, %div3A : i32
      %jit3A_75 = arith.constant 8 : i32
      %eq3A = arith.constant 0 : i32
      %eq3A_76 = arith.cmpi eq, %jit3A_75, %eq3A : i32
      %jit3A_77 = arith.constant 1 : i32
      %select_n3A_78 = arith.select %eq3A_76, %jit3A_77, %jit3A_75 : i32
      %rem3A_79 = arith.remsi %scan3A_56, %select_n3A_78 : i32
      %ne3A_80 = arith.constant 0 : i32
      %ne3A_81 = arith.cmpi ne, %rem3A_79, %ne3A_80 : i32
      %lt3A = arith.constant 0 : i32
      %lt3A_82 = arith.cmpi slt, %rem3A_79, %lt3A : i32
      %lt3A_83 = arith.constant 0 : i32
      %lt3A_84 = arith.cmpi slt, %select_n3A_78, %lt3A_83 : i32
      %ne3A_85 = arith.xori %lt3A_82, %lt3A_84 : i1
      %and3A_86 = arith.andi %ne3A_85, %ne3A_81 : i1
      %add3A = arith.addi %rem3A_79, %select_n3A_78 : i32
      %select_n3A_87 = arith.select %and3A_86, %add3A, %rem3A_79 : i32
      %mul3A_88 = arith.constant 16 : i32
      %mul3A_89 = arith.muli %select_n3A_87, %mul3A_88 : i32
      %swap3A = arith.index_cast %select_n3A : i32 to index
      %swap3A_90 = arith.index_cast %mul3A_89 : i32 to index
      %swap3A_91 = tpu.vector_load %arg10[%swap3A, %swap3A_90] {strides = array<i32>} : memref<128x128xf32, #tpu.memory_space<vmem>>, vector<1x16xf32>,
      %swap3A_92 = vector.shape_cast %swap3A_91 : vector<1x16xf32> to vector<16xf32>
      %swap3A_93 = vector.shape_cast %broadcast_in_dim3A_58 : vector<16xf32> to vector<1x16xf32>
      tpu.vector_store %arg10[%swap3A, %swap3A_90], %swap3A_93 {strides = array<i32>} : memref<128x128xf32, #tpu.memory_space<vmem>>, vector<1x16xf32>,
      %scan3A_94 = arith.constant 0 : i32
      scf.yield %scan3A_94 : i32
    }
    %scan3A_5 = arith.constant 1024 : i32
    %scan3A_6 = arith.constant 0 : i32
    %scan3A_7 = arith.constant 0 : i32
    %scan3A_8 = arith.constant 5 : i32
    %scan3A_9 = arith.addi %scan3A_7, %scan3A_8 : i32
    %scan3A_10 = arith.constant 1 : i32
    %scan3A_11 = scf.for %scan3A_56 = %scan3A_7 to %scan3A_9 step %scan3A_10 iter_args(%scan3A_57 = %scan3A_6) -> (i32)  : i32 {
      %mul3A_58 = arith.constant 640 : i32
      %mul3A_59 = arith.muli %arg1, %mul3A_58 : i32
      %mul3A_60 = arith.constant 128 : i32
      %mul3A_61 = arith.muli %scan3A_56, %mul3A_60 : i32
      %add3A = arith.addi %mul3A_59, %mul3A_61 : i32
      "tpu.region"() ({
        %run_scoped3A_63 = tpu.sem_alloc : memref<!tpu.dma_semaphore, #tpu.memory_space<semaphore_mem>>
        %dma_start3A_64 = arith.constant 0 : i32
        %dma_start3A_65 = tpu.memref_slice %arg5[%add3A, %dma_start3A_64] : memref<10240x128xf32, #tpu.memory_space<vmem_shared>> -> memref<128x128xf32, #tpu.memory_space<vmem_shared>>
        %dma_start3A_66 = arith.constant 0 : i32
        %dma_start3A_67 = tpu.memref_slice %arg5[%add3A, %dma_start3A_66] : memref<10240x128xf32, #tpu.memory_space<vmem_shared>> -> memref<128x128xf32, #tpu.memory_space<vmem_shared>>
        tpu.enqueue_dma source(%arg10 : memref<128x128xf32, #tpu.memory_space<vmem>>) target(%dma_start3A_67 : memref<128x128xf32, #tpu.memory_space<vmem_shared>>) target_semaphore(%run_scoped3A_63 : memref<!tpu.dma_semaphore, #tpu.memory_space<semaphore_mem>>)
        %dma_wait3A = arith.constant 0 : i32
        %dma_wait3A_68 = tpu.memref_slice %arg5[%add3A, %dma_wait3A] : memref<10240x128xf32, #tpu.memory_space<vmem_shared>> -> memref<128x128xf32, #tpu.memory_space<vmem_shared>>
        %dma_wait3A_69 = arith.constant 0 : i32
        %dma_wait3A_70 = tpu.memref_slice %arg5[%add3A, %dma_wait3A_69] : memref<10240x128xf32, #tpu.memory_space<vmem_shared>> -> memref<128x128xf32, #tpu.memory_space<vmem_shared>>
        tpu.wait_dma2 semaphore(%run_scoped3A_63 : memref<!tpu.dma_semaphore, #tpu.memory_space<semaphore_mem>>) src(%arg10 : memref<128x128xf32, #tpu.memory_space<vmem>>) dst(%dma_wait3A_70 : memref<128x128xf32, #tpu.memory_space<vmem_shared>>)
        tpu.yield
      }) : () -> ()
      %scan3A_62 = arith.constant 0 : i32
      scf.yield %scan3A_62 : i32
    }
    %scan3A_12 = arith.constant 5 : i32
    %barrier3A = arith.constant 0 : index
    tpu.barrier barrier_id(%barrier3A)
    %run_scoped3A = arith.constant 0 : i32
    "tpu.region"() ({
      %run_scoped3A_56 = tpu.sem_alloc : memref<!tpu.dma_semaphore, #tpu.memory_space<semaphore_mem>>
      %dma_start3A_57 = arith.constant 0 : i32
      %dma_start3A_58 = arith.constant 0 : i32
      %dma_start3A_59 = tpu.memref_slice %arg2[%arg0, %arg1, %run_scoped3A, %dma_start3A_57, %dma_start3A_58] : memref<2x16x160x2x128xi32, #tpu.memory_space<hbm>> -> memref<1x1x1x2x128xi32, #tpu.memory_space<hbm>>
      %dma_start3A_60 = tpu.memref_squeeze %dma_start3A_59 : memref<1x1x1x2x128xi32, #tpu.memory_space<hbm>> -> memref<2x128xi32, #tpu.memory_space<hbm>>
      %dma_start3A_61 = arith.constant 0 : i32
      %dma_start3A_62 = arith.constant 0 : i32
      %dma_start3A_63 = tpu.memref_slice %arg2[%arg0, %arg1, %run_scoped3A, %dma_start3A_61, %dma_start3A_62] : memref<2x16x160x2x128xi32, #tpu.memory_space<hbm>> -> memref<1x1x1x2x128xi32, #tpu.memory_space<hbm>>
      %dma_start3A_64 = tpu.memref_squeeze %dma_start3A_63 : memref<1x1x1x2x128xi32, #tpu.memory_space<hbm>> -> memref<2x128xi32, #tpu.memory_space<hbm>>
      tpu.enqueue_dma source(%dma_start3A_64 : memref<2x128xi32, #tpu.memory_space<hbm>>) target(%arg6 : memref<2x128xi32, #tpu.memory_space<vmem>>) target_semaphore(%run_scoped3A_56 : memref<!tpu.dma_semaphore, #tpu.memory_space<semaphore_mem>>)
      %dma_wait3A = arith.constant 0 : i32
      %dma_wait3A_65 = arith.constant 0 : i32
      %dma_wait3A_66 = tpu.memref_slice %arg2[%arg0, %arg1, %run_scoped3A, %dma_wait3A, %dma_wait3A_65] : memref<2x16x160x2x128xi32, #tpu.memory_space<hbm>> -> memref<1x1x1x2x128xi32, #tpu.memory_space<hbm>>
      %dma_wait3A_67 = tpu.memref_squeeze %dma_wait3A_66 : memref<1x1x1x2x128xi32, #tpu.memory_space<hbm>> -> memref<2x128xi32, #tpu.memory_space<hbm>>
      %dma_wait3A_68 = arith.constant 0 : i32
      %dma_wait3A_69 = arith.constant 0 : i32
      %dma_wait3A_70 = tpu.memref_slice %arg2[%arg0, %arg1, %run_scoped3A, %dma_wait3A_68, %dma_wait3A_69] : memref<2x16x160x2x128xi32, #tpu.memory_space<hbm>> -> memref<1x1x1x2x128xi32, #tpu.memory_space<hbm>>
      %dma_wait3A_71 = tpu.memref_squeeze %dma_wait3A_70 : memref<1x1x1x2x128xi32, #tpu.memory_space<hbm>> -> memref<2x128xi32, #tpu.memory_space<hbm>>
      tpu.wait_dma2 semaphore(%run_scoped3A_56 : memref<!tpu.dma_semaphore, #tpu.memory_space<semaphore_mem>>) src(%dma_wait3A_71 : memref<2x128xi32, #tpu.memory_space<hbm>>) dst(%arg6 : memref<2x128xi32, #tpu.memory_space<vmem>>)
      tpu.yield
    }) : () -> ()
    %run_scoped3A_13 = arith.constant 1 : i32
    "tpu.region"() ({
      %run_scoped3A_56 = tpu.sem_alloc : memref<!tpu.dma_semaphore, #tpu.memory_space<semaphore_mem>>
      %dma_start3A_57 = arith.constant 0 : i32
      %dma_start3A_58 = arith.constant 0 : i32
      %dma_start3A_59 = tpu.memref_slice %arg2[%arg0, %arg1, %run_scoped3A_13, %dma_start3A_57, %dma_start3A_58] : memref<2x16x160x2x128xi32, #tpu.memory_space<hbm>> -> memref<1x1x1x2x128xi32, #tpu.memory_space<hbm>>
      %dma_start3A_60 = tpu.memref_squeeze %dma_start3A_59 : memref<1x1x1x2x128xi32, #tpu.memory_space<hbm>> -> memref<2x128xi32, #tpu.memory_space<hbm>>
      %dma_start3A_61 = arith.constant 0 : i32
      %dma_start3A_62 = arith.constant 0 : i32
      %dma_start3A_63 = tpu.memref_slice %arg2[%arg0, %arg1, %run_scoped3A_13, %dma_start3A_61, %dma_start3A_62] : memref<2x16x160x2x128xi32, #tpu.memory_space<hbm>> -> memref<1x1x1x2x128xi32, #tpu.memory_space<hbm>>
      %dma_start3A_64 = tpu.memref_squeeze %dma_start3A_63 : memref<1x1x1x2x128xi32, #tpu.memory_space<hbm>> -> memref<2x128xi32, #tpu.memory_space<hbm>>
      tpu.enqueue_dma source(%dma_start3A_64 : memref<2x128xi32, #tpu.memory_space<hbm>>) target(%arg7 : memref<2x128xi32, #tpu.memory_space<vmem>>) target_semaphore(%run_scoped3A_56 : memref<!tpu.dma_semaphore, #tpu.memory_space<semaphore_mem>>)
      %dma_wait3A = arith.constant 0 : i32
      %dma_wait3A_65 = arith.constant 0 : i32
      %dma_wait3A_66 = tpu.memref_slice %arg2[%arg0, %arg1, %run_scoped3A_13, %dma_wait3A, %dma_wait3A_65] : memref<2x16x160x2x128xi32, #tpu.memory_space<hbm>> -> memref<1x1x1x2x128xi32, #tpu.memory_space<hbm>>
      %dma_wait3A_67 = tpu.memref_squeeze %dma_wait3A_66 : memref<1x1x1x2x128xi32, #tpu.memory_space<hbm>> -> memref<2x128xi32, #tpu.memory_space<hbm>>
      %dma_wait3A_68 = arith.constant 0 : i32
      %dma_wait3A_69 = arith.constant 0 : i32
      %dma_wait3A_70 = tpu.memref_slice %arg2[%arg0, %arg1, %run_scoped3A_13, %dma_wait3A_68, %dma_wait3A_69] : memref<2x16x160x2x128xi32, #tpu.memory_space<hbm>> -> memref<1x1x1x2x128xi32, #tpu.memory_space<hbm>>
      %dma_wait3A_71 = tpu.memref_squeeze %dma_wait3A_70 : memref<1x1x1x2x128xi32, #tpu.memory_space<hbm>> -> memref<2x128xi32, #tpu.memory_space<hbm>>
      tpu.wait_dma2 semaphore(%run_scoped3A_56 : memref<!tpu.dma_semaphore, #tpu.memory_space<semaphore_mem>>) src(%dma_wait3A_71 : memref<2x128xi32, #tpu.memory_space<hbm>>) dst(%arg7 : memref<2x128xi32, #tpu.memory_space<vmem>>)
      tpu.yield
    }) : () -> ()
    %dma_start3A = arith.constant 2 : i32
    %dma_start3A_14 = arith.constant 0 : i32
    %dma_start3A_15 = arith.constant 0 : i32
    %dma_start3A_16 = tpu.memref_slice %arg2[%arg0, %arg1, %dma_start3A, %dma_start3A_14, %dma_start3A_15] : memref<2x16x160x2x128xi32, #tpu.memory_space<hbm>> -> memref<1x1x1x2x128xi32, #tpu.memory_space<hbm>>
    %dma_start3A_17 = tpu.memref_squeeze %dma_start3A_16 : memref<1x1x1x2x128xi32, #tpu.memory_space<hbm>> -> memref<2x128xi32, #tpu.memory_space<hbm>>
    %dma_start3A_18 = arith.constant 0 : i32
    %dma_start3A_19 = arith.constant 0 : i32
    %dma_start3A_20 = tpu.memref_slice %arg2[%arg0, %arg1, %dma_start3A, %dma_start3A_18, %dma_start3A_19] : memref<2x16x160x2x128xi32, #tpu.memory_space<hbm>> -> memref<1x1x1x2x128xi32, #tpu.memory_space<hbm>>
    %dma_start3A_21 = tpu.memref_squeeze %dma_start3A_20 : memref<1x1x1x2x128xi32, #tpu.memory_space<hbm>> -> memref<2x128xi32, #tpu.memory_space<hbm>>
    tpu.enqueue_dma source(%dma_start3A_21 : memref<2x128xi32, #tpu.memory_space<hbm>>) target(%arg8 : memref<2x128xi32, #tpu.memory_space<vmem>>) target_semaphore(%arg14 : memref<!tpu.dma_semaphore, #tpu.memory_space<semaphore_mem>>)
    %dma_start3A_22 = arith.constant 3 : i32
    %dma_start3A_23 = arith.constant 0 : i32
    %dma_start3A_24 = arith.constant 0 : i32
    %dma_start3A_25 = tpu.memref_slice %arg2[%arg0, %arg1, %dma_start3A_22, %dma_start3A_23, %dma_start3A_24] : memref<2x16x160x2x128xi32, #tpu.memory_space<hbm>> -> memref<1x1x1x2x128xi32, #tpu.memory_space<hbm>>
    %dma_start3A_26 = tpu.memref_squeeze %dma_start3A_25 : memref<1x1x1x2x128xi32, #tpu.memory_space<hbm>> -> memref<2x128xi32, #tpu.memory_space<hbm>>
    %dma_start3A_27 = arith.constant 0 : i32
    %dma_start3A_28 = arith.constant 0 : i32
    %dma_start3A_29 = tpu.memref_slice %arg2[%arg0, %arg1, %dma_start3A_22, %dma_start3A_27, %dma_start3A_28] : memref<2x16x160x2x128xi32, #tpu.memory_space<hbm>> -> memref<1x1x1x2x128xi32, #tpu.memory_space<hbm>>
    %dma_start3A_30 = tpu.memref_squeeze %dma_start3A_29 : memref<1x1x1x2x128xi32, #tpu.memory_space<hbm>> -> memref<2x128xi32, #tpu.memory_space<hbm>>
    tpu.enqueue_dma source(%dma_start3A_30 : memref<2x128xi32, #tpu.memory_space<hbm>>) target(%arg9 : memref<2x128xi32, #tpu.memory_space<vmem>>) target_semaphore(%arg15 : memref<!tpu.dma_semaphore, #tpu.memory_space<semaphore_mem>>)
    %dma_start3A_31 = arith.constant 0 : i32
    %dma_start3A_32 = arith.constant 0 : i32
    %dma_start3A_33 = tpu.memref_slice %arg6[%dma_start3A_31, %dma_start3A_32] : memref<2x128xi32, #tpu.memory_space<vmem>> -> memref<1x128xi32, #tpu.memory_space<vmem>>
    %dma_start3A_34 = tpu.memref_squeeze %dma_start3A_33 : memref<1x128xi32, #tpu.memory_space<vmem>> -> memref<128xi32, #tpu.memory_space<vmem>>
    %dma_start3A_35 = arith.constant 0 : i32
    %dma_start3A_36 = arith.constant 0 : i32
    %dma_start3A_37 = tpu.memref_slice %arg3[%dma_start3A_35, %dma_start3A_36] : memref<20480x128xf32, #tpu.memory_space<hbm>> -> memref<20480x128xf32, #tpu.memory_space<hbm>>
    tpu.enqueue_indirect_dma source(%dma_start3A_37 : memref<20480x128xf32, #tpu.memory_space<hbm>>) target(%arg10 : memref<128x128xf32, #tpu.memory_space<vmem>>) offsets(%dma_start3A_34 : memref<128xi32, #tpu.memory_space<vmem>>) semaphore(%arg12 : memref<!tpu.dma_semaphore, #tpu.memory_space<semaphore_mem>>)
    %dma_start3A_38 = arith.constant 0 : i32
    %dma_start3A_39 = arith.constant 0 : i32
    %dma_start3A_40 = tpu.memref_slice %arg7[%dma_start3A_38, %dma_start3A_39] : memref<2x128xi32, #tpu.memory_space<vmem>> -> memref<1x128xi32, #tpu.memory_space<vmem>>
    %dma_start3A_41 = tpu.memref_squeeze %dma_start3A_40 : memref<1x128xi32, #tpu.memory_space<vmem>> -> memref<128xi32, #tpu.memory_space<vmem>>
    %dma_start3A_42 = arith.constant 0 : i32
    %dma_start3A_43 = arith.constant 0 : i32
    %dma_start3A_44 = tpu.memref_slice %arg3[%dma_start3A_42, %dma_start3A_43] : memref<20480x128xf32, #tpu.memory_space<hbm>> -> memref<20480x128xf32, #tpu.memory_space<hbm>>
    tpu.enqueue_indirect_dma source(%dma_start3A_44 : memref<20480x128xf32, #tpu.memory_space<hbm>>) target(%arg11 : memref<128x128xf32, #tpu.memory_space<vmem>>) offsets(%dma_start3A_41 : memref<128xi32, #tpu.memory_space<vmem>>) semaphore(%arg13 : memref<!tpu.dma_semaphore, #tpu.memory_space<semaphore_mem>>)
    %scan3A_45 = arith.constant 0 : i32
    %scan3A_46 = arith.constant 0 : i32
    %scan3A_47 = arith.constant 40 : i32
    %scan3A_48 = arith.addi %scan3A_46, %scan3A_47 : i32
    %scan3A_49 = arith.constant 1 : i32
    %scan3A_50 = scf.for %scan3A_56 = %scan3A_46 to %scan3A_48 step %scan3A_49 iter_args(%scan3A_57 = %scan3A_45) -> (i32)  : i32 {
      %mul3A_58 = arith.constant 2 : i32
      %mul3A_59 = arith.muli %scan3A_56, %mul3A_58 : i32
      %mul3A_60 = arith.constant 2 : i32
      %mul3A_61 = arith.muli %mul3A_59, %mul3A_60 : i32
      %add3A = arith.constant 0 : i32
      %add3A_62 = arith.addi %mul3A_61, %add3A : i32
      %add3A_63 = arith.constant 0 : i32
      %add3A_64 = arith.addi %add3A_62, %add3A_63 : i32
      %dma_wait3A = arith.constant 0 : i32
      %dma_wait3A_65 = arith.constant 0 : i32
      %dma_wait3A_66 = tpu.memref_slice %arg3[%dma_wait3A, %dma_wait3A_65] : memref<20480x128xf32, #tpu.memory_space<hbm>> -> memref<128x128xf32, #tpu.memory_space<hbm>>
      %dma_wait3A_67 = arith.constant 0 : i32
      %dma_wait3A_68 = arith.constant 0 : i32
      %dma_wait3A_69 = tpu.memref_slice %arg3[%dma_wait3A_67, %dma_wait3A_68] : memref<20480x128xf32, #tpu.memory_space<hbm>> -> memref<128x128xf32, #tpu.memory_space<hbm>>
      tpu.wait_dma2 semaphore(%arg12 : memref<!tpu.dma_semaphore, #tpu.memory_space<semaphore_mem>>) src(%dma_wait3A_69 : memref<128x128xf32, #tpu.memory_space<hbm>>) dst(%arg10 : memref<128x128xf32, #tpu.memory_space<vmem>>)
      %run_scoped3A_70 = arith.constant 1 : i32
      "tpu.region"() ({
        %run_scoped3A_170 = tpu.sem_alloc : memref<!tpu.dma_semaphore, #tpu.memory_space<semaphore_mem>>
        %dma_start3A_171 = arith.constant 0 : i32
        %dma_start3A_172 = tpu.memref_slice %arg6[%run_scoped3A_70, %dma_start3A_171] : memref<2x128xi32, #tpu.memory_space<vmem>> -> memref<1x128xi32, #tpu.memory_space<vmem>>
        %dma_start3A_173 = tpu.memref_squeeze %dma_start3A_172 : memref<1x128xi32, #tpu.memory_space<vmem>> -> memref<128xi32, #tpu.memory_space<vmem>>
        %dma_start3A_174 = arith.constant 0 : i32
        %dma_start3A_175 = arith.constant 0 : i32
        %dma_start3A_176 = tpu.memref_slice %arg5[%dma_start3A_174, %dma_start3A_175] : memref<10240x128xf32, #tpu.memory_space<vmem_shared>> -> memref<10240x128xf32, #tpu.memory_space<vmem_shared>>
        tpu.enqueue_indirect_dma source(%arg10 : memref<128x128xf32, #tpu.memory_space<vmem>>) target(%dma_start3A_176 : memref<10240x128xf32, #tpu.memory_space<vmem_shared>>) offsets(%dma_start3A_173 : memref<128xi32, #tpu.memory_space<vmem>>) semaphore(%run_scoped3A_170 : memref<!tpu.dma_semaphore, #tpu.memory_space<semaphore_mem>>) {add = true}
        %dma_wait3A_177 = arith.constant 0 : i32
        %dma_wait3A_178 = tpu.memref_slice %arg6[%run_scoped3A_70, %dma_wait3A_177] : memref<2x128xi32, #tpu.memory_space<vmem>> -> memref<1x128xi32, #tpu.memory_space<vmem>>
        %dma_wait3A_179 = tpu.memref_squeeze %dma_wait3A_178 : memref<1x128xi32, #tpu.memory_space<vmem>> -> memref<128xi32, #tpu.memory_space<vmem>>
        %dma_wait3A_180 = arith.constant 0 : i32
        %dma_wait3A_181 = arith.constant 0 : i32
        %dma_wait3A_182 = tpu.memref_slice %arg5[%dma_wait3A_180, %dma_wait3A_181] : memref<10240x128xf32, #tpu.memory_space<vmem_shared>> -> memref<10240x128xf32, #tpu.memory_space<vmem_shared>>
        tpu.wait_indirect_dma semaphore(%run_scoped3A_170 : memref<!tpu.dma_semaphore, #tpu.memory_space<semaphore_mem>>) src(%arg10 : memref<128x128xf32, #tpu.memory_space<vmem>>) dst(%dma_wait3A_182 : memref<10240x128xf32, #tpu.memory_space<vmem_shared>>)
        tpu.yield
      }) : () -> ()
      %add3A_71 = arith.constant 2 : i32
      %add3A_72 = arith.addi %add3A_64, %add3A_71 : i32
      %lt3A = arith.constant 160 : i32
      %lt3A_73 = arith.cmpi slt, %add3A_72, %lt3A : i32
      %convert_element_type3A = arith.extui %lt3A_73 : i1 to i32
      %cond3A = arith.constant 0 : i32
      %cond3A_74 = arith.cmpi ne, %convert_element_type3A, %cond3A : i32
      scf.if %cond3A_74 {
        %dma_wait3A_170 = arith.constant 0 : i32
        %dma_wait3A_171 = arith.constant 0 : i32
        %dma_wait3A_172 = arith.constant 0 : i32
        %dma_wait3A_173 = tpu.memref_slice %arg2[%arg0, %arg1, %dma_wait3A_170, %dma_wait3A_171, %dma_wait3A_172] : memref<2x16x160x2x128xi32, #tpu.memory_space<hbm>> -> memref<1x1x1x2x128xi32, #tpu.memory_space<hbm>>
        %dma_wait3A_174 = tpu.memref_squeeze %dma_wait3A_173 : memref<1x1x1x2x128xi32, #tpu.memory_space<hbm>> -> memref<2x128xi32, #tpu.memory_space<hbm>>
        %dma_wait3A_175 = arith.constant 0 : i32
        %dma_wait3A_176 = arith.constant 0 : i32
        %dma_wait3A_177 = tpu.memref_slice %arg2[%arg0, %arg1, %dma_wait3A_170, %dma_wait3A_175, %dma_wait3A_176] : memref<2x16x160x2x128xi32, #tpu.memory_space<hbm>> -> memref<1x1x1x2x128xi32, #tpu.memory_space<hbm>>
        %dma_wait3A_178 = tpu.memref_squeeze %dma_wait3A_177 : memref<1x1x1x2x128xi32, #tpu.memory_space<hbm>> -> memref<2x128xi32, #tpu.memory_space<hbm>>
        tpu.wait_dma2 semaphore(%arg14 : memref<!tpu.dma_semaphore, #tpu.memory_space<semaphore_mem>>) src(%dma_wait3A_178 : memref<2x128xi32, #tpu.memory_space<hbm>>) dst(%arg6 : memref<2x128xi32, #tpu.memory_space<vmem>>)
        %dma_start3A_179 = arith.constant 0 : i32
        %dma_start3A_180 = arith.constant 0 : i32
        %dma_start3A_181 = tpu.memref_slice %arg8[%dma_start3A_179, %dma_start3A_180] : memref<2x128xi32, #tpu.memory_space<vmem>> -> memref<1x128xi32, #tpu.memory_space<vmem>>
        %dma_start3A_182 = tpu.memref_squeeze %dma_start3A_181 : memref<1x128xi32, #tpu.memory_space<vmem>> -> memref<128xi32, #tpu.memory_space<vmem>>
        %dma_start3A_183 = arith.constant 0 : i32
        %dma_start3A_184 = arith.constant 0 : i32
        %dma_start3A_185 = tpu.memref_slice %arg3[%dma_start3A_183, %dma_start3A_184] : memref<20480x128xf32, #tpu.memory_space<hbm>> -> memref<20480x128xf32, #tpu.memory_space<hbm>>
        tpu.enqueue_indirect_dma source(%dma_start3A_185 : memref<20480x128xf32, #tpu.memory_space<hbm>>) target(%arg10 : memref<128x128xf32, #tpu.memory_space<vmem>>) offsets(%dma_start3A_182 : memref<128xi32, #tpu.memory_space<vmem>>) semaphore(%arg12 : memref<!tpu.dma_semaphore, #tpu.memory_space<semaphore_mem>>)
      } else {
      }
      %add3A_75 = arith.constant 4 : i32
      %add3A_76 = arith.addi %add3A_64, %add3A_75 : i32
      %lt3A_77 = arith.constant 160 : i32
      %lt3A_78 = arith.cmpi slt, %add3A_76, %lt3A_77 : i32
      %convert_element_type3A_79 = arith.extui %lt3A_78 : i1 to i32
      %cond3A_80 = arith.constant 0 : i32
      %cond3A_81 = arith.cmpi ne, %convert_element_type3A_79, %cond3A_80 : i32
      scf.if %cond3A_81 {
        %add3A_170 = arith.constant 4 : i32
        %add3A_171 = arith.addi %add3A_64, %add3A_170 : i32
        %dma_start3A_172 = arith.constant 0 : i32
        %dma_start3A_173 = arith.constant 0 : i32
        %dma_start3A_174 = tpu.memref_slice %arg2[%arg0, %arg1, %add3A_171, %dma_start3A_172, %dma_start3A_173] : memref<2x16x160x2x128xi32, #tpu.memory_space<hbm>> -> memref<1x1x1x2x128xi32, #tpu.memory_space<hbm>>
        %dma_start3A_175 = tpu.memref_squeeze %dma_start3A_174 : memref<1x1x1x2x128xi32, #tpu.memory_space<hbm>> -> memref<2x128xi32, #tpu.memory_space<hbm>>
        %dma_start3A_176 = arith.constant 0 : i32
        %dma_start3A_177 = arith.constant 0 : i32
        %dma_start3A_178 = tpu.memref_slice %arg2[%arg0, %arg1, %add3A_171, %dma_start3A_176, %dma_start3A_177] : memref<2x16x160x2x128xi32, #tpu.memory_space<hbm>> -> memref<1x1x1x2x128xi32, #tpu.memory_space<hbm>>
        %dma_start3A_179 = tpu.memref_squeeze %dma_start3A_178 : memref<1x1x1x2x128xi32, #tpu.memory_space<hbm>> -> memref<2x128xi32, #tpu.memory_space<hbm>>
        tpu.enqueue_dma source(%dma_start3A_179 : memref<2x128xi32, #tpu.memory_space<hbm>>) target(%arg6 : memref<2x128xi32, #tpu.memory_space<vmem>>) target_semaphore(%arg14 : memref<!tpu.dma_semaphore, #tpu.memory_space<semaphore_mem>>)
      } else {
      }
      %mul3A_82 = arith.constant 2 : i32
      %mul3A_83 = arith.muli %scan3A_56, %mul3A_82 : i32
      %mul3A_84 = arith.constant 2 : i32
      %mul3A_85 = arith.muli %mul3A_83, %mul3A_84 : i32
      %add3A_86 = arith.constant 0 : i32
      %add3A_87 = arith.addi %mul3A_85, %add3A_86 : i32
      %add3A_88 = arith.constant 1 : i32
      %add3A_89 = arith.addi %add3A_87, %add3A_88 : i32
      %dma_wait3A_90 = arith.constant 0 : i32
      %dma_wait3A_91 = arith.constant 0 : i32
      %dma_wait3A_92 = tpu.memref_slice %arg3[%dma_wait3A_90, %dma_wait3A_91] : memref<20480x128xf32, #tpu.memory_space<hbm>> -> memref<128x128xf32, #tpu.memory_space<hbm>>
      %dma_wait3A_93 = arith.constant 0 : i32
      %dma_wait3A_94 = arith.constant 0 : i32
      %dma_wait3A_95 = tpu.memref_slice %arg3[%dma_wait3A_93, %dma_wait3A_94] : memref<20480x128xf32, #tpu.memory_space<hbm>> -> memref<128x128xf32, #tpu.memory_space<hbm>>
      tpu.wait_dma2 semaphore(%arg13 : memref<!tpu.dma_semaphore, #tpu.memory_space<semaphore_mem>>) src(%dma_wait3A_95 : memref<128x128xf32, #tpu.memory_space<hbm>>) dst(%arg11 : memref<128x128xf32, #tpu.memory_space<vmem>>)
      %run_scoped3A_96 = arith.constant 1 : i32
      "tpu.region"() ({
        %run_scoped3A_170 = tpu.sem_alloc : memref<!tpu.dma_semaphore, #tpu.memory_space<semaphore_mem>>
        %dma_start3A_171 = arith.constant 0 : i32
        %dma_start3A_172 = tpu.memref_slice %arg7[%run_scoped3A_96, %dma_start3A_171] : memref<2x128xi32, #tpu.memory_space<vmem>> -> memref<1x128xi32, #tpu.memory_space<vmem>>
        %dma_start3A_173 = tpu.memref_squeeze %dma_start3A_172 : memref<1x128xi32, #tpu.memory_space<vmem>> -> memref<128xi32, #tpu.memory_space<vmem>>
        %dma_start3A_174 = arith.constant 0 : i32
        %dma_start3A_175 = arith.constant 0 : i32
        %dma_start3A_176 = tpu.memref_slice %arg5[%dma_start3A_174, %dma_start3A_175] : memref<10240x128xf32, #tpu.memory_space<vmem_shared>> -> memref<10240x128xf32, #tpu.memory_space<vmem_shared>>
        tpu.enqueue_indirect_dma source(%arg11 : memref<128x128xf32, #tpu.memory_space<vmem>>) target(%dma_start3A_176 : memref<10240x128xf32, #tpu.memory_space<vmem_shared>>) offsets(%dma_start3A_173 : memref<128xi32, #tpu.memory_space<vmem>>) semaphore(%run_scoped3A_170 : memref<!tpu.dma_semaphore, #tpu.memory_space<semaphore_mem>>) {add = true}
        %dma_wait3A_177 = arith.constant 0 : i32
        %dma_wait3A_178 = tpu.memref_slice %arg7[%run_scoped3A_96, %dma_wait3A_177] : memref<2x128xi32, #tpu.memory_space<vmem>> -> memref<1x128xi32, #tpu.memory_space<vmem>>
        %dma_wait3A_179 = tpu.memref_squeeze %dma_wait3A_178 : memref<1x128xi32, #tpu.memory_space<vmem>> -> memref<128xi32, #tpu.memory_space<vmem>>
        %dma_wait3A_180 = arith.constant 0 : i32
        %dma_wait3A_181 = arith.constant 0 : i32
        %dma_wait3A_182 = tpu.memref_slice %arg5[%dma_wait3A_180, %dma_wait3A_181] : memref<10240x128xf32, #tpu.memory_space<vmem_shared>> -> memref<10240x128xf32, #tpu.memory_space<vmem_shared>>
        tpu.wait_indirect_dma semaphore(%run_scoped3A_170 : memref<!tpu.dma_semaphore, #tpu.memory_space<semaphore_mem>>) src(%arg11 : memref<128x128xf32, #tpu.memory_space<vmem>>) dst(%dma_wait3A_182 : memref<10240x128xf32, #tpu.memory_space<vmem_shared>>)
        tpu.yield
      }) : () -> ()
      %add3A_97 = arith.constant 2 : i32
      %add3A_98 = arith.addi %add3A_89, %add3A_97 : i32
      %lt3A_99 = arith.constant 160 : i32
      %lt3A_100 = arith.cmpi slt, %add3A_98, %lt3A_99 : i32
      %convert_element_type3A_101 = arith.extui %lt3A_100 : i1 to i32
      %cond3A_102 = arith.constant 0 : i32
      %cond3A_103 = arith.cmpi ne, %convert_element_type3A_101, %cond3A_102 : i32
      scf.if %cond3A_103 {
        %dma_wait3A_170 = arith.constant 0 : i32
        %dma_wait3A_171 = arith.constant 0 : i32
        %dma_wait3A_172 = arith.constant 0 : i32
        %dma_wait3A_173 = tpu.memref_slice %arg2[%arg0, %arg1, %dma_wait3A_170, %dma_wait3A_171, %dma_wait3A_172] : memref<2x16x160x2x128xi32, #tpu.memory_space<hbm>> -> memref<1x1x1x2x128xi32, #tpu.memory_space<hbm>>
        %dma_wait3A_174 = tpu.memref_squeeze %dma_wait3A_173 : memref<1x1x1x2x128xi32, #tpu.memory_space<hbm>> -> memref<2x128xi32, #tpu.memory_space<hbm>>
        %dma_wait3A_175 = arith.constant 0 : i32
        %dma_wait3A_176 = arith.constant 0 : i32
        %dma_wait3A_177 = tpu.memref_slice %arg2[%arg0, %arg1, %dma_wait3A_170, %dma_wait3A_175, %dma_wait3A_176] : memref<2x16x160x2x128xi32, #tpu.memory_space<hbm>> -> memref<1x1x1x2x128xi32, #tpu.memory_space<hbm>>
        %dma_wait3A_178 = tpu.memref_squeeze %dma_wait3A_177 : memref<1x1x1x2x128xi32, #tpu.memory_space<hbm>> -> memref<2x128xi32, #tpu.memory_space<hbm>>
        tpu.wait_dma2 semaphore(%arg15 : memref<!tpu.dma_semaphore, #tpu.memory_space<semaphore_mem>>) src(%dma_wait3A_178 : memref<2x128xi32, #tpu.memory_space<hbm>>) dst(%arg7 : memref<2x128xi32, #tpu.memory_space<vmem>>)
        %dma_start3A_179 = arith.constant 0 : i32
        %dma_start3A_180 = arith.constant 0 : i32
        %dma_start3A_181 = tpu.memref_slice %arg9[%dma_start3A_179, %dma_start3A_180] : memref<2x128xi32, #tpu.memory_space<vmem>> -> memref<1x128xi32, #tpu.memory_space<vmem>>
        %dma_start3A_182 = tpu.memref_squeeze %dma_start3A_181 : memref<1x128xi32, #tpu.memory_space<vmem>> -> memref<128xi32, #tpu.memory_space<vmem>>
        %dma_start3A_183 = arith.constant 0 : i32
        %dma_start3A_184 = arith.constant 0 : i32
        %dma_start3A_185 = tpu.memref_slice %arg3[%dma_start3A_183, %dma_start3A_184] : memref<20480x128xf32, #tpu.memory_space<hbm>> -> memref<20480x128xf32, #tpu.memory_space<hbm>>
        tpu.enqueue_indirect_dma source(%dma_start3A_185 : memref<20480x128xf32, #tpu.memory_space<hbm>>) target(%arg11 : memref<128x128xf32, #tpu.memory_space<vmem>>) offsets(%dma_start3A_182 : memref<128xi32, #tpu.memory_space<vmem>>) semaphore(%arg13 : memref<!tpu.dma_semaphore, #tpu.memory_space<semaphore_mem>>)
      } else {
      }
      %add3A_104 = arith.constant 4 : i32
      %add3A_105 = arith.addi %add3A_89, %add3A_104 : i32
      %lt3A_106 = arith.constant 160 : i32
      %lt3A_107 = arith.cmpi slt, %add3A_105, %lt3A_106 : i32
      %convert_element_type3A_108 = arith.extui %lt3A_107 : i1 to i32
      %cond3A_109 = arith.constant 0 : i32
      %cond3A_110 = arith.cmpi ne, %convert_element_type3A_108, %cond3A_109 : i32
      scf.if %cond3A_110 {
        %add3A_170 = arith.constant 4 : i32
        %add3A_171 = arith.addi %add3A_89, %add3A_170 : i32
        %dma_start3A_172 = arith.constant 0 : i32
        %dma_start3A_173 = arith.constant 0 : i32
        %dma_start3A_174 = tpu.memref_slice %arg2[%arg0, %arg1, %add3A_171, %dma_start3A_172, %dma_start3A_173] : memref<2x16x160x2x128xi32, #tpu.memory_space<hbm>> -> memref<1x1x1x2x128xi32, #tpu.memory_space<hbm>>
        %dma_start3A_175 = tpu.memref_squeeze %dma_start3A_174 : memref<1x1x1x2x128xi32, #tpu.memory_space<hbm>> -> memref<2x128xi32, #tpu.memory_space<hbm>>
        %dma_start3A_176 = arith.constant 0 : i32
        %dma_start3A_177 = arith.constant 0 : i32
        %dma_start3A_178 = tpu.memref_slice %arg2[%arg0, %arg1, %add3A_171, %dma_start3A_176, %dma_start3A_177] : memref<2x16x160x2x128xi32, #tpu.memory_space<hbm>> -> memref<1x1x1x2x128xi32, #tpu.memory_space<hbm>>
        %dma_start3A_179 = tpu.memref_squeeze %dma_start3A_178 : memref<1x1x1x2x128xi32, #tpu.memory_space<hbm>> -> memref<2x128xi32, #tpu.memory_space<hbm>>
        tpu.enqueue_dma source(%dma_start3A_179 : memref<2x128xi32, #tpu.memory_space<hbm>>) target(%arg7 : memref<2x128xi32, #tpu.memory_space<vmem>>) target_semaphore(%arg15 : memref<!tpu.dma_semaphore, #tpu.memory_space<semaphore_mem>>)
      } else {
      }
      %mul3A_111 = arith.constant 2 : i32
      %mul3A_112 = arith.muli %scan3A_56, %mul3A_111 : i32
      %mul3A_113 = arith.constant 2 : i32
      %mul3A_114 = arith.muli %mul3A_112, %mul3A_113 : i32
      %add3A_115 = arith.constant 2 : i32
      %add3A_116 = arith.addi %mul3A_114, %add3A_115 : i32
      %add3A_117 = arith.constant 0 : i32
      %add3A_118 = arith.addi %add3A_116, %add3A_117 : i32
      %dma_wait3A_119 = arith.constant 0 : i32
      %dma_wait3A_120 = arith.constant 0 : i32
      %dma_wait3A_121 = tpu.memref_slice %arg3[%dma_wait3A_119, %dma_wait3A_120] : memref<20480x128xf32, #tpu.memory_space<hbm>> -> memref<128x128xf32, #tpu.memory_space<hbm>>
      %dma_wait3A_122 = arith.constant 0 : i32
      %dma_wait3A_123 = arith.constant 0 : i32
      %dma_wait3A_124 = tpu.memref_slice %arg3[%dma_wait3A_122, %dma_wait3A_123] : memref<20480x128xf32, #tpu.memory_space<hbm>> -> memref<128x128xf32, #tpu.memory_space<hbm>>
      tpu.wait_dma2 semaphore(%arg12 : memref<!tpu.dma_semaphore, #tpu.memory_space<semaphore_mem>>) src(%dma_wait3A_124 : memref<128x128xf32, #tpu.memory_space<hbm>>) dst(%arg10 : memref<128x128xf32, #tpu.memory_space<vmem>>)
      %run_scoped3A_125 = arith.constant 1 : i32
      "tpu.region"() ({
        %run_scoped3A_170 = tpu.sem_alloc : memref<!tpu.dma_semaphore, #tpu.memory_space<semaphore_mem>>
        %dma_start3A_171 = arith.constant 0 : i32
        %dma_start3A_172 = tpu.memref_slice %arg8[%run_scoped3A_125, %dma_start3A_171] : memref<2x128xi32, #tpu.memory_space<vmem>> -> memref<1x128xi32, #tpu.memory_space<vmem>>
        %dma_start3A_173 = tpu.memref_squeeze %dma_start3A_172 : memref<1x128xi32, #tpu.memory_space<vmem>> -> memref<128xi32, #tpu.memory_space<vmem>>
        %dma_start3A_174 = arith.constant 0 : i32
        %dma_start3A_175 = arith.constant 0 : i32
        %dma_start3A_176 = tpu.memref_slice %arg5[%dma_start3A_174, %dma_start3A_175] : memref<10240x128xf32, #tpu.memory_space<vmem_shared>> -> memref<10240x128xf32, #tpu.memory_space<vmem_shared>>
        tpu.enqueue_indirect_dma source(%arg10 : memref<128x128xf32, #tpu.memory_space<vmem>>) target(%dma_start3A_176 : memref<10240x128xf32, #tpu.memory_space<vmem_shared>>) offsets(%dma_start3A_173 : memref<128xi32, #tpu.memory_space<vmem>>) semaphore(%run_scoped3A_170 : memref<!tpu.dma_semaphore, #tpu.memory_space<semaphore_mem>>) {add = true}
        %dma_wait3A_177 = arith.constant 0 : i32
        %dma_wait3A_178 = tpu.memref_slice %arg8[%run_scoped3A_125, %dma_wait3A_177] : memref<2x128xi32, #tpu.memory_space<vmem>> -> memref<1x128xi32, #tpu.memory_space<vmem>>
        %dma_wait3A_179 = tpu.memref_squeeze %dma_wait3A_178 : memref<1x128xi32, #tpu.memory_space<vmem>> -> memref<128xi32, #tpu.memory_space<vmem>>
        %dma_wait3A_180 = arith.constant 0 : i32
        %dma_wait3A_181 = arith.constant 0 : i32
        %dma_wait3A_182 = tpu.memref_slice %arg5[%dma_wait3A_180, %dma_wait3A_181] : memref<10240x128xf32, #tpu.memory_space<vmem_shared>> -> memref<10240x128xf32, #tpu.memory_space<vmem_shared>>
        tpu.wait_indirect_dma semaphore(%run_scoped3A_170 : memref<!tpu.dma_semaphore, #tpu.memory_space<semaphore_mem>>) src(%arg10 : memref<128x128xf32, #tpu.memory_space<vmem>>) dst(%dma_wait3A_182 : memref<10240x128xf32, #tpu.memory_space<vmem_shared>>)
        tpu.yield
      }) : () -> ()
      %add3A_126 = arith.constant 2 : i32
      %add3A_127 = arith.addi %add3A_118, %add3A_126 : i32
      %lt3A_128 = arith.constant 160 : i32
      %lt3A_129 = arith.cmpi slt, %add3A_127, %lt3A_128 : i32
      %convert_element_type3A_130 = arith.extui %lt3A_129 : i1 to i32
      %cond3A_131 = arith.constant 0 : i32
      %cond3A_132 = arith.cmpi ne, %convert_element_type3A_130, %cond3A_131 : i32
      scf.if %cond3A_132 {
        %dma_wait3A_170 = arith.constant 0 : i32
        %dma_wait3A_171 = arith.constant 0 : i32
        %dma_wait3A_172 = arith.constant 0 : i32
        %dma_wait3A_173 = tpu.memref_slice %arg2[%arg0, %arg1, %dma_wait3A_170, %dma_wait3A_171, %dma_wait3A_172] : memref<2x16x160x2x128xi32, #tpu.memory_space<hbm>> -> memref<1x1x1x2x128xi32, #tpu.memory_space<hbm>>
        %dma_wait3A_174 = tpu.memref_squeeze %dma_wait3A_173 : memref<1x1x1x2x128xi32, #tpu.memory_space<hbm>> -> memref<2x128xi32, #tpu.memory_space<hbm>>
        %dma_wait3A_175 = arith.constant 0 : i32
        %dma_wait3A_176 = arith.constant 0 : i32
        %dma_wait3A_177 = tpu.memref_slice %arg2[%arg0, %arg1, %dma_wait3A_170, %dma_wait3A_175, %dma_wait3A_176] : memref<2x16x160x2x128xi32, #tpu.memory_space<hbm>> -> memref<1x1x1x2x128xi32, #tpu.memory_space<hbm>>
        %dma_wait3A_178 = tpu.memref_squeeze %dma_wait3A_177 : memref<1x1x1x2x128xi32, #tpu.memory_space<hbm>> -> memref<2x128xi32, #tpu.memory_space<hbm>>
        tpu.wait_dma2 semaphore(%arg14 : memref<!tpu.dma_semaphore, #tpu.memory_space<semaphore_mem>>) src(%dma_wait3A_178 : memref<2x128xi32, #tpu.memory_space<hbm>>) dst(%arg6 : memref<2x128xi32, #tpu.memory_space<vmem>>)
        %dma_start3A_179 = arith.constant 0 : i32
        %dma_start3A_180 = arith.constant 0 : i32
        %dma_start3A_181 = tpu.memref_slice %arg6[%dma_start3A_179, %dma_start3A_180] : memref<2x128xi32, #tpu.memory_space<vmem>> -> memref<1x128xi32, #tpu.memory_space<vmem>>
        %dma_start3A_182 = tpu.memref_squeeze %dma_start3A_181 : memref<1x128xi32, #tpu.memory_space<vmem>> -> memref<128xi32, #tpu.memory_space<vmem>>
        %dma_start3A_183 = arith.constant 0 : i32
        %dma_start3A_184 = arith.constant 0 : i32
        %dma_start3A_185 = tpu.memref_slice %arg3[%dma_start3A_183, %dma_start3A_184] : memref<20480x128xf32, #tpu.memory_space<hbm>> -> memref<20480x128xf32, #tpu.memory_space<hbm>>
        tpu.enqueue_indirect_dma source(%dma_start3A_185 : memref<20480x128xf32, #tpu.memory_space<hbm>>) target(%arg10 : memref<128x128xf32, #tpu.memory_space<vmem>>) offsets(%dma_start3A_182 : memref<128xi32, #tpu.memory_space<vmem>>) semaphore(%arg12 : memref<!tpu.dma_semaphore, #tpu.memory_space<semaphore_mem>>)
      } else {
      }
      %add3A_133 = arith.constant 4 : i32
      %add3A_134 = arith.addi %add3A_118, %add3A_133 : i32
      %lt3A_135 = arith.constant 160 : i32
      %lt3A_136 = arith.cmpi slt, %add3A_134, %lt3A_135 : i32
      %convert_element_type3A_137 = arith.extui %lt3A_136 : i1 to i32
      %cond3A_138 = arith.constant 0 : i32
      %cond3A_139 = arith.cmpi ne, %convert_element_type3A_137, %cond3A_138 : i32
      scf.if %cond3A_139 {
        %add3A_170 = arith.constant 4 : i32
        %add3A_171 = arith.addi %add3A_118, %add3A_170 : i32
        %dma_start3A_172 = arith.constant 0 : i32
        %dma_start3A_173 = arith.constant 0 : i32
        %dma_start3A_174 = tpu.memref_slice %arg2[%arg0, %arg1, %add3A_171, %dma_start3A_172, %dma_start3A_173] : memref<2x16x160x2x128xi32, #tpu.memory_space<hbm>> -> memref<1x1x1x2x128xi32, #tpu.memory_space<hbm>>
        %dma_start3A_175 = tpu.memref_squeeze %dma_start3A_174 : memref<1x1x1x2x128xi32, #tpu.memory_space<hbm>> -> memref<2x128xi32, #tpu.memory_space<hbm>>
        %dma_start3A_176 = arith.constant 0 : i32
        %dma_start3A_177 = arith.constant 0 : i32
        %dma_start3A_178 = tpu.memref_slice %arg2[%arg0, %arg1, %add3A_171, %dma_start3A_176, %dma_start3A_177] : memref<2x16x160x2x128xi32, #tpu.memory_space<hbm>> -> memref<1x1x1x2x128xi32, #tpu.memory_space<hbm>>
        %dma_start3A_179 = tpu.memref_squeeze %dma_start3A_178 : memref<1x1x1x2x128xi32, #tpu.memory_space<hbm>> -> memref<2x128xi32, #tpu.memory_space<hbm>>
        tpu.enqueue_dma source(%dma_start3A_179 : memref<2x128xi32, #tpu.memory_space<hbm>>) target(%arg8 : memref<2x128xi32, #tpu.memory_space<vmem>>) target_semaphore(%arg14 : memref<!tpu.dma_semaphore, #tpu.memory_space<semaphore_mem>>)
      } else {
      }
      %mul3A_140 = arith.constant 2 : i32
      %mul3A_141 = arith.muli %scan3A_56, %mul3A_140 : i32
      %mul3A_142 = arith.constant 2 : i32
      %mul3A_143 = arith.muli %mul3A_141, %mul3A_142 : i32
      %add3A_144 = arith.constant 2 : i32
      %add3A_145 = arith.addi %mul3A_143, %add3A_144 : i32
      %add3A_146 = arith.constant 1 : i32
      %add3A_147 = arith.addi %add3A_145, %add3A_146 : i32
      %dma_wait3A_148 = arith.constant 0 : i32
      %dma_wait3A_149 = arith.constant 0 : i32
      %dma_wait3A_150 = tpu.memref_slice %arg3[%dma_wait3A_148, %dma_wait3A_149] : memref<20480x128xf32, #tpu.memory_space<hbm>> -> memref<128x128xf32, #tpu.memory_space<hbm>>
      %dma_wait3A_151 = arith.constant 0 : i32
      %dma_wait3A_152 = arith.constant 0 : i32
      %dma_wait3A_153 = tpu.memref_slice %arg3[%dma_wait3A_151, %dma_wait3A_152] : memref<20480x128xf32, #tpu.memory_space<hbm>> -> memref<128x128xf32, #tpu.memory_space<hbm>>
      tpu.wait_dma2 semaphore(%arg13 : memref<!tpu.dma_semaphore, #tpu.memory_space<semaphore_mem>>) src(%dma_wait3A_153 : memref<128x128xf32, #tpu.memory_space<hbm>>) dst(%arg11 : memref<128x128xf32, #tpu.memory_space<vmem>>)
      %run_scoped3A_154 = arith.constant 1 : i32
      "tpu.region"() ({
        %run_scoped3A_170 = tpu.sem_alloc : memref<!tpu.dma_semaphore, #tpu.memory_space<semaphore_mem>>
        %dma_start3A_171 = arith.constant 0 : i32
        %dma_start3A_172 = tpu.memref_slice %arg9[%run_scoped3A_154, %dma_start3A_171] : memref<2x128xi32, #tpu.memory_space<vmem>> -> memref<1x128xi32, #tpu.memory_space<vmem>>
        %dma_start3A_173 = tpu.memref_squeeze %dma_start3A_172 : memref<1x128xi32, #tpu.memory_space<vmem>> -> memref<128xi32, #tpu.memory_space<vmem>>
        %dma_start3A_174 = arith.constant 0 : i32
        %dma_start3A_175 = arith.constant 0 : i32
        %dma_start3A_176 = tpu.memref_slice %arg5[%dma_start3A_174, %dma_start3A_175] : memref<10240x128xf32, #tpu.memory_space<vmem_shared>> -> memref<10240x128xf32, #tpu.memory_space<vmem_shared>>
        tpu.enqueue_indirect_dma source(%arg11 : memref<128x128xf32, #tpu.memory_space<vmem>>) target(%dma_start3A_176 : memref<10240x128xf32, #tpu.memory_space<vmem_shared>>) offsets(%dma_start3A_173 : memref<128xi32, #tpu.memory_space<vmem>>) semaphore(%run_scoped3A_170 : memref<!tpu.dma_semaphore, #tpu.memory_space<semaphore_mem>>) {add = true}
        %dma_wait3A_177 = arith.constant 0 : i32
        %dma_wait3A_178 = tpu.memref_slice %arg9[%run_scoped3A_154, %dma_wait3A_177] : memref<2x128xi32, #tpu.memory_space<vmem>> -> memref<1x128xi32, #tpu.memory_space<vmem>>
        %dma_wait3A_179 = tpu.memref_squeeze %dma_wait3A_178 : memref<1x128xi32, #tpu.memory_space<vmem>> -> memref<128xi32, #tpu.memory_space<vmem>>
        %dma_wait3A_180 = arith.constant 0 : i32
        %dma_wait3A_181 = arith.constant 0 : i32
        %dma_wait3A_182 = tpu.memref_slice %arg5[%dma_wait3A_180, %dma_wait3A_181] : memref<10240x128xf32, #tpu.memory_space<vmem_shared>> -> memref<10240x128xf32, #tpu.memory_space<vmem_shared>>
        tpu.wait_indirect_dma semaphore(%run_scoped3A_170 : memref<!tpu.dma_semaphore, #tpu.memory_space<semaphore_mem>>) src(%arg11 : memref<128x128xf32, #tpu.memory_space<vmem>>) dst(%dma_wait3A_182 : memref<10240x128xf32, #tpu.memory_space<vmem_shared>>)
        tpu.yield
      }) : () -> ()
      %add3A_155 = arith.constant 2 : i32
      %add3A_156 = arith.addi %add3A_147, %add3A_155 : i32
      %lt3A_157 = arith.constant 160 : i32
      %lt3A_158 = arith.cmpi slt, %add3A_156, %lt3A_157 : i32
      %convert_element_type3A_159 = arith.extui %lt3A_158 : i1 to i32
      %cond3A_160 = arith.constant 0 : i32
      %cond3A_161 = arith.cmpi ne, %convert_element_type3A_159, %cond3A_160 : i32
      scf.if %cond3A_161 {
        %dma_wait3A_170 = arith.constant 0 : i32
        %dma_wait3A_171 = arith.constant 0 : i32
        %dma_wait3A_172 = arith.constant 0 : i32
        %dma_wait3A_173 = tpu.memref_slice %arg2[%arg0, %arg1, %dma_wait3A_170, %dma_wait3A_171, %dma_wait3A_172] : memref<2x16x160x2x128xi32, #tpu.memory_space<hbm>> -> memref<1x1x1x2x128xi32, #tpu.memory_space<hbm>>
        %dma_wait3A_174 = tpu.memref_squeeze %dma_wait3A_173 : memref<1x1x1x2x128xi32, #tpu.memory_space<hbm>> -> memref<2x128xi32, #tpu.memory_space<hbm>>
        %dma_wait3A_175 = arith.constant 0 : i32
        %dma_wait3A_176 = arith.constant 0 : i32
        %dma_wait3A_177 = tpu.memref_slice %arg2[%arg0, %arg1, %dma_wait3A_170, %dma_wait3A_175, %dma_wait3A_176] : memref<2x16x160x2x128xi32, #tpu.memory_space<hbm>> -> memref<1x1x1x2x128xi32, #tpu.memory_space<hbm>>
        %dma_wait3A_178 = tpu.memref_squeeze %dma_wait3A_177 : memref<1x1x1x2x128xi32, #tpu.memory_space<hbm>> -> memref<2x128xi32, #tpu.memory_space<hbm>>
        tpu.wait_dma2 semaphore(%arg15 : memref<!tpu.dma_semaphore, #tpu.memory_space<semaphore_mem>>) src(%dma_wait3A_178 : memref<2x128xi32, #tpu.memory_space<hbm>>) dst(%arg7 : memref<2x128xi32, #tpu.memory_space<vmem>>)
        %dma_start3A_179 = arith.constant 0 : i32
        %dma_start3A_180 = arith.constant 0 : i32
        %dma_start3A_181 = tpu.memref_slice %arg7[%dma_start3A_179, %dma_start3A_180] : memref<2x128xi32, #tpu.memory_space<vmem>> -> memref<1x128xi32, #tpu.memory_space<vmem>>
        %dma_start3A_182 = tpu.memref_squeeze %dma_start3A_181 : memref<1x128xi32, #tpu.memory_space<vmem>> -> memref<128xi32, #tpu.memory_space<vmem>>
        %dma_start3A_183 = arith.constant 0 : i32
        %dma_start3A_184 = arith.constant 0 : i32
        %dma_start3A_185 = tpu.memref_slice %arg3[%dma_start3A_183, %dma_start3A_184] : memref<20480x128xf32, #tpu.memory_space<hbm>> -> memref<20480x128xf32, #tpu.memory_space<hbm>>
        tpu.enqueue_indirect_dma source(%dma_start3A_185 : memref<20480x128xf32, #tpu.memory_space<hbm>>) target(%arg11 : memref<128x128xf32, #tpu.memory_space<vmem>>) offsets(%dma_start3A_182 : memref<128xi32, #tpu.memory_space<vmem>>) semaphore(%arg13 : memref<!tpu.dma_semaphore, #tpu.memory_space<semaphore_mem>>)
      } else {
      }
      %add3A_162 = arith.constant 4 : i32
      %add3A_163 = arith.addi %add3A_147, %add3A_162 : i32
      %lt3A_164 = arith.constant 160 : i32
      %lt3A_165 = arith.cmpi slt, %add3A_163, %lt3A_164 : i32
      %convert_element_type3A_166 = arith.extui %lt3A_165 : i1 to i32
      %cond3A_167 = arith.constant 0 : i32
      %cond3A_168 = arith.cmpi ne, %convert_element_type3A_166, %cond3A_167 : i32
      scf.if %cond3A_168 {
        %add3A_170 = arith.constant 4 : i32
        %add3A_171 = arith.addi %add3A_147, %add3A_170 : i32
        %dma_start3A_172 = arith.constant 0 : i32
        %dma_start3A_173 = arith.constant 0 : i32
        %dma_start3A_174 = tpu.memref_slice %arg2[%arg0, %arg1, %add3A_171, %dma_start3A_172, %dma_start3A_173] : memref<2x16x160x2x128xi32, #tpu.memory_space<hbm>> -> memref<1x1x1x2x128xi32, #tpu.memory_space<hbm>>
        %dma_start3A_175 = tpu.memref_squeeze %dma_start3A_174 : memref<1x1x1x2x128xi32, #tpu.memory_space<hbm>> -> memref<2x128xi32, #tpu.memory_space<hbm>>
        %dma_start3A_176 = arith.constant 0 : i32
        %dma_start3A_177 = arith.constant 0 : i32
        %dma_start3A_178 = tpu.memref_slice %arg2[%arg0, %arg1, %add3A_171, %dma_start3A_176, %dma_start3A_177] : memref<2x16x160x2x128xi32, #tpu.memory_space<hbm>> -> memref<1x1x1x2x128xi32, #tpu.memory_space<hbm>>
        %dma_start3A_179 = tpu.memref_squeeze %dma_start3A_178 : memref<1x1x1x2x128xi32, #tpu.memory_space<hbm>> -> memref<2x128xi32, #tpu.memory_space<hbm>>
        tpu.enqueue_dma source(%dma_start3A_179 : memref<2x128xi32, #tpu.memory_space<hbm>>) target(%arg9 : memref<2x128xi32, #tpu.memory_space<vmem>>) target_semaphore(%arg15 : memref<!tpu.dma_semaphore, #tpu.memory_space<semaphore_mem>>)
      } else {
      }
      %scan3A_169 = arith.constant 0 : i32
      scf.yield %scan3A_169 : i32
    }
    %scan3A_51 = arith.constant 40 : i32
    %barrier3A_52 = arith.constant 0 : index
    tpu.barrier barrier_id(%barrier3A_52)
    %mul3A = arith.constant 640 : i32
    %mul3A_53 = arith.muli %arg1, %mul3A : i32
    %mul3A_54 = arith.constant 640 : i32
    %mul3A_55 = arith.muli %arg1, %mul3A_54 : i32
    "tpu.region"() ({
      %run_scoped3A_56 = tpu.sem_alloc : memref<!tpu.dma_semaphore, #tpu.memory_space<semaphore_mem>>
      %dma_start3A_57 = arith.constant 0 : i32
      %dma_start3A_58 = tpu.memref_slice %arg4[%arg0, %mul3A_55, %dma_start3A_57] : memref<2x10240x128xf32, #tpu.memory_space<hbm>> -> memref<1x640x128xf32, #tpu.memory_space<hbm>>
      %dma_start3A_59 = tpu.memref_squeeze %dma_start3A_58 : memref<1x640x128xf32, #tpu.memory_space<hbm>> -> memref<640x128xf32, #tpu.memory_space<hbm>>
      %dma_start3A_60 = arith.constant 0 : i32
      %dma_start3A_61 = tpu.memref_slice %arg5[%mul3A_53, %dma_start3A_60] : memref<10240x128xf32, #tpu.memory_space<vmem_shared>> -> memref<640x128xf32, #tpu.memory_space<vmem_shared>>
      tpu.enqueue_dma source(%dma_start3A_61 : memref<640x128xf32, #tpu.memory_space<vmem_shared>>) target(%dma_start3A_59 : memref<640x128xf32, #tpu.memory_space<hbm>>) target_semaphore(%run_scoped3A_56 : memref<!tpu.dma_semaphore, #tpu.memory_space<semaphore_mem>>)
      %dma_wait3A = arith.constant 0 : i32
      %dma_wait3A_62 = tpu.memref_slice %arg4[%arg0, %mul3A_55, %dma_wait3A] : memref<2x10240x128xf32, #tpu.memory_space<hbm>> -> memref<1x640x128xf32, #tpu.memory_space<hbm>>
      %dma_wait3A_63 = tpu.memref_squeeze %dma_wait3A_62 : memref<1x640x128xf32, #tpu.memory_space<hbm>> -> memref<640x128xf32, #tpu.memory_space<hbm>>
      %dma_wait3A_64 = arith.constant 0 : i32
      %dma_wait3A_65 = tpu.memref_slice %arg5[%mul3A_53, %dma_wait3A_64] : memref<10240x128xf32, #tpu.memory_space<vmem_shared>> -> memref<640x128xf32, #tpu.memory_space<vmem_shared>>
      tpu.wait_dma2 semaphore(%run_scoped3A_56 : memref<!tpu.dma_semaphore, #tpu.memory_space<semaphore_mem>>) src(%dma_wait3A_65 : memref<640x128xf32, #tpu.memory_space<vmem_shared>>) dst(%dma_wait3A_63 : memref<640x128xf32, #tpu.memory_space<hbm>>)
      tpu.yield
    }) : () -> ()
    return
  }
}

#map = affine_map<(d0, d1) -> (0, 0, 0, 0, 0)>
#map1 = affine_map<(d0, d1) -> (0, 0)>
#map2 = affine_map<(d0, d1) -> (0, 0, 0)>
module attributes {stable_mosaic.version = 14 : i64} {
  func.func @_edge_body(%arg0: i32, %arg1: i32, %arg2: memref<2x16x160x2x128xi32, #tpu.memory_space<hbm>>, %arg3: memref<20480x128xf32, #tpu.memory_space<hbm>>, %arg4: memref<2x10240x128xf32, #tpu.memory_space<hbm>>, %arg5: memref<10240x128xf32, #tpu.memory_space<vmem_shared>>, %arg6: memref<2x128xi32, #tpu.memory_space<vmem>>, %arg7: memref<2x128xi32, #tpu.memory_space<vmem>>, %arg8: memref<2x128xi32, #tpu.memory_space<vmem>>, %arg9: memref<2x128xi32, #tpu.memory_space<vmem>>, %arg10: memref<128x128xf32, #tpu.memory_space<vmem>>, %arg11: memref<128x128xf32, #tpu.memory_space<vmem>>, %arg12: memref<!tpu.dma_semaphore, #tpu.memory_space<semaphore_mem>>, %arg13: memref<!tpu.dma_semaphore, #tpu.memory_space<semaphore_mem>>, %arg14: memref<!tpu.dma_semaphore, #tpu.memory_space<semaphore_mem>>, %arg15: memref<!tpu.dma_semaphore, #tpu.memory_space<semaphore_mem>>) attributes {dimension_semantics = [#tpu.dimension_semantics<core_parallel>, #tpu.dimension_semantics<subcore_parallel>], iteration_bounds = array<i64: 2, 16>, scalar_prefetch = 0 : i64, scratch_operands = 11 : i64, tpu.core_type = #tpu.core_type<sc_vector_subcore>, window_params = [{transform_indices = #map}, {transform_indices = #map1}, {transform_indices = #map2}]} {
    %scan3A = arith.constant 0 : i32
    %scan3A_0 = arith.constant 0 : i32
    %scan3A_1 = arith.constant 1024 : i32
    %scan3A_2 = arith.addi %scan3A_0, %scan3A_1 : i32
    %scan3A_3 = arith.constant 1 : i32
    %scan3A_4 = scf.for %scan3A_56 = %scan3A_0 to %scan3A_2 step %scan3A_3 iter_args(%scan3A_57 = %scan3A) -> (i32)  : i32 {
      %broadcast_in_dim3A = arith.constant 0.000000e+00 : f32
      %broadcast_in_dim3A_58 = vector.broadcast %broadcast_in_dim3A : f32 to vector<16xf32>
      %jit3A = arith.constant 8 : i32
      %div3A = arith.divsi %scan3A_56, %jit3A : i32
      %sign3A = arith.constant 0 : i32
      %sign3A_59 = arith.cmpi sgt, %scan3A_56, %sign3A : i32
      %sign3A_60 = arith.extui %sign3A_59 : i1 to i32
      %sign3A_61 = arith.constant 0 : i32
      %sign3A_62 = arith.cmpi slt, %scan3A_56, %sign3A_61 : i32
      %sign3A_63 = arith.extui %sign3A_62 : i1 to i32
      %sign3A_64 = arith.subi %sign3A_60, %sign3A_63 : i32
      %sign3A_65 = arith.constant 0 : i32
      %sign3A_66 = arith.cmpi sgt, %jit3A, %sign3A_65 : i32
      %sign3A_67 = arith.extui %sign3A_66 : i1 to i32
      %sign3A_68 = arith.constant 0 : i32
      %sign3A_69 = arith.cmpi slt, %jit3A, %sign3A_68 : i32
      %sign3A_70 = arith.extui %sign3A_69 : i1 to i32
      %sign3A_71 = arith.subi %sign3A_67, %sign3A_70 : i32
      %ne3A = arith.cmpi ne, %sign3A_64, %sign3A_71 : i32
      %rem3A = arith.remsi %scan3A_56, %jit3A : i32
      %ne3A_72 = arith.constant 0 : i32
      %ne3A_73 = arith.cmpi ne, %rem3A, %ne3A_72 : i32
      %and3A = arith.andi %ne3A, %ne3A_73 : i1
      %sub3A = arith.constant 1 : i32
      %sub3A_74 = arith.subi %div3A, %sub3A : i32
      %select_n3A = arith.select %and3A, %sub3A_74, %div3A : i32
      %jit3A_75 = arith.constant 8 : i32
      %eq3A = arith.constant 0 : i32
      %eq3A_76 = arith.cmpi eq, %jit3A_75, %eq3A : i32
      %jit3A_77 = arith.constant 1 : i32
      %select_n3A_78 = arith.select %eq3A_76, %jit3A_77, %jit3A_75 : i32
      %rem3A_79 = arith.remsi %scan3A_56, %select_n3A_78 : i32
      %ne3A_80 = arith.constant 0 : i32
      %ne3A_81 = arith.cmpi ne, %rem3A_79, %ne3A_80 : i32
      %lt3A = arith.constant 0 : i32
      %lt3A_82 = arith.cmpi slt, %rem3A_79, %lt3A : i32
      %lt3A_83 = arith.constant 0 : i32
      %lt3A_84 = arith.cmpi slt, %select_n3A_78, %lt3A_83 : i32
      %ne3A_85 = arith.xori %lt3A_82, %lt3A_84 : i1
      %and3A_86 = arith.andi %ne3A_85, %ne3A_81 : i1
      %add3A = arith.addi %rem3A_79, %select_n3A_78 : i32
      %select_n3A_87 = arith.select %and3A_86, %add3A, %rem3A_79 : i32
      %mul3A_88 = arith.constant 16 : i32
      %mul3A_89 = arith.muli %select_n3A_87, %mul3A_88 : i32
      %swap3A = arith.index_cast %select_n3A : i32 to index
      %swap3A_90 = arith.index_cast %mul3A_89 : i32 to index
      %swap3A_91 = tpu.vector_load %arg10[%swap3A, %swap3A_90] {strides = array<i32>} : memref<128x128xf32, #tpu.memory_space<vmem>>, vector<1x16xf32>,
      %swap3A_92 = vector.shape_cast %swap3A_91 : vector<1x16xf32> to vector<16xf32>
      %swap3A_93 = vector.shape_cast %broadcast_in_dim3A_58 : vector<16xf32> to vector<1x16xf32>
      tpu.vector_store %arg10[%swap3A, %swap3A_90], %swap3A_93 {strides = array<i32>} : memref<128x128xf32, #tpu.memory_space<vmem>>, vector<1x16xf32>,
      %scan3A_94 = arith.constant 0 : i32
      scf.yield %scan3A_94 : i32
    }
    %scan3A_5 = arith.constant 1024 : i32
    %scan3A_6 = arith.constant 0 : i32
    %scan3A_7 = arith.constant 0 : i32
    %scan3A_8 = arith.constant 5 : i32
    %scan3A_9 = arith.addi %scan3A_7, %scan3A_8 : i32
    %scan3A_10 = arith.constant 1 : i32
    %scan3A_11 = scf.for %scan3A_56 = %scan3A_7 to %scan3A_9 step %scan3A_10 iter_args(%scan3A_57 = %scan3A_6) -> (i32)  : i32 {
      %mul3A_58 = arith.constant 640 : i32
      %mul3A_59 = arith.muli %arg1, %mul3A_58 : i32
      %mul3A_60 = arith.constant 128 : i32
      %mul3A_61 = arith.muli %scan3A_56, %mul3A_60 : i32
      %add3A = arith.addi %mul3A_59, %mul3A_61 : i32
      "tpu.region"() ({
        %run_scoped3A_63 = tpu.sem_alloc : memref<!tpu.dma_semaphore, #tpu.memory_space<semaphore_mem>>
        %dma_start3A_64 = arith.constant 0 : i32
        %dma_start3A_65 = tpu.memref_slice %arg5[%add3A, %dma_start3A_64] : memref<10240x128xf32, #tpu.memory_space<vmem_shared>> -> memref<128x128xf32, #tpu.memory_space<vmem_shared>>
        %dma_start3A_66 = arith.constant 0 : i32
        %dma_start3A_67 = tpu.memref_slice %arg5[%add3A, %dma_start3A_66] : memref<10240x128xf32, #tpu.memory_space<vmem_shared>> -> memref<128x128xf32, #tpu.memory_space<vmem_shared>>
        tpu.enqueue_dma source(%arg10 : memref<128x128xf32, #tpu.memory_space<vmem>>) target(%dma_start3A_67 : memref<128x128xf32, #tpu.memory_space<vmem_shared>>) target_semaphore(%run_scoped3A_63 : memref<!tpu.dma_semaphore, #tpu.memory_space<semaphore_mem>>)
        %dma_wait3A = arith.constant 0 : i32
        %dma_wait3A_68 = tpu.memref_slice %arg5[%add3A, %dma_wait3A] : memref<10240x128xf32, #tpu.memory_space<vmem_shared>> -> memref<128x128xf32, #tpu.memory_space<vmem_shared>>
        %dma_wait3A_69 = arith.constant 0 : i32
        %dma_wait3A_70 = tpu.memref_slice %arg5[%add3A, %dma_wait3A_69] : memref<10240x128xf32, #tpu.memory_space<vmem_shared>> -> memref<128x128xf32, #tpu.memory_space<vmem_shared>>
        tpu.wait_dma2 semaphore(%run_scoped3A_63 : memref<!tpu.dma_semaphore, #tpu.memory_space<semaphore_mem>>) src(%arg10 : memref<128x128xf32, #tpu.memory_space<vmem>>) dst(%dma_wait3A_70 : memref<128x128xf32, #tpu.memory_space<vmem_shared>>)
        tpu.yield
      }) : () -> ()
      %scan3A_62 = arith.constant 0 : i32
      scf.yield %scan3A_62 : i32
    }
    %scan3A_12 = arith.constant 5 : i32
    %barrier3A = arith.constant 0 : index
    tpu.barrier barrier_id(%barrier3A)
    %run_scoped3A = arith.constant 0 : i32
    "tpu.region"() ({
      %run_scoped3A_56 = tpu.sem_alloc : memref<!tpu.dma_semaphore, #tpu.memory_space<semaphore_mem>>
      %dma_start3A_57 = arith.constant 0 : i32
      %dma_start3A_58 = arith.constant 0 : i32
      %dma_start3A_59 = tpu.memref_slice %arg2[%arg0, %arg1, %run_scoped3A, %dma_start3A_57, %dma_start3A_58] : memref<2x16x160x2x128xi32, #tpu.memory_space<hbm>> -> memref<1x1x1x2x128xi32, #tpu.memory_space<hbm>>
      %dma_start3A_60 = tpu.memref_squeeze %dma_start3A_59 : memref<1x1x1x2x128xi32, #tpu.memory_space<hbm>> -> memref<2x128xi32, #tpu.memory_space<hbm>>
      %dma_start3A_61 = arith.constant 0 : i32
      %dma_start3A_62 = arith.constant 0 : i32
      %dma_start3A_63 = tpu.memref_slice %arg2[%arg0, %arg1, %run_scoped3A, %dma_start3A_61, %dma_start3A_62] : memref<2x16x160x2x128xi32, #tpu.memory_space<hbm>> -> memref<1x1x1x2x128xi32, #tpu.memory_space<hbm>>
      %dma_start3A_64 = tpu.memref_squeeze %dma_start3A_63 : memref<1x1x1x2x128xi32, #tpu.memory_space<hbm>> -> memref<2x128xi32, #tpu.memory_space<hbm>>
      tpu.enqueue_dma source(%dma_start3A_64 : memref<2x128xi32, #tpu.memory_space<hbm>>) target(%arg6 : memref<2x128xi32, #tpu.memory_space<vmem>>) target_semaphore(%run_scoped3A_56 : memref<!tpu.dma_semaphore, #tpu.memory_space<semaphore_mem>>)
      %dma_wait3A = arith.constant 0 : i32
      %dma_wait3A_65 = arith.constant 0 : i32
      %dma_wait3A_66 = tpu.memref_slice %arg2[%arg0, %arg1, %run_scoped3A, %dma_wait3A, %dma_wait3A_65] : memref<2x16x160x2x128xi32, #tpu.memory_space<hbm>> -> memref<1x1x1x2x128xi32, #tpu.memory_space<hbm>>
      %dma_wait3A_67 = tpu.memref_squeeze %dma_wait3A_66 : memref<1x1x1x2x128xi32, #tpu.memory_space<hbm>> -> memref<2x128xi32, #tpu.memory_space<hbm>>
      %dma_wait3A_68 = arith.constant 0 : i32
      %dma_wait3A_69 = arith.constant 0 : i32
      %dma_wait3A_70 = tpu.memref_slice %arg2[%arg0, %arg1, %run_scoped3A, %dma_wait3A_68, %dma_wait3A_69] : memref<2x16x160x2x128xi32, #tpu.memory_space<hbm>> -> memref<1x1x1x2x128xi32, #tpu.memory_space<hbm>>
      %dma_wait3A_71 = tpu.memref_squeeze %dma_wait3A_70 : memref<1x1x1x2x128xi32, #tpu.memory_space<hbm>> -> memref<2x128xi32, #tpu.memory_space<hbm>>
      tpu.wait_dma2 semaphore(%run_scoped3A_56 : memref<!tpu.dma_semaphore, #tpu.memory_space<semaphore_mem>>) src(%dma_wait3A_71 : memref<2x128xi32, #tpu.memory_space<hbm>>) dst(%arg6 : memref<2x128xi32, #tpu.memory_space<vmem>>)
      tpu.yield
    }) : () -> ()
    %run_scoped3A_13 = arith.constant 1 : i32
    "tpu.region"() ({
      %run_scoped3A_56 = tpu.sem_alloc : memref<!tpu.dma_semaphore, #tpu.memory_space<semaphore_mem>>
      %dma_start3A_57 = arith.constant 0 : i32
      %dma_start3A_58 = arith.constant 0 : i32
      %dma_start3A_59 = tpu.memref_slice %arg2[%arg0, %arg1, %run_scoped3A_13, %dma_start3A_57, %dma_start3A_58] : memref<2x16x160x2x128xi32, #tpu.memory_space<hbm>> -> memref<1x1x1x2x128xi32, #tpu.memory_space<hbm>>
      %dma_start3A_60 = tpu.memref_squeeze %dma_start3A_59 : memref<1x1x1x2x128xi32, #tpu.memory_space<hbm>> -> memref<2x128xi32, #tpu.memory_space<hbm>>
      %dma_start3A_61 = arith.constant 0 : i32
      %dma_start3A_62 = arith.constant 0 : i32
      %dma_start3A_63 = tpu.memref_slice %arg2[%arg0, %arg1, %run_scoped3A_13, %dma_start3A_61, %dma_start3A_62] : memref<2x16x160x2x128xi32, #tpu.memory_space<hbm>> -> memref<1x1x1x2x128xi32, #tpu.memory_space<hbm>>
      %dma_start3A_64 = tpu.memref_squeeze %dma_start3A_63 : memref<1x1x1x2x128xi32, #tpu.memory_space<hbm>> -> memref<2x128xi32, #tpu.memory_space<hbm>>
      tpu.enqueue_dma source(%dma_start3A_64 : memref<2x128xi32, #tpu.memory_space<hbm>>) target(%arg7 : memref<2x128xi32, #tpu.memory_space<vmem>>) target_semaphore(%run_scoped3A_56 : memref<!tpu.dma_semaphore, #tpu.memory_space<semaphore_mem>>)
      %dma_wait3A = arith.constant 0 : i32
      %dma_wait3A_65 = arith.constant 0 : i32
      %dma_wait3A_66 = tpu.memref_slice %arg2[%arg0, %arg1, %run_scoped3A_13, %dma_wait3A, %dma_wait3A_65] : memref<2x16x160x2x128xi32, #tpu.memory_space<hbm>> -> memref<1x1x1x2x128xi32, #tpu.memory_space<hbm>>
      %dma_wait3A_67 = tpu.memref_squeeze %dma_wait3A_66 : memref<1x1x1x2x128xi32, #tpu.memory_space<hbm>> -> memref<2x128xi32, #tpu.memory_space<hbm>>
      %dma_wait3A_68 = arith.constant 0 : i32
      %dma_wait3A_69 = arith.constant 0 : i32
      %dma_wait3A_70 = tpu.memref_slice %arg2[%arg0, %arg1, %run_scoped3A_13, %dma_wait3A_68, %dma_wait3A_69] : memref<2x16x160x2x128xi32, #tpu.memory_space<hbm>> -> memref<1x1x1x2x128xi32, #tpu.memory_space<hbm>>
      %dma_wait3A_71 = tpu.memref_squeeze %dma_wait3A_70 : memref<1x1x1x2x128xi32, #tpu.memory_space<hbm>> -> memref<2x128xi32, #tpu.memory_space<hbm>>
      tpu.wait_dma2 semaphore(%run_scoped3A_56 : memref<!tpu.dma_semaphore, #tpu.memory_space<semaphore_mem>>) src(%dma_wait3A_71 : memref<2x128xi32, #tpu.memory_space<hbm>>) dst(%arg7 : memref<2x128xi32, #tpu.memory_space<vmem>>)
      tpu.yield
    }) : () -> ()
    %dma_start3A = arith.constant 2 : i32
    %dma_start3A_14 = arith.constant 0 : i32
    %dma_start3A_15 = arith.constant 0 : i32
    %dma_start3A_16 = tpu.memref_slice %arg2[%arg0, %arg1, %dma_start3A, %dma_start3A_14, %dma_start3A_15] : memref<2x16x160x2x128xi32, #tpu.memory_space<hbm>> -> memref<1x1x1x2x128xi32, #tpu.memory_space<hbm>>
    %dma_start3A_17 = tpu.memref_squeeze %dma_start3A_16 : memref<1x1x1x2x128xi32, #tpu.memory_space<hbm>> -> memref<2x128xi32, #tpu.memory_space<hbm>>
    %dma_start3A_18 = arith.constant 0 : i32
    %dma_start3A_19 = arith.constant 0 : i32
    %dma_start3A_20 = tpu.memref_slice %arg2[%arg0, %arg1, %dma_start3A, %dma_start3A_18, %dma_start3A_19] : memref<2x16x160x2x128xi32, #tpu.memory_space<hbm>> -> memref<1x1x1x2x128xi32, #tpu.memory_space<hbm>>
    %dma_start3A_21 = tpu.memref_squeeze %dma_start3A_20 : memref<1x1x1x2x128xi32, #tpu.memory_space<hbm>> -> memref<2x128xi32, #tpu.memory_space<hbm>>
    tpu.enqueue_dma source(%dma_start3A_21 : memref<2x128xi32, #tpu.memory_space<hbm>>) target(%arg8 : memref<2x128xi32, #tpu.memory_space<vmem>>) target_semaphore(%arg14 : memref<!tpu.dma_semaphore, #tpu.memory_space<semaphore_mem>>)
    %dma_start3A_22 = arith.constant 3 : i32
    %dma_start3A_23 = arith.constant 0 : i32
    %dma_start3A_24 = arith.constant 0 : i32
    %dma_start3A_25 = tpu.memref_slice %arg2[%arg0, %arg1, %dma_start3A_22, %dma_start3A_23, %dma_start3A_24] : memref<2x16x160x2x128xi32, #tpu.memory_space<hbm>> -> memref<1x1x1x2x128xi32, #tpu.memory_space<hbm>>
    %dma_start3A_26 = tpu.memref_squeeze %dma_start3A_25 : memref<1x1x1x2x128xi32, #tpu.memory_space<hbm>> -> memref<2x128xi32, #tpu.memory_space<hbm>>
    %dma_start3A_27 = arith.constant 0 : i32
    %dma_start3A_28 = arith.constant 0 : i32
    %dma_start3A_29 = tpu.memref_slice %arg2[%arg0, %arg1, %dma_start3A_22, %dma_start3A_27, %dma_start3A_28] : memref<2x16x160x2x128xi32, #tpu.memory_space<hbm>> -> memref<1x1x1x2x128xi32, #tpu.memory_space<hbm>>
    %dma_start3A_30 = tpu.memref_squeeze %dma_start3A_29 : memref<1x1x1x2x128xi32, #tpu.memory_space<hbm>> -> memref<2x128xi32, #tpu.memory_space<hbm>>
    tpu.enqueue_dma source(%dma_start3A_30 : memref<2x128xi32, #tpu.memory_space<hbm>>) target(%arg9 : memref<2x128xi32, #tpu.memory_space<vmem>>) target_semaphore(%arg15 : memref<!tpu.dma_semaphore, #tpu.memory_space<semaphore_mem>>)
    %dma_start3A_31 = arith.constant 0 : i32
    %dma_start3A_32 = arith.constant 0 : i32
    %dma_start3A_33 = tpu.memref_slice %arg6[%dma_start3A_31, %dma_start3A_32] : memref<2x128xi32, #tpu.memory_space<vmem>> -> memref<1x128xi32, #tpu.memory_space<vmem>>
    %dma_start3A_34 = tpu.memref_squeeze %dma_start3A_33 : memref<1x128xi32, #tpu.memory_space<vmem>> -> memref<128xi32, #tpu.memory_space<vmem>>
    %dma_start3A_35 = arith.constant 0 : i32
    %dma_start3A_36 = arith.constant 0 : i32
    %dma_start3A_37 = tpu.memref_slice %arg3[%dma_start3A_35, %dma_start3A_36] : memref<20480x128xf32, #tpu.memory_space<hbm>> -> memref<20480x128xf32, #tpu.memory_space<hbm>>
    tpu.enqueue_indirect_dma source(%dma_start3A_37 : memref<20480x128xf32, #tpu.memory_space<hbm>>) target(%arg10 : memref<128x128xf32, #tpu.memory_space<vmem>>) offsets(%dma_start3A_34 : memref<128xi32, #tpu.memory_space<vmem>>) semaphore(%arg12 : memref<!tpu.dma_semaphore, #tpu.memory_space<semaphore_mem>>)
    %dma_start3A_38 = arith.constant 0 : i32
    %dma_start3A_39 = arith.constant 0 : i32
    %dma_start3A_40 = tpu.memref_slice %arg7[%dma_start3A_38, %dma_start3A_39] : memref<2x128xi32, #tpu.memory_space<vmem>> -> memref<1x128xi32, #tpu.memory_space<vmem>>
    %dma_start3A_41 = tpu.memref_squeeze %dma_start3A_40 : memref<1x128xi32, #tpu.memory_space<vmem>> -> memref<128xi32, #tpu.memory_space<vmem>>
    %dma_start3A_42 = arith.constant 0 : i32
    %dma_start3A_43 = arith.constant 0 : i32
    %dma_start3A_44 = tpu.memref_slice %arg3[%dma_start3A_42, %dma_start3A_43] : memref<20480x128xf32, #tpu.memory_space<hbm>> -> memref<20480x128xf32, #tpu.memory_space<hbm>>
    tpu.enqueue_indirect_dma source(%dma_start3A_44 : memref<20480x128xf32, #tpu.memory_space<hbm>>) target(%arg11 : memref<128x128xf32, #tpu.memory_space<vmem>>) offsets(%dma_start3A_41 : memref<128xi32, #tpu.memory_space<vmem>>) semaphore(%arg13 : memref<!tpu.dma_semaphore, #tpu.memory_space<semaphore_mem>>)
    %scan3A_45 = arith.constant 0 : i32
    %scan3A_46 = arith.constant 0 : i32
    %scan3A_47 = arith.constant 40 : i32
    %scan3A_48 = arith.addi %scan3A_46, %scan3A_47 : i32
    %scan3A_49 = arith.constant 1 : i32
    %scan3A_50 = scf.for %scan3A_56 = %scan3A_46 to %scan3A_48 step %scan3A_49 iter_args(%scan3A_57 = %scan3A_45) -> (i32)  : i32 {
      %mul3A_58 = arith.constant 2 : i32
      %mul3A_59 = arith.muli %scan3A_56, %mul3A_58 : i32
      %mul3A_60 = arith.constant 2 : i32
      %mul3A_61 = arith.muli %mul3A_59, %mul3A_60 : i32
      %add3A = arith.constant 0 : i32
      %add3A_62 = arith.addi %mul3A_61, %add3A : i32
      %add3A_63 = arith.constant 0 : i32
      %add3A_64 = arith.addi %add3A_62, %add3A_63 : i32
      %dma_wait3A = arith.constant 0 : i32
      %dma_wait3A_65 = arith.constant 0 : i32
      %dma_wait3A_66 = tpu.memref_slice %arg3[%dma_wait3A, %dma_wait3A_65] : memref<20480x128xf32, #tpu.memory_space<hbm>> -> memref<128x128xf32, #tpu.memory_space<hbm>>
      %dma_wait3A_67 = arith.constant 0 : i32
      %dma_wait3A_68 = arith.constant 0 : i32
      %dma_wait3A_69 = tpu.memref_slice %arg3[%dma_wait3A_67, %dma_wait3A_68] : memref<20480x128xf32, #tpu.memory_space<hbm>> -> memref<128x128xf32, #tpu.memory_space<hbm>>
      tpu.wait_dma2 semaphore(%arg12 : memref<!tpu.dma_semaphore, #tpu.memory_space<semaphore_mem>>) src(%dma_wait3A_69 : memref<128x128xf32, #tpu.memory_space<hbm>>) dst(%arg10 : memref<128x128xf32, #tpu.memory_space<vmem>>)
      %run_scoped3A_70 = arith.constant 1 : i32
      "tpu.region"() ({
        %run_scoped3A_170 = tpu.sem_alloc : memref<!tpu.dma_semaphore, #tpu.memory_space<semaphore_mem>>
        %dma_start3A_171 = arith.constant 0 : i32
        %dma_start3A_172 = tpu.memref_slice %arg6[%run_scoped3A_70, %dma_start3A_171] : memref<2x128xi32, #tpu.memory_space<vmem>> -> memref<1x128xi32, #tpu.memory_space<vmem>>
        %dma_start3A_173 = tpu.memref_squeeze %dma_start3A_172 : memref<1x128xi32, #tpu.memory_space<vmem>> -> memref<128xi32, #tpu.memory_space<vmem>>
        %dma_start3A_174 = arith.constant 0 : i32
        %dma_start3A_175 = arith.constant 0 : i32
        %dma_start3A_176 = tpu.memref_slice %arg5[%dma_start3A_174, %dma_start3A_175] : memref<10240x128xf32, #tpu.memory_space<vmem_shared>> -> memref<10240x128xf32, #tpu.memory_space<vmem_shared>>
        tpu.enqueue_indirect_dma source(%arg10 : memref<128x128xf32, #tpu.memory_space<vmem>>) target(%dma_start3A_176 : memref<10240x128xf32, #tpu.memory_space<vmem_shared>>) offsets(%dma_start3A_173 : memref<128xi32, #tpu.memory_space<vmem>>) semaphore(%run_scoped3A_170 : memref<!tpu.dma_semaphore, #tpu.memory_space<semaphore_mem>>) {add = true}
        %dma_wait3A_177 = arith.constant 0 : i32
        %dma_wait3A_178 = tpu.memref_slice %arg6[%run_scoped3A_70, %dma_wait3A_177] : memref<2x128xi32, #tpu.memory_space<vmem>> -> memref<1x128xi32, #tpu.memory_space<vmem>>
        %dma_wait3A_179 = tpu.memref_squeeze %dma_wait3A_178 : memref<1x128xi32, #tpu.memory_space<vmem>> -> memref<128xi32, #tpu.memory_space<vmem>>
        %dma_wait3A_180 = arith.constant 0 : i32
        %dma_wait3A_181 = arith.constant 0 : i32
        %dma_wait3A_182 = tpu.memref_slice %arg5[%dma_wait3A_180, %dma_wait3A_181] : memref<10240x128xf32, #tpu.memory_space<vmem_shared>> -> memref<10240x128xf32, #tpu.memory_space<vmem_shared>>
        tpu.wait_indirect_dma semaphore(%run_scoped3A_170 : memref<!tpu.dma_semaphore, #tpu.memory_space<semaphore_mem>>) src(%arg10 : memref<128x128xf32, #tpu.memory_space<vmem>>) dst(%dma_wait3A_182 : memref<10240x128xf32, #tpu.memory_space<vmem_shared>>)
        tpu.yield
      }) : () -> ()
      %add3A_71 = arith.constant 2 : i32
      %add3A_72 = arith.addi %add3A_64, %add3A_71 : i32
      %lt3A = arith.constant 160 : i32
      %lt3A_73 = arith.cmpi slt, %add3A_72, %lt3A : i32
      %convert_element_type3A = arith.extui %lt3A_73 : i1 to i32
      %cond3A = arith.constant 0 : i32
      %cond3A_74 = arith.cmpi ne, %convert_element_type3A, %cond3A : i32
      scf.if %cond3A_74 {
        %dma_wait3A_170 = arith.constant 0 : i32
        %dma_wait3A_171 = arith.constant 0 : i32
        %dma_wait3A_172 = arith.constant 0 : i32
        %dma_wait3A_173 = tpu.memref_slice %arg2[%arg0, %arg1, %dma_wait3A_170, %dma_wait3A_171, %dma_wait3A_172] : memref<2x16x160x2x128xi32, #tpu.memory_space<hbm>> -> memref<1x1x1x2x128xi32, #tpu.memory_space<hbm>>
        %dma_wait3A_174 = tpu.memref_squeeze %dma_wait3A_173 : memref<1x1x1x2x128xi32, #tpu.memory_space<hbm>> -> memref<2x128xi32, #tpu.memory_space<hbm>>
        %dma_wait3A_175 = arith.constant 0 : i32
        %dma_wait3A_176 = arith.constant 0 : i32
        %dma_wait3A_177 = tpu.memref_slice %arg2[%arg0, %arg1, %dma_wait3A_170, %dma_wait3A_175, %dma_wait3A_176] : memref<2x16x160x2x128xi32, #tpu.memory_space<hbm>> -> memref<1x1x1x2x128xi32, #tpu.memory_space<hbm>>
        %dma_wait3A_178 = tpu.memref_squeeze %dma_wait3A_177 : memref<1x1x1x2x128xi32, #tpu.memory_space<hbm>> -> memref<2x128xi32, #tpu.memory_space<hbm>>
        tpu.wait_dma2 semaphore(%arg14 : memref<!tpu.dma_semaphore, #tpu.memory_space<semaphore_mem>>) src(%dma_wait3A_178 : memref<2x128xi32, #tpu.memory_space<hbm>>) dst(%arg6 : memref<2x128xi32, #tpu.memory_space<vmem>>)
        %dma_start3A_179 = arith.constant 0 : i32
        %dma_start3A_180 = arith.constant 0 : i32
        %dma_start3A_181 = tpu.memref_slice %arg8[%dma_start3A_179, %dma_start3A_180] : memref<2x128xi32, #tpu.memory_space<vmem>> -> memref<1x128xi32, #tpu.memory_space<vmem>>
        %dma_start3A_182 = tpu.memref_squeeze %dma_start3A_181 : memref<1x128xi32, #tpu.memory_space<vmem>> -> memref<128xi32, #tpu.memory_space<vmem>>
        %dma_start3A_183 = arith.constant 0 : i32
        %dma_start3A_184 = arith.constant 0 : i32
        %dma_start3A_185 = tpu.memref_slice %arg3[%dma_start3A_183, %dma_start3A_184] : memref<20480x128xf32, #tpu.memory_space<hbm>> -> memref<20480x128xf32, #tpu.memory_space<hbm>>
        tpu.enqueue_indirect_dma source(%dma_start3A_185 : memref<20480x128xf32, #tpu.memory_space<hbm>>) target(%arg10 : memref<128x128xf32, #tpu.memory_space<vmem>>) offsets(%dma_start3A_182 : memref<128xi32, #tpu.memory_space<vmem>>) semaphore(%arg12 : memref<!tpu.dma_semaphore, #tpu.memory_space<semaphore_mem>>)
      } else {
      }
      %add3A_75 = arith.constant 4 : i32
      %add3A_76 = arith.addi %add3A_64, %add3A_75 : i32
      %lt3A_77 = arith.constant 160 : i32
      %lt3A_78 = arith.cmpi slt, %add3A_76, %lt3A_77 : i32
      %convert_element_type3A_79 = arith.extui %lt3A_78 : i1 to i32
      %cond3A_80 = arith.constant 0 : i32
      %cond3A_81 = arith.cmpi ne, %convert_element_type3A_79, %cond3A_80 : i32
      scf.if %cond3A_81 {
        %add3A_170 = arith.constant 4 : i32
        %add3A_171 = arith.addi %add3A_64, %add3A_170 : i32
        %dma_start3A_172 = arith.constant 0 : i32
        %dma_start3A_173 = arith.constant 0 : i32
        %dma_start3A_174 = tpu.memref_slice %arg2[%arg0, %arg1, %add3A_171, %dma_start3A_172, %dma_start3A_173] : memref<2x16x160x2x128xi32, #tpu.memory_space<hbm>> -> memref<1x1x1x2x128xi32, #tpu.memory_space<hbm>>
        %dma_start3A_175 = tpu.memref_squeeze %dma_start3A_174 : memref<1x1x1x2x128xi32, #tpu.memory_space<hbm>> -> memref<2x128xi32, #tpu.memory_space<hbm>>
        %dma_start3A_176 = arith.constant 0 : i32
        %dma_start3A_177 = arith.constant 0 : i32
        %dma_start3A_178 = tpu.memref_slice %arg2[%arg0, %arg1, %add3A_171, %dma_start3A_176, %dma_start3A_177] : memref<2x16x160x2x128xi32, #tpu.memory_space<hbm>> -> memref<1x1x1x2x128xi32, #tpu.memory_space<hbm>>
        %dma_start3A_179 = tpu.memref_squeeze %dma_start3A_178 : memref<1x1x1x2x128xi32, #tpu.memory_space<hbm>> -> memref<2x128xi32, #tpu.memory_space<hbm>>
        tpu.enqueue_dma source(%dma_start3A_179 : memref<2x128xi32, #tpu.memory_space<hbm>>) target(%arg6 : memref<2x128xi32, #tpu.memory_space<vmem>>) target_semaphore(%arg14 : memref<!tpu.dma_semaphore, #tpu.memory_space<semaphore_mem>>)
      } else {
      }
      %mul3A_82 = arith.constant 2 : i32
      %mul3A_83 = arith.muli %scan3A_56, %mul3A_82 : i32
      %mul3A_84 = arith.constant 2 : i32
      %mul3A_85 = arith.muli %mul3A_83, %mul3A_84 : i32
      %add3A_86 = arith.constant 0 : i32
      %add3A_87 = arith.addi %mul3A_85, %add3A_86 : i32
      %add3A_88 = arith.constant 1 : i32
      %add3A_89 = arith.addi %add3A_87, %add3A_88 : i32
      %dma_wait3A_90 = arith.constant 0 : i32
      %dma_wait3A_91 = arith.constant 0 : i32
      %dma_wait3A_92 = tpu.memref_slice %arg3[%dma_wait3A_90, %dma_wait3A_91] : memref<20480x128xf32, #tpu.memory_space<hbm>> -> memref<128x128xf32, #tpu.memory_space<hbm>>
      %dma_wait3A_93 = arith.constant 0 : i32
      %dma_wait3A_94 = arith.constant 0 : i32
      %dma_wait3A_95 = tpu.memref_slice %arg3[%dma_wait3A_93, %dma_wait3A_94] : memref<20480x128xf32, #tpu.memory_space<hbm>> -> memref<128x128xf32, #tpu.memory_space<hbm>>
      tpu.wait_dma2 semaphore(%arg13 : memref<!tpu.dma_semaphore, #tpu.memory_space<semaphore_mem>>) src(%dma_wait3A_95 : memref<128x128xf32, #tpu.memory_space<hbm>>) dst(%arg11 : memref<128x128xf32, #tpu.memory_space<vmem>>)
      %run_scoped3A_96 = arith.constant 1 : i32
      "tpu.region"() ({
        %run_scoped3A_170 = tpu.sem_alloc : memref<!tpu.dma_semaphore, #tpu.memory_space<semaphore_mem>>
        %dma_start3A_171 = arith.constant 0 : i32
        %dma_start3A_172 = tpu.memref_slice %arg7[%run_scoped3A_96, %dma_start3A_171] : memref<2x128xi32, #tpu.memory_space<vmem>> -> memref<1x128xi32, #tpu.memory_space<vmem>>
        %dma_start3A_173 = tpu.memref_squeeze %dma_start3A_172 : memref<1x128xi32, #tpu.memory_space<vmem>> -> memref<128xi32, #tpu.memory_space<vmem>>
        %dma_start3A_174 = arith.constant 0 : i32
        %dma_start3A_175 = arith.constant 0 : i32
        %dma_start3A_176 = tpu.memref_slice %arg5[%dma_start3A_174, %dma_start3A_175] : memref<10240x128xf32, #tpu.memory_space<vmem_shared>> -> memref<10240x128xf32, #tpu.memory_space<vmem_shared>>
        tpu.enqueue_indirect_dma source(%arg11 : memref<128x128xf32, #tpu.memory_space<vmem>>) target(%dma_start3A_176 : memref<10240x128xf32, #tpu.memory_space<vmem_shared>>) offsets(%dma_start3A_173 : memref<128xi32, #tpu.memory_space<vmem>>) semaphore(%run_scoped3A_170 : memref<!tpu.dma_semaphore, #tpu.memory_space<semaphore_mem>>) {add = true}
        %dma_wait3A_177 = arith.constant 0 : i32
        %dma_wait3A_178 = tpu.memref_slice %arg7[%run_scoped3A_96, %dma_wait3A_177] : memref<2x128xi32, #tpu.memory_space<vmem>> -> memref<1x128xi32, #tpu.memory_space<vmem>>
        %dma_wait3A_179 = tpu.memref_squeeze %dma_wait3A_178 : memref<1x128xi32, #tpu.memory_space<vmem>> -> memref<128xi32, #tpu.memory_space<vmem>>
        %dma_wait3A_180 = arith.constant 0 : i32
        %dma_wait3A_181 = arith.constant 0 : i32
        %dma_wait3A_182 = tpu.memref_slice %arg5[%dma_wait3A_180, %dma_wait3A_181] : memref<10240x128xf32, #tpu.memory_space<vmem_shared>> -> memref<10240x128xf32, #tpu.memory_space<vmem_shared>>
        tpu.wait_indirect_dma semaphore(%run_scoped3A_170 : memref<!tpu.dma_semaphore, #tpu.memory_space<semaphore_mem>>) src(%arg11 : memref<128x128xf32, #tpu.memory_space<vmem>>) dst(%dma_wait3A_182 : memref<10240x128xf32, #tpu.memory_space<vmem_shared>>)
        tpu.yield
      }) : () -> ()
      %add3A_97 = arith.constant 2 : i32
      %add3A_98 = arith.addi %add3A_89, %add3A_97 : i32
      %lt3A_99 = arith.constant 160 : i32
      %lt3A_100 = arith.cmpi slt, %add3A_98, %lt3A_99 : i32
      %convert_element_type3A_101 = arith.extui %lt3A_100 : i1 to i32
      %cond3A_102 = arith.constant 0 : i32
      %cond3A_103 = arith.cmpi ne, %convert_element_type3A_101, %cond3A_102 : i32
      scf.if %cond3A_103 {
        %dma_wait3A_170 = arith.constant 0 : i32
        %dma_wait3A_171 = arith.constant 0 : i32
        %dma_wait3A_172 = arith.constant 0 : i32
        %dma_wait3A_173 = tpu.memref_slice %arg2[%arg0, %arg1, %dma_wait3A_170, %dma_wait3A_171, %dma_wait3A_172] : memref<2x16x160x2x128xi32, #tpu.memory_space<hbm>> -> memref<1x1x1x2x128xi32, #tpu.memory_space<hbm>>
        %dma_wait3A_174 = tpu.memref_squeeze %dma_wait3A_173 : memref<1x1x1x2x128xi32, #tpu.memory_space<hbm>> -> memref<2x128xi32, #tpu.memory_space<hbm>>
        %dma_wait3A_175 = arith.constant 0 : i32
        %dma_wait3A_176 = arith.constant 0 : i32
        %dma_wait3A_177 = tpu.memref_slice %arg2[%arg0, %arg1, %dma_wait3A_170, %dma_wait3A_175, %dma_wait3A_176] : memref<2x16x160x2x128xi32, #tpu.memory_space<hbm>> -> memref<1x1x1x2x128xi32, #tpu.memory_space<hbm>>
        %dma_wait3A_178 = tpu.memref_squeeze %dma_wait3A_177 : memref<1x1x1x2x128xi32, #tpu.memory_space<hbm>> -> memref<2x128xi32, #tpu.memory_space<hbm>>
        tpu.wait_dma2 semaphore(%arg15 : memref<!tpu.dma_semaphore, #tpu.memory_space<semaphore_mem>>) src(%dma_wait3A_178 : memref<2x128xi32, #tpu.memory_space<hbm>>) dst(%arg7 : memref<2x128xi32, #tpu.memory_space<vmem>>)
        %dma_start3A_179 = arith.constant 0 : i32
        %dma_start3A_180 = arith.constant 0 : i32
        %dma_start3A_181 = tpu.memref_slice %arg9[%dma_start3A_179, %dma_start3A_180] : memref<2x128xi32, #tpu.memory_space<vmem>> -> memref<1x128xi32, #tpu.memory_space<vmem>>
        %dma_start3A_182 = tpu.memref_squeeze %dma_start3A_181 : memref<1x128xi32, #tpu.memory_space<vmem>> -> memref<128xi32, #tpu.memory_space<vmem>>
        %dma_start3A_183 = arith.constant 0 : i32
        %dma_start3A_184 = arith.constant 0 : i32
        %dma_start3A_185 = tpu.memref_slice %arg3[%dma_start3A_183, %dma_start3A_184] : memref<20480x128xf32, #tpu.memory_space<hbm>> -> memref<20480x128xf32, #tpu.memory_space<hbm>>
        tpu.enqueue_indirect_dma source(%dma_start3A_185 : memref<20480x128xf32, #tpu.memory_space<hbm>>) target(%arg11 : memref<128x128xf32, #tpu.memory_space<vmem>>) offsets(%dma_start3A_182 : memref<128xi32, #tpu.memory_space<vmem>>) semaphore(%arg13 : memref<!tpu.dma_semaphore, #tpu.memory_space<semaphore_mem>>)
      } else {
      }
      %add3A_104 = arith.constant 4 : i32
      %add3A_105 = arith.addi %add3A_89, %add3A_104 : i32
      %lt3A_106 = arith.constant 160 : i32
      %lt3A_107 = arith.cmpi slt, %add3A_105, %lt3A_106 : i32
      %convert_element_type3A_108 = arith.extui %lt3A_107 : i1 to i32
      %cond3A_109 = arith.constant 0 : i32
      %cond3A_110 = arith.cmpi ne, %convert_element_type3A_108, %cond3A_109 : i32
      scf.if %cond3A_110 {
        %add3A_170 = arith.constant 4 : i32
        %add3A_171 = arith.addi %add3A_89, %add3A_170 : i32
        %dma_start3A_172 = arith.constant 0 : i32
        %dma_start3A_173 = arith.constant 0 : i32
        %dma_start3A_174 = tpu.memref_slice %arg2[%arg0, %arg1, %add3A_171, %dma_start3A_172, %dma_start3A_173] : memref<2x16x160x2x128xi32, #tpu.memory_space<hbm>> -> memref<1x1x1x2x128xi32, #tpu.memory_space<hbm>>
        %dma_start3A_175 = tpu.memref_squeeze %dma_start3A_174 : memref<1x1x1x2x128xi32, #tpu.memory_space<hbm>> -> memref<2x128xi32, #tpu.memory_space<hbm>>
        %dma_start3A_176 = arith.constant 0 : i32
        %dma_start3A_177 = arith.constant 0 : i32
        %dma_start3A_178 = tpu.memref_slice %arg2[%arg0, %arg1, %add3A_171, %dma_start3A_176, %dma_start3A_177] : memref<2x16x160x2x128xi32, #tpu.memory_space<hbm>> -> memref<1x1x1x2x128xi32, #tpu.memory_space<hbm>>
        %dma_start3A_179 = tpu.memref_squeeze %dma_start3A_178 : memref<1x1x1x2x128xi32, #tpu.memory_space<hbm>> -> memref<2x128xi32, #tpu.memory_space<hbm>>
        tpu.enqueue_dma source(%dma_start3A_179 : memref<2x128xi32, #tpu.memory_space<hbm>>) target(%arg7 : memref<2x128xi32, #tpu.memory_space<vmem>>) target_semaphore(%arg15 : memref<!tpu.dma_semaphore, #tpu.memory_space<semaphore_mem>>)
      } else {
      }
      %mul3A_111 = arith.constant 2 : i32
      %mul3A_112 = arith.muli %scan3A_56, %mul3A_111 : i32
      %mul3A_113 = arith.constant 2 : i32
      %mul3A_114 = arith.muli %mul3A_112, %mul3A_113 : i32
      %add3A_115 = arith.constant 2 : i32
      %add3A_116 = arith.addi %mul3A_114, %add3A_115 : i32
      %add3A_117 = arith.constant 0 : i32
      %add3A_118 = arith.addi %add3A_116, %add3A_117 : i32
      %dma_wait3A_119 = arith.constant 0 : i32
      %dma_wait3A_120 = arith.constant 0 : i32
      %dma_wait3A_121 = tpu.memref_slice %arg3[%dma_wait3A_119, %dma_wait3A_120] : memref<20480x128xf32, #tpu.memory_space<hbm>> -> memref<128x128xf32, #tpu.memory_space<hbm>>
      %dma_wait3A_122 = arith.constant 0 : i32
      %dma_wait3A_123 = arith.constant 0 : i32
      %dma_wait3A_124 = tpu.memref_slice %arg3[%dma_wait3A_122, %dma_wait3A_123] : memref<20480x128xf32, #tpu.memory_space<hbm>> -> memref<128x128xf32, #tpu.memory_space<hbm>>
      tpu.wait_dma2 semaphore(%arg12 : memref<!tpu.dma_semaphore, #tpu.memory_space<semaphore_mem>>) src(%dma_wait3A_124 : memref<128x128xf32, #tpu.memory_space<hbm>>) dst(%arg10 : memref<128x128xf32, #tpu.memory_space<vmem>>)
      %run_scoped3A_125 = arith.constant 1 : i32
      "tpu.region"() ({
        %run_scoped3A_170 = tpu.sem_alloc : memref<!tpu.dma_semaphore, #tpu.memory_space<semaphore_mem>>
        %dma_start3A_171 = arith.constant 0 : i32
        %dma_start3A_172 = tpu.memref_slice %arg8[%run_scoped3A_125, %dma_start3A_171] : memref<2x128xi32, #tpu.memory_space<vmem>> -> memref<1x128xi32, #tpu.memory_space<vmem>>
        %dma_start3A_173 = tpu.memref_squeeze %dma_start3A_172 : memref<1x128xi32, #tpu.memory_space<vmem>> -> memref<128xi32, #tpu.memory_space<vmem>>
        %dma_start3A_174 = arith.constant 0 : i32
        %dma_start3A_175 = arith.constant 0 : i32
        %dma_start3A_176 = tpu.memref_slice %arg5[%dma_start3A_174, %dma_start3A_175] : memref<10240x128xf32, #tpu.memory_space<vmem_shared>> -> memref<10240x128xf32, #tpu.memory_space<vmem_shared>>
        tpu.enqueue_indirect_dma source(%arg10 : memref<128x128xf32, #tpu.memory_space<vmem>>) target(%dma_start3A_176 : memref<10240x128xf32, #tpu.memory_space<vmem_shared>>) offsets(%dma_start3A_173 : memref<128xi32, #tpu.memory_space<vmem>>) semaphore(%run_scoped3A_170 : memref<!tpu.dma_semaphore, #tpu.memory_space<semaphore_mem>>) {add = true}
        %dma_wait3A_177 = arith.constant 0 : i32
        %dma_wait3A_178 = tpu.memref_slice %arg8[%run_scoped3A_125, %dma_wait3A_177] : memref<2x128xi32, #tpu.memory_space<vmem>> -> memref<1x128xi32, #tpu.memory_space<vmem>>
        %dma_wait3A_179 = tpu.memref_squeeze %dma_wait3A_178 : memref<1x128xi32, #tpu.memory_space<vmem>> -> memref<128xi32, #tpu.memory_space<vmem>>
        %dma_wait3A_180 = arith.constant 0 : i32
        %dma_wait3A_181 = arith.constant 0 : i32
        %dma_wait3A_182 = tpu.memref_slice %arg5[%dma_wait3A_180, %dma_wait3A_181] : memref<10240x128xf32, #tpu.memory_space<vmem_shared>> -> memref<10240x128xf32, #tpu.memory_space<vmem_shared>>
        tpu.wait_indirect_dma semaphore(%run_scoped3A_170 : memref<!tpu.dma_semaphore, #tpu.memory_space<semaphore_mem>>) src(%arg10 : memref<128x128xf32, #tpu.memory_space<vmem>>) dst(%dma_wait3A_182 : memref<10240x128xf32, #tpu.memory_space<vmem_shared>>)
        tpu.yield
      }) : () -> ()
      %add3A_126 = arith.constant 2 : i32
      %add3A_127 = arith.addi %add3A_118, %add3A_126 : i32
      %lt3A_128 = arith.constant 160 : i32
      %lt3A_129 = arith.cmpi slt, %add3A_127, %lt3A_128 : i32
      %convert_element_type3A_130 = arith.extui %lt3A_129 : i1 to i32
      %cond3A_131 = arith.constant 0 : i32
      %cond3A_132 = arith.cmpi ne, %convert_element_type3A_130, %cond3A_131 : i32
      scf.if %cond3A_132 {
        %dma_wait3A_170 = arith.constant 0 : i32
        %dma_wait3A_171 = arith.constant 0 : i32
        %dma_wait3A_172 = arith.constant 0 : i32
        %dma_wait3A_173 = tpu.memref_slice %arg2[%arg0, %arg1, %dma_wait3A_170, %dma_wait3A_171, %dma_wait3A_172] : memref<2x16x160x2x128xi32, #tpu.memory_space<hbm>> -> memref<1x1x1x2x128xi32, #tpu.memory_space<hbm>>
        %dma_wait3A_174 = tpu.memref_squeeze %dma_wait3A_173 : memref<1x1x1x2x128xi32, #tpu.memory_space<hbm>> -> memref<2x128xi32, #tpu.memory_space<hbm>>
        %dma_wait3A_175 = arith.constant 0 : i32
        %dma_wait3A_176 = arith.constant 0 : i32
        %dma_wait3A_177 = tpu.memref_slice %arg2[%arg0, %arg1, %dma_wait3A_170, %dma_wait3A_175, %dma_wait3A_176] : memref<2x16x160x2x128xi32, #tpu.memory_space<hbm>> -> memref<1x1x1x2x128xi32, #tpu.memory_space<hbm>>
        %dma_wait3A_178 = tpu.memref_squeeze %dma_wait3A_177 : memref<1x1x1x2x128xi32, #tpu.memory_space<hbm>> -> memref<2x128xi32, #tpu.memory_space<hbm>>
        tpu.wait_dma2 semaphore(%arg14 : memref<!tpu.dma_semaphore, #tpu.memory_space<semaphore_mem>>) src(%dma_wait3A_178 : memref<2x128xi32, #tpu.memory_space<hbm>>) dst(%arg6 : memref<2x128xi32, #tpu.memory_space<vmem>>)
        %dma_start3A_179 = arith.constant 0 : i32
        %dma_start3A_180 = arith.constant 0 : i32
        %dma_start3A_181 = tpu.memref_slice %arg6[%dma_start3A_179, %dma_start3A_180] : memref<2x128xi32, #tpu.memory_space<vmem>> -> memref<1x128xi32, #tpu.memory_space<vmem>>
        %dma_start3A_182 = tpu.memref_squeeze %dma_start3A_181 : memref<1x128xi32, #tpu.memory_space<vmem>> -> memref<128xi32, #tpu.memory_space<vmem>>
        %dma_start3A_183 = arith.constant 0 : i32
        %dma_start3A_184 = arith.constant 0 : i32
        %dma_start3A_185 = tpu.memref_slice %arg3[%dma_start3A_183, %dma_start3A_184] : memref<20480x128xf32, #tpu.memory_space<hbm>> -> memref<20480x128xf32, #tpu.memory_space<hbm>>
        tpu.enqueue_indirect_dma source(%dma_start3A_185 : memref<20480x128xf32, #tpu.memory_space<hbm>>) target(%arg10 : memref<128x128xf32, #tpu.memory_space<vmem>>) offsets(%dma_start3A_182 : memref<128xi32, #tpu.memory_space<vmem>>) semaphore(%arg12 : memref<!tpu.dma_semaphore, #tpu.memory_space<semaphore_mem>>)
      } else {
      }
      %add3A_133 = arith.constant 4 : i32
      %add3A_134 = arith.addi %add3A_118, %add3A_133 : i32
      %lt3A_135 = arith.constant 160 : i32
      %lt3A_136 = arith.cmpi slt, %add3A_134, %lt3A_135 : i32
      %convert_element_type3A_137 = arith.extui %lt3A_136 : i1 to i32
      %cond3A_138 = arith.constant 0 : i32
      %cond3A_139 = arith.cmpi ne, %convert_element_type3A_137, %cond3A_138 : i32
      scf.if %cond3A_139 {
        %add3A_170 = arith.constant 4 : i32
        %add3A_171 = arith.addi %add3A_118, %add3A_170 : i32
        %dma_start3A_172 = arith.constant 0 : i32
        %dma_start3A_173 = arith.constant 0 : i32
        %dma_start3A_174 = tpu.memref_slice %arg2[%arg0, %arg1, %add3A_171, %dma_start3A_172, %dma_start3A_173] : memref<2x16x160x2x128xi32, #tpu.memory_space<hbm>> -> memref<1x1x1x2x128xi32, #tpu.memory_space<hbm>>
        %dma_start3A_175 = tpu.memref_squeeze %dma_start3A_174 : memref<1x1x1x2x128xi32, #tpu.memory_space<hbm>> -> memref<2x128xi32, #tpu.memory_space<hbm>>
        %dma_start3A_176 = arith.constant 0 : i32
        %dma_start3A_177 = arith.constant 0 : i32
        %dma_start3A_178 = tpu.memref_slice %arg2[%arg0, %arg1, %add3A_171, %dma_start3A_176, %dma_start3A_177] : memref<2x16x160x2x128xi32, #tpu.memory_space<hbm>> -> memref<1x1x1x2x128xi32, #tpu.memory_space<hbm>>
        %dma_start3A_179 = tpu.memref_squeeze %dma_start3A_178 : memref<1x1x1x2x128xi32, #tpu.memory_space<hbm>> -> memref<2x128xi32, #tpu.memory_space<hbm>>
        tpu.enqueue_dma source(%dma_start3A_179 : memref<2x128xi32, #tpu.memory_space<hbm>>) target(%arg8 : memref<2x128xi32, #tpu.memory_space<vmem>>) target_semaphore(%arg14 : memref<!tpu.dma_semaphore, #tpu.memory_space<semaphore_mem>>)
      } else {
      }
      %mul3A_140 = arith.constant 2 : i32
      %mul3A_141 = arith.muli %scan3A_56, %mul3A_140 : i32
      %mul3A_142 = arith.constant 2 : i32
      %mul3A_143 = arith.muli %mul3A_141, %mul3A_142 : i32
      %add3A_144 = arith.constant 2 : i32
      %add3A_145 = arith.addi %mul3A_143, %add3A_144 : i32
      %add3A_146 = arith.constant 1 : i32
      %add3A_147 = arith.addi %add3A_145, %add3A_146 : i32
      %dma_wait3A_148 = arith.constant 0 : i32
      %dma_wait3A_149 = arith.constant 0 : i32
      %dma_wait3A_150 = tpu.memref_slice %arg3[%dma_wait3A_148, %dma_wait3A_149] : memref<20480x128xf32, #tpu.memory_space<hbm>> -> memref<128x128xf32, #tpu.memory_space<hbm>>
      %dma_wait3A_151 = arith.constant 0 : i32
      %dma_wait3A_152 = arith.constant 0 : i32
      %dma_wait3A_153 = tpu.memref_slice %arg3[%dma_wait3A_151, %dma_wait3A_152] : memref<20480x128xf32, #tpu.memory_space<hbm>> -> memref<128x128xf32, #tpu.memory_space<hbm>>
      tpu.wait_dma2 semaphore(%arg13 : memref<!tpu.dma_semaphore, #tpu.memory_space<semaphore_mem>>) src(%dma_wait3A_153 : memref<128x128xf32, #tpu.memory_space<hbm>>) dst(%arg11 : memref<128x128xf32, #tpu.memory_space<vmem>>)
      %run_scoped3A_154 = arith.constant 1 : i32
      "tpu.region"() ({
        %run_scoped3A_170 = tpu.sem_alloc : memref<!tpu.dma_semaphore, #tpu.memory_space<semaphore_mem>>
        %dma_start3A_171 = arith.constant 0 : i32
        %dma_start3A_172 = tpu.memref_slice %arg9[%run_scoped3A_154, %dma_start3A_171] : memref<2x128xi32, #tpu.memory_space<vmem>> -> memref<1x128xi32, #tpu.memory_space<vmem>>
        %dma_start3A_173 = tpu.memref_squeeze %dma_start3A_172 : memref<1x128xi32, #tpu.memory_space<vmem>> -> memref<128xi32, #tpu.memory_space<vmem>>
        %dma_start3A_174 = arith.constant 0 : i32
        %dma_start3A_175 = arith.constant 0 : i32
        %dma_start3A_176 = tpu.memref_slice %arg5[%dma_start3A_174, %dma_start3A_175] : memref<10240x128xf32, #tpu.memory_space<vmem_shared>> -> memref<10240x128xf32, #tpu.memory_space<vmem_shared>>
        tpu.enqueue_indirect_dma source(%arg11 : memref<128x128xf32, #tpu.memory_space<vmem>>) target(%dma_start3A_176 : memref<10240x128xf32, #tpu.memory_space<vmem_shared>>) offsets(%dma_start3A_173 : memref<128xi32, #tpu.memory_space<vmem>>) semaphore(%run_scoped3A_170 : memref<!tpu.dma_semaphore, #tpu.memory_space<semaphore_mem>>) {add = true}
        %dma_wait3A_177 = arith.constant 0 : i32
        %dma_wait3A_178 = tpu.memref_slice %arg9[%run_scoped3A_154, %dma_wait3A_177] : memref<2x128xi32, #tpu.memory_space<vmem>> -> memref<1x128xi32, #tpu.memory_space<vmem>>
        %dma_wait3A_179 = tpu.memref_squeeze %dma_wait3A_178 : memref<1x128xi32, #tpu.memory_space<vmem>> -> memref<128xi32, #tpu.memory_space<vmem>>
        %dma_wait3A_180 = arith.constant 0 : i32
        %dma_wait3A_181 = arith.constant 0 : i32
        %dma_wait3A_182 = tpu.memref_slice %arg5[%dma_wait3A_180, %dma_wait3A_181] : memref<10240x128xf32, #tpu.memory_space<vmem_shared>> -> memref<10240x128xf32, #tpu.memory_space<vmem_shared>>
        tpu.wait_indirect_dma semaphore(%run_scoped3A_170 : memref<!tpu.dma_semaphore, #tpu.memory_space<semaphore_mem>>) src(%arg11 : memref<128x128xf32, #tpu.memory_space<vmem>>) dst(%dma_wait3A_182 : memref<10240x128xf32, #tpu.memory_space<vmem_shared>>)
        tpu.yield
      }) : () -> ()
      %add3A_155 = arith.constant 2 : i32
      %add3A_156 = arith.addi %add3A_147, %add3A_155 : i32
      %lt3A_157 = arith.constant 160 : i32
      %lt3A_158 = arith.cmpi slt, %add3A_156, %lt3A_157 : i32
      %convert_element_type3A_159 = arith.extui %lt3A_158 : i1 to i32
      %cond3A_160 = arith.constant 0 : i32
      %cond3A_161 = arith.cmpi ne, %convert_element_type3A_159, %cond3A_160 : i32
      scf.if %cond3A_161 {
        %dma_wait3A_170 = arith.constant 0 : i32
        %dma_wait3A_171 = arith.constant 0 : i32
        %dma_wait3A_172 = arith.constant 0 : i32
        %dma_wait3A_173 = tpu.memref_slice %arg2[%arg0, %arg1, %dma_wait3A_170, %dma_wait3A_171, %dma_wait3A_172] : memref<2x16x160x2x128xi32, #tpu.memory_space<hbm>> -> memref<1x1x1x2x128xi32, #tpu.memory_space<hbm>>
        %dma_wait3A_174 = tpu.memref_squeeze %dma_wait3A_173 : memref<1x1x1x2x128xi32, #tpu.memory_space<hbm>> -> memref<2x128xi32, #tpu.memory_space<hbm>>
        %dma_wait3A_175 = arith.constant 0 : i32
        %dma_wait3A_176 = arith.constant 0 : i32
        %dma_wait3A_177 = tpu.memref_slice %arg2[%arg0, %arg1, %dma_wait3A_170, %dma_wait3A_175, %dma_wait3A_176] : memref<2x16x160x2x128xi32, #tpu.memory_space<hbm>> -> memref<1x1x1x2x128xi32, #tpu.memory_space<hbm>>
        %dma_wait3A_178 = tpu.memref_squeeze %dma_wait3A_177 : memref<1x1x1x2x128xi32, #tpu.memory_space<hbm>> -> memref<2x128xi32, #tpu.memory_space<hbm>>
        tpu.wait_dma2 semaphore(%arg15 : memref<!tpu.dma_semaphore, #tpu.memory_space<semaphore_mem>>) src(%dma_wait3A_178 : memref<2x128xi32, #tpu.memory_space<hbm>>) dst(%arg7 : memref<2x128xi32, #tpu.memory_space<vmem>>)
        %dma_start3A_179 = arith.constant 0 : i32
        %dma_start3A_180 = arith.constant 0 : i32
        %dma_start3A_181 = tpu.memref_slice %arg7[%dma_start3A_179, %dma_start3A_180] : memref<2x128xi32, #tpu.memory_space<vmem>> -> memref<1x128xi32, #tpu.memory_space<vmem>>
        %dma_start3A_182 = tpu.memref_squeeze %dma_start3A_181 : memref<1x128xi32, #tpu.memory_space<vmem>> -> memref<128xi32, #tpu.memory_space<vmem>>
        %dma_start3A_183 = arith.constant 0 : i32
        %dma_start3A_184 = arith.constant 0 : i32
        %dma_start3A_185 = tpu.memref_slice %arg3[%dma_start3A_183, %dma_start3A_184] : memref<20480x128xf32, #tpu.memory_space<hbm>> -> memref<20480x128xf32, #tpu.memory_space<hbm>>
        tpu.enqueue_indirect_dma source(%dma_start3A_185 : memref<20480x128xf32, #tpu.memory_space<hbm>>) target(%arg11 : memref<128x128xf32, #tpu.memory_space<vmem>>) offsets(%dma_start3A_182 : memref<128xi32, #tpu.memory_space<vmem>>) semaphore(%arg13 : memref<!tpu.dma_semaphore, #tpu.memory_space<semaphore_mem>>)
      } else {
      }
      %add3A_162 = arith.constant 4 : i32
      %add3A_163 = arith.addi %add3A_147, %add3A_162 : i32
      %lt3A_164 = arith.constant 160 : i32
      %lt3A_165 = arith.cmpi slt, %add3A_163, %lt3A_164 : i32
      %convert_element_type3A_166 = arith.extui %lt3A_165 : i1 to i32
      %cond3A_167 = arith.constant 0 : i32
      %cond3A_168 = arith.cmpi ne, %convert_element_type3A_166, %cond3A_167 : i32
      scf.if %cond3A_168 {
        %add3A_170 = arith.constant 4 : i32
        %add3A_171 = arith.addi %add3A_147, %add3A_170 : i32
        %dma_start3A_172 = arith.constant 0 : i32
        %dma_start3A_173 = arith.constant 0 : i32
        %dma_start3A_174 = tpu.memref_slice %arg2[%arg0, %arg1, %add3A_171, %dma_start3A_172, %dma_start3A_173] : memref<2x16x160x2x128xi32, #tpu.memory_space<hbm>> -> memref<1x1x1x2x128xi32, #tpu.memory_space<hbm>>
        %dma_start3A_175 = tpu.memref_squeeze %dma_start3A_174 : memref<1x1x1x2x128xi32, #tpu.memory_space<hbm>> -> memref<2x128xi32, #tpu.memory_space<hbm>>
        %dma_start3A_176 = arith.constant 0 : i32
        %dma_start3A_177 = arith.constant 0 : i32
        %dma_start3A_178 = tpu.memref_slice %arg2[%arg0, %arg1, %add3A_171, %dma_start3A_176, %dma_start3A_177] : memref<2x16x160x2x128xi32, #tpu.memory_space<hbm>> -> memref<1x1x1x2x128xi32, #tpu.memory_space<hbm>>
        %dma_start3A_179 = tpu.memref_squeeze %dma_start3A_178 : memref<1x1x1x2x128xi32, #tpu.memory_space<hbm>> -> memref<2x128xi32, #tpu.memory_space<hbm>>
        tpu.enqueue_dma source(%dma_start3A_179 : memref<2x128xi32, #tpu.memory_space<hbm>>) target(%arg9 : memref<2x128xi32, #tpu.memory_space<vmem>>) target_semaphore(%arg15 : memref<!tpu.dma_semaphore, #tpu.memory_space<semaphore_mem>>)
      } else {
      }
      %scan3A_169 = arith.constant 0 : i32
      scf.yield %scan3A_169 : i32
    }
    %scan3A_51 = arith.constant 40 : i32
    %barrier3A_52 = arith.constant 0 : index
    tpu.barrier barrier_id(%barrier3A_52)
    %mul3A = arith.constant 640 : i32
    %mul3A_53 = arith.muli %arg1, %mul3A : i32
    %mul3A_54 = arith.constant 640 : i32
    %mul3A_55 = arith.muli %arg1, %mul3A_54 : i32
    "tpu.region"() ({
      %run_scoped3A_56 = tpu.sem_alloc : memref<!tpu.dma_semaphore, #tpu.memory_space<semaphore_mem>>
      %dma_start3A_57 = arith.constant 0 : i32
      %dma_start3A_58 = tpu.memref_slice %arg4[%arg0, %mul3A_55, %dma_start3A_57] : memref<2x10240x128xf32, #tpu.memory_space<hbm>> -> memref<1x640x128xf32, #tpu.memory_space<hbm>>
      %dma_start3A_59 = tpu.memref_squeeze %dma_start3A_58 : memref<1x640x128xf32, #tpu.memory_space<hbm>> -> memref<640x128xf32, #tpu.memory_space<hbm>>
      %dma_start3A_60 = arith.constant 0 : i32
      %dma_start3A_61 = tpu.memref_slice %arg5[%mul3A_53, %dma_start3A_60] : memref<10240x128xf32, #tpu.memory_space<vmem_shared>> -> memref<640x128xf32, #tpu.memory_space<vmem_shared>>
      tpu.enqueue_dma source(%dma_start3A_61 : memref<640x128xf32, #tpu.memory_space<vmem_shared>>) target(%dma_start3A_59 : memref<640x128xf32, #tpu.memory_space<hbm>>) target_semaphore(%run_scoped3A_56 : memref<!tpu.dma_semaphore, #tpu.memory_space<semaphore_mem>>)
      %dma_wait3A = arith.constant 0 : i32
      %dma_wait3A_62 = tpu.memref_slice %arg4[%arg0, %mul3A_55, %dma_wait3A] : memref<2x10240x128xf32, #tpu.memory_space<hbm>> -> memref<1x640x128xf32, #tpu.memory_space<hbm>>
      %dma_wait3A_63 = tpu.memref_squeeze %dma_wait3A_62 : memref<1x640x128xf32, #tpu.memory_space<hbm>> -> memref<640x128xf32, #tpu.memory_space<hbm>>
      %dma_wait3A_64 = arith.constant 0 : i32
      %dma_wait3A_65 = tpu.memref_slice %arg5[%mul3A_53, %dma_wait3A_64] : memref<10240x128xf32, #tpu.memory_space<vmem_shared>> -> memref<640x128xf32, #tpu.memory_space<vmem_shared>>
      tpu.wait_dma2 semaphore(%run_scoped3A_56 : memref<!tpu.dma_semaphore, #tpu.memory_space<semaphore_mem>>) src(%dma_wait3A_65 : memref<640x128xf32, #tpu.memory_space<vmem_shared>>) dst(%dma_wait3A_63 : memref<640x128xf32, #tpu.memory_space<hbm>>)
      tpu.yield
    }) : () -> ()
    return
  }
}

module attributes {stable_mosaic.version = 14 : i64} {
  func.func @_enc_body(%arg0: i32, %arg1: memref<1x1024x8xf32, #tpu.memory_space<vmem>>, %arg2: memref<1x1024x8xf32, #tpu.memory_space<vmem>>, %arg3: memref<10240x8xf32, #tpu.memory_space<vmem>>, %arg4: memref<2x10240x16xf32, #tpu.memory_space<vmem>>, %arg5: memref<128x128xf32, #tpu.memory_space<vmem>>, %arg6: memref<8x128xf32, #tpu.memory_space<vmem>>, %arg7: memref<8x128xf32, #tpu.memory_space<vmem>>, %arg8: memref<128xf32, #tpu.memory_space<vmem>>, %arg9: memref<128x128xf32, #tpu.memory_space<vmem>>, %arg10: memref<128xf32, #tpu.memory_space<vmem>>, %arg11: memref<128x128xf32, #tpu.memory_space<vmem>>, %arg12: memref<128xf32, #tpu.memory_space<vmem>>, %arg13: memref<1x10240x128xf32, #tpu.memory_space<vmem>>) attributes {dimension_semantics = [#tpu.dimension_semantics<arbitrary>], iteration_bounds = array<i64: 2>, scalar_prefetch = 0 : i64, scratch_operands = 0 : i64, tpu.core_type = #tpu.core_type<tc>, window_params = [{transform_indices = @transform_0, window_bounds = array<i64: 1, 1024, 8>}, {transform_indices = @transform_1, window_bounds = array<i64: 1, 1024, 8>}, {pipeline_mode = #tpu.pipeline_mode<synchronous>, transform_indices = @transform_2, window_bounds = array<i64: 10240, 8>}, {pipeline_mode = #tpu.pipeline_mode<synchronous>, transform_indices = @transform_3, window_bounds = array<i64: 2, 10240, 16>}, {pipeline_mode = #tpu.pipeline_mode<synchronous>, transform_indices = @transform_4, window_bounds = array<i64: 128, 128>}, {pipeline_mode = #tpu.pipeline_mode<synchronous>, transform_indices = @transform_5, window_bounds = array<i64: 8, 128>}, {pipeline_mode = #tpu.pipeline_mode<synchronous>, transform_indices = @transform_6, window_bounds = array<i64: 8, 128>}, {pipeline_mode = #tpu.pipeline_mode<synchronous>, transform_indices = @transform_7, window_bounds = array<i64: 128>}, {pipeline_mode = #tpu.pipeline_mode<synchronous>, transform_indices = @transform_8, window_bounds = array<i64: 128, 128>}, {pipeline_mode = #tpu.pipeline_mode<synchronous>, transform_indices = @transform_9, window_bounds = array<i64: 128>}, {pipeline_mode = #tpu.pipeline_mode<synchronous>, transform_indices = @transform_10, window_bounds = array<i64: 128, 128>}, {pipeline_mode = #tpu.pipeline_mode<synchronous>, transform_indices = @transform_11, window_bounds = array<i64: 128>}, {transform_indices = @transform_12, window_bounds = array<i64: 1, 10240, 128>}]} {
    %get3A = arith.constant 0 : index
    %get3A_0 = arith.constant 0 : index
    %get3A_1 = arith.constant 0 : index
    %get3A_2 = vector.load %arg1[%get3A, %get3A_0, %get3A_1] : memref<1x1024x8xf32, #tpu.memory_space<vmem>>, vector<1x1024x8xf32>
    %get3A_3 = vector.shape_cast %get3A_2 : vector<1x1024x8xf32> to vector<1024x8xf32>
    %get3A_4 = arith.constant 0 : index
    %get3A_5 = arith.constant 0 : index
    %get3A_6 = arith.constant 0 : index
    %get3A_7 = vector.load %arg2[%get3A_4, %get3A_5, %get3A_6] : memref<1x1024x8xf32, #tpu.memory_space<vmem>>, vector<1x1024x8xf32>
    %get3A_8 = vector.shape_cast %get3A_7 : vector<1x1024x8xf32> to vector<1024x8xf32>
    %get3A_9 = arith.constant 0 : index
    %get3A_10 = arith.constant 0 : index
    %get3A_11 = vector.load %arg7[%get3A_9, %get3A_10] : memref<8x128xf32, #tpu.memory_space<vmem>>, vector<8x128xf32>
    %dot_general3A = arith.constant dense<0.000000e+00> : vector<1024x128xf32>
    %dot_general3A_12 = tpu.matmul %get3A_8, %get3A_11, %dot_general3A {dimension_numbers = #tpu.dot_dimension_numbers<[1], [0], [0], [1], [0, 0, 1, 1], [], []>, transpose_lhs_hint = false} : vector<1024x8xf32>, vector<8x128xf32>, vector<1024x128xf32> -> vector<1024x128xf32>
    %get3A_13 = arith.constant 0 : index
    %get3A_14 = vector.load %arg8[%get3A_13] : memref<128xf32, #tpu.memory_space<vmem>>, vector<128xf32>
    %broadcast_in_dim3A = vector.shape_cast %get3A_14 : vector<128xf32> to vector<1x128xf32>
    %add3A = vector.broadcast %broadcast_in_dim3A : vector<1x128xf32> to vector<1024x128xf32>
    %add3A_15 = arith.addf %dot_general3A_12, %add3A : vector<1024x128xf32>
    %max3A = arith.constant 0.000000e+00 : f32
    %max3A_16 = vector.broadcast %max3A : f32 to vector<1024x128xf32>
    %max3A_17 = arith.maximumf %add3A_15, %max3A_16 : vector<1024x128xf32>
    %get3A_18 = arith.constant 0 : index
    %get3A_19 = arith.constant 0 : index
    %get3A_20 = vector.load %arg9[%get3A_18, %get3A_19] : memref<128x128xf32, #tpu.memory_space<vmem>>, vector<128x128xf32>
    %dot_general3A_21 = arith.constant dense<0.000000e+00> : vector<1024x128xf32>
    %dot_general3A_22 = tpu.matmul %max3A_17, %get3A_20, %dot_general3A_21 {dimension_numbers = #tpu.dot_dimension_numbers<[1], [0], [0], [1], [0, 0, 1, 1], [], []>, transpose_lhs_hint = false} : vector<1024x128xf32>, vector<128x128xf32>, vector<1024x128xf32> -> vector<1024x128xf32>
    %get3A_23 = arith.constant 0 : index
    %get3A_24 = vector.load %arg10[%get3A_23] : memref<128xf32, #tpu.memory_space<vmem>>, vector<128xf32>
    %broadcast_in_dim3A_25 = vector.shape_cast %get3A_24 : vector<128xf32> to vector<1x128xf32>
    %add3A_26 = vector.broadcast %broadcast_in_dim3A_25 : vector<1x128xf32> to vector<1024x128xf32>
    %add3A_27 = arith.addf %dot_general3A_22, %add3A_26 : vector<1024x128xf32>
    %max3A_28 = arith.constant 0.000000e+00 : f32
    %max3A_29 = vector.broadcast %max3A_28 : f32 to vector<1024x128xf32>
    %max3A_30 = arith.maximumf %add3A_27, %max3A_29 : vector<1024x128xf32>
    %get3A_31 = arith.constant 0 : index
    %get3A_32 = arith.constant 0 : index
    %get3A_33 = vector.load %arg11[%get3A_31, %get3A_32] : memref<128x128xf32, #tpu.memory_space<vmem>>, vector<128x128xf32>
    %dot_general3A_34 = arith.constant dense<0.000000e+00> : vector<1024x128xf32>
    %dot_general3A_35 = tpu.matmul %max3A_30, %get3A_33, %dot_general3A_34 {dimension_numbers = #tpu.dot_dimension_numbers<[1], [0], [0], [1], [0, 0, 1, 1], [], []>, transpose_lhs_hint = false} : vector<1024x128xf32>, vector<128x128xf32>, vector<1024x128xf32> -> vector<1024x128xf32>
    %get3A_36 = arith.constant 0 : index
    %get3A_37 = vector.load %arg12[%get3A_36] : memref<128xf32, #tpu.memory_space<vmem>>, vector<128xf32>
    %broadcast_in_dim3A_38 = vector.shape_cast %get3A_37 : vector<128xf32> to vector<1x128xf32>
    %add3A_39 = vector.broadcast %broadcast_in_dim3A_38 : vector<1x128xf32> to vector<1024x128xf32>
    %add3A_40 = arith.addf %dot_general3A_35, %add3A_39 : vector<1024x128xf32>
    %mul3A = arith.mulf %get3A_3, %get3A_3 : vector<1024x8xf32>
    %reduce_sum3A = arith.constant dense<0.000000e+00> : vector<1024xf32>
    %reduce_sum3A_41 = vector.multi_reduction <add>, %mul3A, %reduce_sum3A [1] : vector<1024x8xf32> to vector<1024xf32>
    %broadcast_in_dim3A_42 = vector.shape_cast %reduce_sum3A_41 : vector<1024xf32> to vector<1024x1xf32>
    %broadcast_in_dim3A_43 = arith.constant -1.000000e+30 : f32
    %broadcast_in_dim3A_44 = vector.broadcast %broadcast_in_dim3A_43 : f32 to vector<1024x1xf32>
    %broadcast_in_dim3A_45 = arith.constant 0.000000e+00 : f32
    %broadcast_in_dim3A_46 = vector.broadcast %broadcast_in_dim3A_45 : f32 to vector<1024x1xf32>
    %scan3A = arith.constant 0 : i32
    %scan3A_47 = arith.constant 10 : i32
    %scan3A_48 = arith.addi %scan3A, %scan3A_47 : i32
    %scan3A_49 = arith.constant 1 : i32
    %scan3A_50:2 = scf.for %scan3A_59 = %scan3A to %scan3A_48 step %scan3A_49 iter_args(%scan3A_60 = %broadcast_in_dim3A_44, %scan3A_61 = %broadcast_in_dim3A_46) -> (vector<1024x1xf32>, vector<1024x1xf32>)  : i32 {
      %mul3A_62 = arith.constant 1024 : i32
      %mul3A_63 = arith.muli %scan3A_59, %mul3A_62 : i32
      %get3A_64 = arith.index_cast %mul3A_63 : i32 to index
      %get3A_65 = arith.constant 0 : index
      %get3A_66 = vector.load %arg3[%get3A_64, %get3A_65] : memref<10240x8xf32, #tpu.memory_space<vmem>>, vector<1024x8xf32>
      %mul3A_67 = arith.mulf %get3A_66, %get3A_66 : vector<1024x8xf32>
      %reduce_sum3A_68 = arith.constant dense<0.000000e+00> : vector<1024xf32>
      %reduce_sum3A_69 = vector.multi_reduction <add>, %mul3A_67, %reduce_sum3A_68 [1] : vector<1024x8xf32> to vector<1024xf32>
      %dot_general3A_70 = arith.constant dense<0.000000e+00> : vector<1024x1024xf32>
      %dot_general3A_71 = tpu.matmul %get3A_3, %get3A_66, %dot_general3A_70 {dimension_numbers = #tpu.dot_dimension_numbers<[1], [1], [0], [0], [0, 0, 1, 0], [], []>, transpose_lhs_hint = false} : vector<1024x8xf32>, vector<1024x8xf32>, vector<1024x1024xf32> -> vector<1024x1024xf32>
      %mul3A_72 = arith.constant 2.000000e+00 : f32
      %mul3A_73 = vector.broadcast %mul3A_72 : f32 to vector<1024x1024xf32>
      %mul3A_74 = arith.mulf %mul3A_73, %dot_general3A_71 : vector<1024x1024xf32>
      %sub3A = vector.broadcast %broadcast_in_dim3A_42 : vector<1024x1xf32> to vector<1024x1024xf32>
      %sub3A_75 = arith.subf %mul3A_74, %sub3A : vector<1024x1024xf32>
      %broadcast_in_dim3A_76 = vector.shape_cast %reduce_sum3A_69 : vector<1024xf32> to vector<1x1024xf32>
      %sub3A_77 = vector.broadcast %broadcast_in_dim3A_76 : vector<1x1024xf32> to vector<1024x1024xf32>
      %sub3A_78 = arith.subf %sub3A_75, %sub3A_77 : vector<1024x1024xf32>
      %reduce_max3A = arith.constant dense<0xFF800000> : vector<1024xf32>
      %reduce_max3A_79 = vector.multi_reduction <maximumf>, %sub3A_78, %reduce_max3A [1] : vector<1024x1024xf32> to vector<1024xf32>
      %broadcast_in_dim3A_80 = vector.shape_cast %reduce_max3A_79 : vector<1024xf32> to vector<1024x1xf32>
      %max3A_81 = arith.maximumf %scan3A_60, %broadcast_in_dim3A_80 : vector<1024x1xf32>
      %sub3A_82 = arith.subf %scan3A_60, %max3A_81 : vector<1024x1xf32>
      %exp3A = math.exp %sub3A_82 : vector<1024x1xf32>
      %mul3A_83 = arith.mulf %scan3A_61, %exp3A : vector<1024x1xf32>
      %sub3A_84 = vector.broadcast %max3A_81 : vector<1024x1xf32> to vector<1024x1024xf32>
      %sub3A_85 = arith.subf %sub3A_78, %sub3A_84 : vector<1024x1024xf32>
      %exp3A_86 = math.exp %sub3A_85 : vector<1024x1024xf32>
      %reduce_sum3A_87 = arith.constant dense<0.000000e+00> : vector<1024xf32>
      %reduce_sum3A_88 = vector.multi_reduction <add>, %exp3A_86, %reduce_sum3A_87 [1] : vector<1024x1024xf32> to vector<1024xf32>
      %broadcast_in_dim3A_89 = vector.shape_cast %reduce_sum3A_88 : vector<1024xf32> to vector<1024x1xf32>
      %add3A_90 = arith.addf %mul3A_83, %broadcast_in_dim3A_89 : vector<1024x1xf32>
      scf.yield %max3A_81, %add3A_90 : vector<1024x1xf32>, vector<1024x1xf32>
    }
    %scan3A_51 = arith.constant 10 : i32
    %log3A = math.log %scan3A_50#1 : vector<1024x1xf32>
    %add3A_52 = arith.addf %scan3A_50#0, %log3A : vector<1024x1xf32>
    %squeeze3A = vector.shape_cast %add3A_52 : vector<1024x1xf32> to vector<1024xf32>
    %squeeze3A_53 = vector.shape_cast %broadcast_in_dim3A_42 : vector<1024x1xf32> to vector<1024xf32>
    %scan3A_54 = arith.constant 0 : i32
    %scan3A_55 = arith.constant 10 : i32
    %scan3A_56 = arith.addi %scan3A_54, %scan3A_55 : i32
    %scan3A_57 = arith.constant 1 : i32
    scf.for %scan3A_59 = %scan3A_54 to %scan3A_56 step %scan3A_57  : i32 {
      %mul3A_60 = arith.constant 1024 : i32
      %mul3A_61 = arith.muli %scan3A_59, %mul3A_60 : i32
      %get3A_62 = arith.index_cast %mul3A_61 : i32 to index
      %get3A_63 = arith.constant 0 : index
      %get3A_64 = vector.load %arg3[%get3A_62, %get3A_63] : memref<10240x8xf32, #tpu.memory_space<vmem>>, vector<1024x8xf32>
      %mul3A_65 = arith.mulf %get3A_64, %get3A_64 : vector<1024x8xf32>
      %reduce_sum3A_66 = arith.constant dense<0.000000e+00> : vector<1024xf32>
      %reduce_sum3A_67 = vector.multi_reduction <add>, %mul3A_65, %reduce_sum3A_66 [1] : vector<1024x8xf32> to vector<1024xf32>
      %broadcast_in_dim3A_68 = vector.shape_cast %reduce_sum3A_67 : vector<1024xf32> to vector<1024x1xf32>
      %dot_general3A_69 = arith.constant dense<0.000000e+00> : vector<1024x1024xf32>
      %dot_general3A_70 = tpu.matmul %get3A_64, %get3A_3, %dot_general3A_69 {dimension_numbers = #tpu.dot_dimension_numbers<[1], [1], [0], [0], [0, 0, 1, 0], [], []>, transpose_lhs_hint = false} : vector<1024x8xf32>, vector<1024x8xf32>, vector<1024x1024xf32> -> vector<1024x1024xf32>
      %mul3A_71 = arith.constant 2.000000e+00 : f32
      %mul3A_72 = vector.broadcast %mul3A_71 : f32 to vector<1024x1024xf32>
      %mul3A_73 = arith.mulf %mul3A_72, %dot_general3A_70 : vector<1024x1024xf32>
      %sub3A = vector.broadcast %broadcast_in_dim3A_68 : vector<1024x1xf32> to vector<1024x1024xf32>
      %sub3A_74 = arith.subf %mul3A_73, %sub3A : vector<1024x1024xf32>
      %broadcast_in_dim3A_75 = vector.shape_cast %squeeze3A_53 : vector<1024xf32> to vector<1x1024xf32>
      %sub3A_76 = vector.broadcast %broadcast_in_dim3A_75 : vector<1x1024xf32> to vector<1024x1024xf32>
      %sub3A_77 = arith.subf %sub3A_74, %sub3A_76 : vector<1024x1024xf32>
      %broadcast_in_dim3A_78 = vector.shape_cast %squeeze3A : vector<1024xf32> to vector<1x1024xf32>
      %sub3A_79 = vector.broadcast %broadcast_in_dim3A_78 : vector<1x1024xf32> to vector<1024x1024xf32>
      %sub3A_80 = arith.subf %sub3A_77, %sub3A_79 : vector<1024x1024xf32>
      %exp3A = math.exp %sub3A_80 : vector<1024x1024xf32>
      %dot_general3A_81 = arith.constant dense<0.000000e+00> : vector<1024x128xf32>
      %dot_general3A_82 = tpu.matmul %exp3A, %add3A_40, %dot_general3A_81 {dimension_numbers = #tpu.dot_dimension_numbers<[1], [0], [0], [1], [0, 0, 1, 1], [], []>, transpose_lhs_hint = false} : vector<1024x1024xf32>, vector<1024x128xf32>, vector<1024x128xf32> -> vector<1024x128xf32>
      %mul3A_83 = arith.constant 1024 : i32
      %mul3A_84 = arith.muli %scan3A_59, %mul3A_83 : i32
      %get3A_85 = arith.constant 0 : index
      %get3A_86 = arith.index_cast %mul3A_84 : i32 to index
      %get3A_87 = arith.constant 0 : index
      %get3A_88 = vector.load %arg4[%get3A_85, %get3A_86, %get3A_87] : memref<2x10240x16xf32, #tpu.memory_space<vmem>>, vector<1x1024x1xf32>
      %get3A_89 = vector.shape_cast %get3A_88 : vector<1x1024x1xf32> to vector<1024xf32>
      %mul3A_90 = arith.constant 1024 : i32
      %mul3A_91 = arith.muli %scan3A_59, %mul3A_90 : i32
      %get3A_92 = arith.constant 1 : index
      %get3A_93 = arith.index_cast %mul3A_91 : i32 to index
      %get3A_94 = arith.constant 0 : index
      %get3A_95 = vector.load %arg4[%get3A_92, %get3A_93, %get3A_94] : memref<2x10240x16xf32, #tpu.memory_space<vmem>>, vector<1x1024x1xf32>
      %get3A_96 = vector.shape_cast %get3A_95 : vector<1x1024x1xf32> to vector<1024xf32>
      %add3A_97 = arith.addf %get3A_89, %get3A_96 : vector<1024xf32>
      %add3A_98 = arith.constant 1.000000e+00 : f32
      %add3A_99 = vector.broadcast %add3A_98 : f32 to vector<1024xf32>
      %add3A_100 = arith.addf %add3A_97, %add3A_99 : vector<1024xf32>
      %rsqrt3A = math.rsqrt %add3A_100 : vector<1024xf32>
      %broadcast_in_dim3A_101 = vector.shape_cast %rsqrt3A : vector<1024xf32> to vector<1024x1xf32>
      %get3A_102 = arith.constant 0 : index
      %get3A_103 = arith.constant 0 : index
      %get3A_104 = vector.load %arg5[%get3A_102, %get3A_103] : memref<128x128xf32, #tpu.memory_space<vmem>>, vector<128x128xf32>
      %dot_general3A_105 = arith.constant dense<0.000000e+00> : vector<1024x128xf32>
      %dot_general3A_106 = tpu.matmul %dot_general3A_82, %get3A_104, %dot_general3A_105 {dimension_numbers = #tpu.dot_dimension_numbers<[1], [0], [0], [1], [0, 0, 1, 1], [], []>, transpose_lhs_hint = false} : vector<1024x128xf32>, vector<128x128xf32>, vector<1024x128xf32> -> vector<1024x128xf32>
      %get3A_107 = arith.constant 0 : index
      %get3A_108 = arith.constant 0 : index
      %get3A_109 = vector.load %arg6[%get3A_107, %get3A_108] : memref<8x128xf32, #tpu.memory_space<vmem>>, vector<8x128xf32>
      %dot_general3A_110 = arith.constant dense<0.000000e+00> : vector<1024x128xf32>
      %dot_general3A_111 = tpu.matmul %get3A_64, %get3A_109, %dot_general3A_110 {dimension_numbers = #tpu.dot_dimension_numbers<[1], [0], [0], [1], [0, 0, 1, 1], [], []>, transpose_lhs_hint = false} : vector<1024x8xf32>, vector<8x128xf32>, vector<1024x128xf32> -> vector<1024x128xf32>
      %add3A_112 = arith.addf %dot_general3A_106, %dot_general3A_111 : vector<1024x128xf32>
      %mul3A_113 = vector.broadcast %broadcast_in_dim3A_101 : vector<1024x1xf32> to vector<1024x128xf32>
      %mul3A_114 = arith.mulf %mul3A_113, %add3A_112 : vector<1024x128xf32>
      %mul3A_115 = arith.constant 1024 : i32
      %mul3A_116 = arith.muli %scan3A_59, %mul3A_115 : i32
      %swap3A = arith.constant 0 : index
      %swap3A_117 = arith.index_cast %mul3A_116 : i32 to index
      %swap3A_118 = arith.constant 0 : index
      %swap3A_119 = vector.load %arg13[%swap3A, %swap3A_117, %swap3A_118] : memref<1x10240x128xf32, #tpu.memory_space<vmem>>, vector<1x1024x128xf32>
      %swap3A_120 = vector.shape_cast %swap3A_119 : vector<1x1024x128xf32> to vector<1024x128xf32>
      %swap3A_121 = vector.shape_cast %mul3A_114 : vector<1024x128xf32> to vector<1x1024x128xf32>
      tpu.vector_store %arg13[%swap3A, %swap3A_117, %swap3A_118], %swap3A_121 {strides = array<i32>} : memref<1x10240x128xf32, #tpu.memory_space<vmem>>, vector<1x1024x128xf32>,
    }
    %scan3A_58 = arith.constant 10 : i32
    return
  }
  func.func @transform_0(%arg0: i32) -> (i32, i32, i32) {
    %c0_i32 = arith.constant 0 : i32
    %c0_i32_0 = arith.constant 0 : i32
    %c0_i32_1 = arith.constant 0 : i32
    return %arg0, %c0_i32, %c0_i32_0 : i32, i32, i32
  }
  func.func @transform_1(%arg0: i32) -> (i32, i32, i32) {
    %c0_i32 = arith.constant 0 : i32
    %c0_i32_0 = arith.constant 0 : i32
    %c0_i32_1 = arith.constant 0 : i32
    return %arg0, %c0_i32, %c0_i32_0 : i32, i32, i32
  }
  func.func @transform_2(%arg0: i32) -> (i32, i32) {
    %c0_i32 = arith.constant 0 : i32
    %c0_i32_0 = arith.constant 0 : i32
    %c0_i32_1 = arith.constant 0 : i32
    return %c0_i32, %c0_i32_0 : i32, i32
  }
  func.func @transform_3(%arg0: i32) -> (i32, i32, i32) {
    %c0_i32 = arith.constant 0 : i32
    %c0_i32_0 = arith.constant 0 : i32
    %c0_i32_1 = arith.constant 0 : i32
    %c0_i32_2 = arith.constant 0 : i32
    return %c0_i32, %c0_i32_0, %c0_i32_1 : i32, i32, i32
  }
  func.func @transform_4(%arg0: i32) -> (i32, i32) {
    %c0_i32 = arith.constant 0 : i32
    %c0_i32_0 = arith.constant 0 : i32
    %c0_i32_1 = arith.constant 0 : i32
    return %c0_i32, %c0_i32_0 : i32, i32
  }
  func.func @transform_5(%arg0: i32) -> (i32, i32) {
    %c0_i32 = arith.constant 0 : i32
    %c0_i32_0 = arith.constant 0 : i32
    %c0_i32_1 = arith.constant 0 : i32
    return %c0_i32, %c0_i32_0 : i32, i32
  }
  func.func @transform_6(%arg0: i32) -> (i32, i32) {
    %c0_i32 = arith.constant 0 : i32
    %c0_i32_0 = arith.constant 0 : i32
    %c0_i32_1 = arith.constant 0 : i32
    return %c0_i32, %c0_i32_0 : i32, i32
  }
  func.func @transform_7(%arg0: i32) -> i32 {
    %c0_i32 = arith.constant 0 : i32
    %c0_i32_0 = arith.constant 0 : i32
    return %c0_i32 : i32
  }
  func.func @transform_8(%arg0: i32) -> (i32, i32) {
    %c0_i32 = arith.constant 0 : i32
    %c0_i32_0 = arith.constant 0 : i32
    %c0_i32_1 = arith.constant 0 : i32
    return %c0_i32, %c0_i32_0 : i32, i32
  }
  func.func @transform_9(%arg0: i32) -> i32 {
    %c0_i32 = arith.constant 0 : i32
    %c0_i32_0 = arith.constant 0 : i32
    return %c0_i32 : i32
  }
  func.func @transform_10(%arg0: i32) -> (i32, i32) {
    %c0_i32 = arith.constant 0 : i32
    %c0_i32_0 = arith.constant 0 : i32
    %c0_i32_1 = arith.constant 0 : i32
    return %c0_i32, %c0_i32_0 : i32, i32
  }
  func.func @transform_11(%arg0: i32) -> i32 {
    %c0_i32 = arith.constant 0 : i32
    %c0_i32_0 = arith.constant 0 : i32
    return %c0_i32 : i32
  }
  func.func @transform_12(%arg0: i32) -> (i32, i32, i32) {
    %c0_i32 = arith.constant 0 : i32
    %c0_i32_0 = arith.constant 0 : i32
    %c0_i32_1 = arith.constant 0 : i32
    return %arg0, %c0_i32, %c0_i32_0 : i32, i32, i32
  }
}

module attributes {stable_mosaic.version = 14 : i64} {
  func.func @_comb_body(%arg0: i32, %arg1: memref<2048x128xf32, #tpu.memory_space<vmem>>, %arg2: memref<2048x128xf32, #tpu.memory_space<vmem>>, %arg3: memref<2048x8xf32, #tpu.memory_space<vmem>>, %arg4: memref<2x2048x16xf32, #tpu.memory_space<vmem>>, %arg5: memref<128xf32, #tpu.memory_space<vmem>>, %arg6: memref<128x128xf32, #tpu.memory_space<vmem>>, %arg7: memref<8x128xf32, #tpu.memory_space<vmem>>, %arg8: memref<2048x128xf32, #tpu.memory_space<vmem>>) attributes {dimension_semantics = [#tpu.dimension_semantics<arbitrary>], iteration_bounds = array<i64: 10>, scalar_prefetch = 0 : i64, scratch_operands = 0 : i64, tpu.core_type = #tpu.core_type<tc>, window_params = [{transform_indices = @transform_0, window_bounds = array<i64: 2048, 128>}, {transform_indices = @transform_1, window_bounds = array<i64: 2048, 128>}, {transform_indices = @transform_2, window_bounds = array<i64: 2048, 8>}, {transform_indices = @transform_3, window_bounds = array<i64: 2, 2048, 16>}, {pipeline_mode = #tpu.pipeline_mode<synchronous>, transform_indices = @transform_4, window_bounds = array<i64: 128>}, {pipeline_mode = #tpu.pipeline_mode<synchronous>, transform_indices = @transform_5, window_bounds = array<i64: 128, 128>}, {pipeline_mode = #tpu.pipeline_mode<synchronous>, transform_indices = @transform_6, window_bounds = array<i64: 8, 128>}, {transform_indices = @transform_7, window_bounds = array<i64: 2048, 128>}]} {
    %get3A = arith.constant 0 : index
    %get3A_0 = arith.constant 0 : index
    %get3A_1 = arith.constant 0 : index
    %get3A_2 = vector.load %arg4[%get3A, %get3A_0, %get3A_1] : memref<2x2048x16xf32, #tpu.memory_space<vmem>>, vector<1x2048x1xf32>
    %get3A_3 = vector.shape_cast %get3A_2 : vector<1x2048x1xf32> to vector<2048xf32>
    %get3A_4 = arith.constant 1 : index
    %get3A_5 = arith.constant 0 : index
    %get3A_6 = arith.constant 0 : index
    %get3A_7 = vector.load %arg4[%get3A_4, %get3A_5, %get3A_6] : memref<2x2048x16xf32, #tpu.memory_space<vmem>>, vector<1x2048x1xf32>
    %get3A_8 = vector.shape_cast %get3A_7 : vector<1x2048x1xf32> to vector<2048xf32>
    %add3A = arith.addf %get3A_3, %get3A_8 : vector<2048xf32>
    %add3A_9 = arith.constant 1.000000e+00 : f32
    %add3A_10 = vector.broadcast %add3A_9 : f32 to vector<2048xf32>
    %add3A_11 = arith.addf %add3A, %add3A_10 : vector<2048xf32>
    %rsqrt3A = math.rsqrt %add3A_11 : vector<2048xf32>
    %broadcast_in_dim3A = vector.shape_cast %rsqrt3A : vector<2048xf32> to vector<2048x1xf32>
    %get3A_12 = arith.constant 0 : index
    %get3A_13 = arith.constant 0 : index
    %get3A_14 = vector.load %arg1[%get3A_12, %get3A_13] : memref<2048x128xf32, #tpu.memory_space<vmem>>, vector<2048x128xf32>
    %get3A_15 = arith.constant 0 : index
    %get3A_16 = arith.constant 0 : index
    %get3A_17 = vector.load %arg2[%get3A_15, %get3A_16] : memref<2048x128xf32, #tpu.memory_space<vmem>>, vector<2048x128xf32>
    %add3A_18 = arith.addf %get3A_14, %get3A_17 : vector<2048x128xf32>
    %mul3A = vector.broadcast %broadcast_in_dim3A : vector<2048x1xf32> to vector<2048x128xf32>
    %mul3A_19 = arith.mulf %mul3A, %add3A_18 : vector<2048x128xf32>
    %get3A_20 = arith.constant 0 : index
    %get3A_21 = vector.load %arg5[%get3A_20] : memref<128xf32, #tpu.memory_space<vmem>>, vector<128xf32>
    %broadcast_in_dim3A_22 = vector.shape_cast %get3A_21 : vector<128xf32> to vector<1x128xf32>
    %add3A_23 = vector.broadcast %broadcast_in_dim3A_22 : vector<1x128xf32> to vector<2048x128xf32>
    %add3A_24 = arith.addf %mul3A_19, %add3A_23 : vector<2048x128xf32>
    %get3A_25 = arith.constant 0 : index
    %get3A_26 = arith.constant 0 : index
    %get3A_27 = vector.load %arg6[%get3A_25, %get3A_26] : memref<128x128xf32, #tpu.memory_space<vmem>>, vector<128x128xf32>
    %dot_general3A = arith.constant dense<0.000000e+00> : vector<2048x128xf32>
    %dot_general3A_28 = tpu.matmul %add3A_24, %get3A_27, %dot_general3A {dimension_numbers = #tpu.dot_dimension_numbers<[1], [0], [0], [1], [0, 0, 1, 1], [], []>, transpose_lhs_hint = false} : vector<2048x128xf32>, vector<128x128xf32>, vector<2048x128xf32> -> vector<2048x128xf32>
    %get3A_29 = arith.constant 0 : index
    %get3A_30 = arith.constant 0 : index
    %get3A_31 = vector.load %arg3[%get3A_29, %get3A_30] : memref<2048x8xf32, #tpu.memory_space<vmem>>, vector<2048x8xf32>
    %get3A_32 = arith.constant 0 : index
    %get3A_33 = arith.constant 0 : index
    %get3A_34 = vector.load %arg7[%get3A_32, %get3A_33] : memref<8x128xf32, #tpu.memory_space<vmem>>, vector<8x128xf32>
    %dot_general3A_35 = arith.constant dense<0.000000e+00> : vector<2048x128xf32>
    %dot_general3A_36 = tpu.matmul %get3A_31, %get3A_34, %dot_general3A_35 {dimension_numbers = #tpu.dot_dimension_numbers<[1], [0], [0], [1], [0, 0, 1, 1], [], []>, transpose_lhs_hint = false} : vector<2048x8xf32>, vector<8x128xf32>, vector<2048x128xf32> -> vector<2048x128xf32>
    %add3A_37 = arith.addf %dot_general3A_28, %dot_general3A_36 : vector<2048x128xf32>
    %mul3A_38 = vector.broadcast %broadcast_in_dim3A : vector<2048x1xf32> to vector<2048x128xf32>
    %mul3A_39 = arith.mulf %mul3A_38, %add3A_37 : vector<2048x128xf32>
    %swap3A = arith.constant 0 : index
    %swap3A_40 = arith.constant 0 : index
    %swap3A_41 = vector.load %arg8[%swap3A, %swap3A_40] : memref<2048x128xf32, #tpu.memory_space<vmem>>, vector<2048x128xf32>
    tpu.vector_store %arg8[%swap3A, %swap3A_40], %mul3A_39 {strides = array<i32>} : memref<2048x128xf32, #tpu.memory_space<vmem>>, vector<2048x128xf32>,
    return
  }
  func.func @transform_0(%arg0: i32) -> (i32, i32) {
    %c0_i32 = arith.constant 0 : i32
    %c0_i32_0 = arith.constant 0 : i32
    return %arg0, %c0_i32 : i32, i32
  }
  func.func @transform_1(%arg0: i32) -> (i32, i32) {
    %c0_i32 = arith.constant 0 : i32
    %c0_i32_0 = arith.constant 0 : i32
    return %arg0, %c0_i32 : i32, i32
  }
  func.func @transform_2(%arg0: i32) -> (i32, i32) {
    %c0_i32 = arith.constant 0 : i32
    %c0_i32_0 = arith.constant 0 : i32
    return %arg0, %c0_i32 : i32, i32
  }
  func.func @transform_3(%arg0: i32) -> (i32, i32, i32) {
    %jit3A = arith.constant 5 : i32
    %eq3A = arith.constant 0 : i32
    %eq3A_0 = arith.cmpi eq, %jit3A, %eq3A : i32
    %jit3A_1 = arith.constant 1 : i32
    %select_n3A = arith.select %eq3A_0, %jit3A_1, %jit3A : i32
    %rem3A = arith.remsi %arg0, %select_n3A : i32
    %ne3A = arith.constant 0 : i32
    %ne3A_2 = arith.cmpi ne, %rem3A, %ne3A : i32
    %lt3A = arith.constant 0 : i32
    %lt3A_3 = arith.cmpi slt, %rem3A, %lt3A : i32
    %lt3A_4 = arith.constant 0 : i32
    %lt3A_5 = arith.cmpi slt, %select_n3A, %lt3A_4 : i32
    %ne3A_6 = arith.xori %lt3A_3, %lt3A_5 : i1
    %and3A = arith.andi %ne3A_6, %ne3A_2 : i1
    %add3A = arith.addi %rem3A, %select_n3A : i32
    %select_n3A_7 = arith.select %and3A, %add3A, %rem3A : i32
    %c0_i32 = arith.constant 0 : i32
    %c0_i32_8 = arith.constant 0 : i32
    %c0_i32_9 = arith.constant 0 : i32
    return %c0_i32, %select_n3A_7, %c0_i32_8 : i32, i32, i32
  }
  func.func @transform_4(%arg0: i32) -> i32 {
    %c0_i32 = arith.constant 0 : i32
    %c0_i32_0 = arith.constant 0 : i32
    return %c0_i32 : i32
  }
  func.func @transform_5(%arg0: i32) -> (i32, i32) {
    %c0_i32 = arith.constant 0 : i32
    %c0_i32_0 = arith.constant 0 : i32
    %c0_i32_1 = arith.constant 0 : i32
    return %c0_i32, %c0_i32_0 : i32, i32
  }
  func.func @transform_6(%arg0: i32) -> (i32, i32) {
    %c0_i32 = arith.constant 0 : i32
    %c0_i32_0 = arith.constant 0 : i32
    %c0_i32_1 = arith.constant 0 : i32
    return %c0_i32, %c0_i32_0 : i32, i32
  }
  func.func @transform_7(%arg0: i32) -> (i32, i32) {
    %c0_i32 = arith.constant 0 : i32
    %c0_i32_0 = arith.constant 0 : i32
    return %arg0, %c0_i32 : i32, i32
  }
}

module attributes {stable_mosaic.version = 14 : i64} {
  func.func @_dec_body(%arg0: i32, %arg1: memref<1x1024x8xf32, #tpu.memory_space<vmem>>, %arg2: memref<10240x8xf32, #tpu.memory_space<vmem>>, %arg3: memref<1x10240x128xf32, #tpu.memory_space<vmem>>, %arg4: memref<1x10240x128xf32, #tpu.memory_space<vmem>>, %arg5: memref<2x10240x16xf32, #tpu.memory_space<vmem>>, %arg6: memref<128xf32, #tpu.memory_space<vmem>>, %arg7: memref<128x128xf32, #tpu.memory_space<vmem>>, %arg8: memref<8x128xf32, #tpu.memory_space<vmem>>, %arg9: memref<128xf32, #tpu.memory_space<vmem>>, %arg10: memref<128x128xf32, #tpu.memory_space<vmem>>, %arg11: memref<128xf32, #tpu.memory_space<vmem>>, %arg12: memref<128x128xf32, #tpu.memory_space<vmem>>, %arg13: memref<128xf32, #tpu.memory_space<vmem>>, %arg14: memref<1x1024x128xf32, #tpu.memory_space<vmem>>) attributes {dimension_semantics = [#tpu.dimension_semantics<arbitrary>], iteration_bounds = array<i64: 2>, scalar_prefetch = 0 : i64, scratch_operands = 0 : i64, tpu.core_type = #tpu.core_type<tc>, window_params = [{transform_indices = @transform_0, window_bounds = array<i64: 1, 1024, 8>}, {pipeline_mode = #tpu.pipeline_mode<synchronous>, transform_indices = @transform_1, window_bounds = array<i64: 10240, 8>}, {transform_indices = @transform_2, window_bounds = array<i64: 1, 10240, 128>}, {transform_indices = @transform_3, window_bounds = array<i64: 1, 10240, 128>}, {pipeline_mode = #tpu.pipeline_mode<synchronous>, transform_indices = @transform_4, window_bounds = array<i64: 2, 10240, 16>}, {pipeline_mode = #tpu.pipeline_mode<synchronous>, transform_indices = @transform_5, window_bounds = array<i64: 128>}, {pipeline_mode = #tpu.pipeline_mode<synchronous>, transform_indices = @transform_6, window_bounds = array<i64: 128, 128>}, {pipeline_mode = #tpu.pipeline_mode<synchronous>, transform_indices = @transform_7, window_bounds = array<i64: 8, 128>}, {pipeline_mode = #tpu.pipeline_mode<synchronous>, transform_indices = @transform_8, window_bounds = array<i64: 128>}, {pipeline_mode = #tpu.pipeline_mode<synchronous>, transform_indices = @transform_9, window_bounds = array<i64: 128, 128>}, {pipeline_mode = #tpu.pipeline_mode<synchronous>, transform_indices = @transform_10, window_bounds = array<i64: 128>}, {pipeline_mode = #tpu.pipeline_mode<synchronous>, transform_indices = @transform_11, window_bounds = array<i64: 128, 128>}, {pipeline_mode = #tpu.pipeline_mode<synchronous>, transform_indices = @transform_12, window_bounds = array<i64: 128>}, {transform_indices = @transform_13, window_bounds = array<i64: 1, 1024, 128>}]} {
    %get3A = arith.constant 0 : index
    %get3A_0 = arith.constant 0 : index
    %get3A_1 = arith.constant 0 : index
    %get3A_2 = vector.load %arg1[%get3A, %get3A_0, %get3A_1] : memref<1x1024x8xf32, #tpu.memory_space<vmem>>, vector<1x1024x8xf32>
    %get3A_3 = vector.shape_cast %get3A_2 : vector<1x1024x8xf32> to vector<1024x8xf32>
    %mul3A = arith.mulf %get3A_3, %get3A_3 : vector<1024x8xf32>
    %reduce_sum3A = arith.constant dense<0.000000e+00> : vector<1024xf32>
    %reduce_sum3A_4 = vector.multi_reduction <add>, %mul3A, %reduce_sum3A [1] : vector<1024x8xf32> to vector<1024xf32>
    %broadcast_in_dim3A = vector.shape_cast %reduce_sum3A_4 : vector<1024xf32> to vector<1024x1xf32>
    %broadcast_in_dim3A_5 = arith.constant -1.000000e+30 : f32
    %broadcast_in_dim3A_6 = vector.broadcast %broadcast_in_dim3A_5 : f32 to vector<1024x1xf32>
    %broadcast_in_dim3A_7 = arith.constant 0.000000e+00 : f32
    %broadcast_in_dim3A_8 = vector.broadcast %broadcast_in_dim3A_7 : f32 to vector<1024x1xf32>
    %broadcast_in_dim3A_9 = arith.constant 0.000000e+00 : f32
    %broadcast_in_dim3A_10 = vector.broadcast %broadcast_in_dim3A_9 : f32 to vector<1024x128xf32>
    %scan3A = arith.constant 0 : i32
    %scan3A_11 = arith.constant 10 : i32
    %scan3A_12 = arith.addi %scan3A, %scan3A_11 : i32
    %scan3A_13 = arith.constant 1 : i32
    %scan3A_14:3 = scf.for %scan3A_61 = %scan3A to %scan3A_12 step %scan3A_13 iter_args(%scan3A_62 = %broadcast_in_dim3A_6, %scan3A_63 = %broadcast_in_dim3A_8, %scan3A_64 = %broadcast_in_dim3A_10) -> (vector<1024x1xf32>, vector<1024x1xf32>, vector<1024x128xf32>)  : i32 {
      %mul3A_65 = arith.constant 1024 : i32
      %mul3A_66 = arith.muli %scan3A_61, %mul3A_65 : i32
      %get3A_67 = arith.index_cast %mul3A_66 : i32 to index
      %get3A_68 = arith.constant 0 : index
      %get3A_69 = vector.load %arg2[%get3A_67, %get3A_68] : memref<10240x8xf32, #tpu.memory_space<vmem>>, vector<1024x8xf32>
      %mul3A_70 = arith.mulf %get3A_69, %get3A_69 : vector<1024x8xf32>
      %reduce_sum3A_71 = arith.constant dense<0.000000e+00> : vector<1024xf32>
      %reduce_sum3A_72 = vector.multi_reduction <add>, %mul3A_70, %reduce_sum3A_71 [1] : vector<1024x8xf32> to vector<1024xf32>
      %mul3A_73 = arith.constant 1024 : i32
      %mul3A_74 = arith.muli %scan3A_61, %mul3A_73 : i32
      %get3A_75 = arith.constant 0 : index
      %get3A_76 = arith.index_cast %mul3A_74 : i32 to index
      %get3A_77 = arith.constant 0 : index
      %get3A_78 = vector.load %arg5[%get3A_75, %get3A_76, %get3A_77] : memref<2x10240x16xf32, #tpu.memory_space<vmem>>, vector<1x1024x1xf32>
      %get3A_79 = vector.shape_cast %get3A_78 : vector<1x1024x1xf32> to vector<1024xf32>
      %mul3A_80 = arith.constant 1024 : i32
      %mul3A_81 = arith.muli %scan3A_61, %mul3A_80 : i32
      %get3A_82 = arith.constant 1 : index
      %get3A_83 = arith.index_cast %mul3A_81 : i32 to index
      %get3A_84 = arith.constant 0 : index
      %get3A_85 = vector.load %arg5[%get3A_82, %get3A_83, %get3A_84] : memref<2x10240x16xf32, #tpu.memory_space<vmem>>, vector<1x1024x1xf32>
      %get3A_86 = vector.shape_cast %get3A_85 : vector<1x1024x1xf32> to vector<1024xf32>
      %add3A_87 = arith.addf %get3A_79, %get3A_86 : vector<1024xf32>
      %add3A_88 = arith.constant 1.000000e+00 : f32
      %add3A_89 = vector.broadcast %add3A_88 : f32 to vector<1024xf32>
      %add3A_90 = arith.addf %add3A_87, %add3A_89 : vector<1024xf32>
      %rsqrt3A = math.rsqrt %add3A_90 : vector<1024xf32>
      %broadcast_in_dim3A_91 = vector.shape_cast %rsqrt3A : vector<1024xf32> to vector<1024x1xf32>
      %mul3A_92 = arith.constant 1024 : i32
      %mul3A_93 = arith.muli %scan3A_61, %mul3A_92 : i32
      %get3A_94 = arith.constant 0 : index
      %get3A_95 = arith.index_cast %mul3A_93 : i32 to index
      %get3A_96 = arith.constant 0 : index
      %get3A_97 = vector.load %arg3[%get3A_94, %get3A_95, %get3A_96] : memref<1x10240x128xf32, #tpu.memory_space<vmem>>, vector<1x1024x128xf32>
      %get3A_98 = vector.shape_cast %get3A_97 : vector<1x1024x128xf32> to vector<1024x128xf32>
      %mul3A_99 = arith.constant 1024 : i32
      %mul3A_100 = arith.muli %scan3A_61, %mul3A_99 : i32
      %get3A_101 = arith.constant 0 : index
      %get3A_102 = arith.index_cast %mul3A_100 : i32 to index
      %get3A_103 = arith.constant 0 : index
      %get3A_104 = vector.load %arg4[%get3A_101, %get3A_102, %get3A_103] : memref<1x10240x128xf32, #tpu.memory_space<vmem>>, vector<1x1024x128xf32>
      %get3A_105 = vector.shape_cast %get3A_104 : vector<1x1024x128xf32> to vector<1024x128xf32>
      %add3A_106 = arith.addf %get3A_98, %get3A_105 : vector<1024x128xf32>
      %mul3A_107 = vector.broadcast %broadcast_in_dim3A_91 : vector<1024x1xf32> to vector<1024x128xf32>
      %mul3A_108 = arith.mulf %mul3A_107, %add3A_106 : vector<1024x128xf32>
      %get3A_109 = arith.constant 0 : index
      %get3A_110 = vector.load %arg6[%get3A_109] : memref<128xf32, #tpu.memory_space<vmem>>, vector<128xf32>
      %broadcast_in_dim3A_111 = vector.shape_cast %get3A_110 : vector<128xf32> to vector<1x128xf32>
      %add3A_112 = vector.broadcast %broadcast_in_dim3A_111 : vector<1x128xf32> to vector<1024x128xf32>
      %add3A_113 = arith.addf %mul3A_108, %add3A_112 : vector<1024x128xf32>
      %dot_general3A_114 = arith.constant dense<0.000000e+00> : vector<1024x1024xf32>
      %dot_general3A_115 = tpu.matmul %get3A_3, %get3A_69, %dot_general3A_114 {dimension_numbers = #tpu.dot_dimension_numbers<[1], [1], [0], [0], [0, 0, 1, 0], [], []>, transpose_lhs_hint = false} : vector<1024x8xf32>, vector<1024x8xf32>, vector<1024x1024xf32> -> vector<1024x1024xf32>
      %mul3A_116 = arith.constant 2.000000e+00 : f32
      %mul3A_117 = vector.broadcast %mul3A_116 : f32 to vector<1024x1024xf32>
      %mul3A_118 = arith.mulf %mul3A_117, %dot_general3A_115 : vector<1024x1024xf32>
      %sub3A = vector.broadcast %broadcast_in_dim3A : vector<1024x1xf32> to vector<1024x1024xf32>
      %sub3A_119 = arith.subf %mul3A_118, %sub3A : vector<1024x1024xf32>
      %broadcast_in_dim3A_120 = vector.shape_cast %reduce_sum3A_72 : vector<1024xf32> to vector<1x1024xf32>
      %sub3A_121 = vector.broadcast %broadcast_in_dim3A_120 : vector<1x1024xf32> to vector<1024x1024xf32>
      %sub3A_122 = arith.subf %sub3A_119, %sub3A_121 : vector<1024x1024xf32>
      %reduce_max3A = arith.constant dense<0xFF800000> : vector<1024xf32>
      %reduce_max3A_123 = vector.multi_reduction <maximumf>, %sub3A_122, %reduce_max3A [1] : vector<1024x1024xf32> to vector<1024xf32>
      %broadcast_in_dim3A_124 = vector.shape_cast %reduce_max3A_123 : vector<1024xf32> to vector<1024x1xf32>
      %max3A_125 = arith.maximumf %scan3A_62, %broadcast_in_dim3A_124 : vector<1024x1xf32>
      %sub3A_126 = arith.subf %scan3A_62, %max3A_125 : vector<1024x1xf32>
      %exp3A = math.exp %sub3A_126 : vector<1024x1xf32>
      %sub3A_127 = vector.broadcast %max3A_125 : vector<1024x1xf32> to vector<1024x1024xf32>
      %sub3A_128 = arith.subf %sub3A_122, %sub3A_127 : vector<1024x1024xf32>
      %exp3A_129 = math.exp %sub3A_128 : vector<1024x1024xf32>
      %mul3A_130 = vector.broadcast %exp3A : vector<1024x1xf32> to vector<1024x128xf32>
      %mul3A_131 = arith.mulf %scan3A_64, %mul3A_130 : vector<1024x128xf32>
      %dot_general3A_132 = arith.constant dense<0.000000e+00> : vector<1024x128xf32>
      %dot_general3A_133 = tpu.matmul %exp3A_129, %add3A_113, %dot_general3A_132 {dimension_numbers = #tpu.dot_dimension_numbers<[1], [0], [0], [1], [0, 0, 1, 1], [], []>, transpose_lhs_hint = false} : vector<1024x1024xf32>, vector<1024x128xf32>, vector<1024x128xf32> -> vector<1024x128xf32>
      %add3A_134 = arith.addf %mul3A_131, %dot_general3A_133 : vector<1024x128xf32>
      %mul3A_135 = arith.mulf %scan3A_63, %exp3A : vector<1024x1xf32>
      %reduce_sum3A_136 = arith.constant dense<0.000000e+00> : vector<1024xf32>
      %reduce_sum3A_137 = vector.multi_reduction <add>, %exp3A_129, %reduce_sum3A_136 [1] : vector<1024x1024xf32> to vector<1024xf32>
      %broadcast_in_dim3A_138 = vector.shape_cast %reduce_sum3A_137 : vector<1024xf32> to vector<1024x1xf32>
      %add3A_139 = arith.addf %mul3A_135, %broadcast_in_dim3A_138 : vector<1024x1xf32>
      scf.yield %max3A_125, %add3A_139, %add3A_134 : vector<1024x1xf32>, vector<1024x1xf32>, vector<1024x128xf32>
    }
    %scan3A_15 = arith.constant 10 : i32
    %div3A = vector.broadcast %scan3A_14#1 : vector<1024x1xf32> to vector<1024x128xf32>
    %div3A_16 = arith.divf %scan3A_14#2, %div3A : vector<1024x128xf32>
    %get3A_17 = arith.constant 0 : index
    %get3A_18 = arith.constant 0 : index
    %get3A_19 = vector.load %arg7[%get3A_17, %get3A_18] : memref<128x128xf32, #tpu.memory_space<vmem>>, vector<128x128xf32>
    %dot_general3A = arith.constant dense<0.000000e+00> : vector<1024x128xf32>
    %dot_general3A_20 = tpu.matmul %div3A_16, %get3A_19, %dot_general3A {dimension_numbers = #tpu.dot_dimension_numbers<[1], [0], [0], [1], [0, 0, 1, 1], [], []>, transpose_lhs_hint = false} : vector<1024x128xf32>, vector<128x128xf32>, vector<1024x128xf32> -> vector<1024x128xf32>
    %get3A_21 = arith.constant 0 : index
    %get3A_22 = arith.constant 0 : index
    %get3A_23 = vector.load %arg8[%get3A_21, %get3A_22] : memref<8x128xf32, #tpu.memory_space<vmem>>, vector<8x128xf32>
    %dot_general3A_24 = arith.constant dense<0.000000e+00> : vector<1024x128xf32>
    %dot_general3A_25 = tpu.matmul %get3A_3, %get3A_23, %dot_general3A_24 {dimension_numbers = #tpu.dot_dimension_numbers<[1], [0], [0], [1], [0, 0, 1, 1], [], []>, transpose_lhs_hint = false} : vector<1024x8xf32>, vector<8x128xf32>, vector<1024x128xf32> -> vector<1024x128xf32>
    %add3A = arith.addf %dot_general3A_20, %dot_general3A_25 : vector<1024x128xf32>
    %get3A_26 = arith.constant 0 : index
    %get3A_27 = vector.load %arg9[%get3A_26] : memref<128xf32, #tpu.memory_space<vmem>>, vector<128xf32>
    %broadcast_in_dim3A_28 = vector.shape_cast %get3A_27 : vector<128xf32> to vector<1x128xf32>
    %add3A_29 = vector.broadcast %broadcast_in_dim3A_28 : vector<1x128xf32> to vector<1024x128xf32>
    %add3A_30 = arith.addf %add3A, %add3A_29 : vector<1024x128xf32>
    %max3A = arith.constant 0.000000e+00 : f32
    %max3A_31 = vector.broadcast %max3A : f32 to vector<1024x128xf32>
    %max3A_32 = arith.maximumf %add3A_30, %max3A_31 : vector<1024x128xf32>
    %get3A_33 = arith.constant 0 : index
    %get3A_34 = arith.constant 0 : index
    %get3A_35 = vector.load %arg10[%get3A_33, %get3A_34] : memref<128x128xf32, #tpu.memory_space<vmem>>, vector<128x128xf32>
    %dot_general3A_36 = arith.constant dense<0.000000e+00> : vector<1024x128xf32>
    %dot_general3A_37 = tpu.matmul %max3A_32, %get3A_35, %dot_general3A_36 {dimension_numbers = #tpu.dot_dimension_numbers<[1], [0], [0], [1], [0, 0, 1, 1], [], []>, transpose_lhs_hint = false} : vector<1024x128xf32>, vector<128x128xf32>, vector<1024x128xf32> -> vector<1024x128xf32>
    %get3A_38 = arith.constant 0 : index
    %get3A_39 = vector.load %arg11[%get3A_38] : memref<128xf32, #tpu.memory_space<vmem>>, vector<128xf32>
    %broadcast_in_dim3A_40 = vector.shape_cast %get3A_39 : vector<128xf32> to vector<1x128xf32>
    %add3A_41 = vector.broadcast %broadcast_in_dim3A_40 : vector<1x128xf32> to vector<1024x128xf32>
    %add3A_42 = arith.addf %dot_general3A_37, %add3A_41 : vector<1024x128xf32>
    %max3A_43 = arith.constant 0.000000e+00 : f32
    %max3A_44 = vector.broadcast %max3A_43 : f32 to vector<1024x128xf32>
    %max3A_45 = arith.maximumf %add3A_42, %max3A_44 : vector<1024x128xf32>
    %get3A_46 = arith.constant 0 : index
    %get3A_47 = arith.constant 0 : index
    %get3A_48 = vector.load %arg12[%get3A_46, %get3A_47] : memref<128x128xf32, #tpu.memory_space<vmem>>, vector<128x128xf32>
    %dot_general3A_49 = arith.constant dense<0.000000e+00> : vector<1024x128xf32>
    %dot_general3A_50 = tpu.matmul %max3A_45, %get3A_48, %dot_general3A_49 {dimension_numbers = #tpu.dot_dimension_numbers<[1], [0], [0], [1], [0, 0, 1, 1], [], []>, transpose_lhs_hint = false} : vector<1024x128xf32>, vector<128x128xf32>, vector<1024x128xf32> -> vector<1024x128xf32>
    %get3A_51 = arith.constant 0 : index
    %get3A_52 = vector.load %arg13[%get3A_51] : memref<128xf32, #tpu.memory_space<vmem>>, vector<128xf32>
    %broadcast_in_dim3A_53 = vector.shape_cast %get3A_52 : vector<128xf32> to vector<1x128xf32>
    %add3A_54 = vector.broadcast %broadcast_in_dim3A_53 : vector<1x128xf32> to vector<1024x128xf32>
    %add3A_55 = arith.addf %dot_general3A_50, %add3A_54 : vector<1024x128xf32>
    %swap3A = arith.constant 0 : index
    %swap3A_56 = arith.constant 0 : index
    %swap3A_57 = arith.constant 0 : index
    %swap3A_58 = vector.load %arg14[%swap3A, %swap3A_56, %swap3A_57] : memref<1x1024x128xf32, #tpu.memory_space<vmem>>, vector<1x1024x128xf32>
    %swap3A_59 = vector.shape_cast %swap3A_58 : vector<1x1024x128xf32> to vector<1024x128xf32>
    %swap3A_60 = vector.shape_cast %add3A_55 : vector<1024x128xf32> to vector<1x1024x128xf32>
    tpu.vector_store %arg14[%swap3A, %swap3A_56, %swap3A_57], %swap3A_60 {strides = array<i32>} : memref<1x1024x128xf32, #tpu.memory_space<vmem>>, vector<1x1024x128xf32>,
    return
  }
  func.func @transform_0(%arg0: i32) -> (i32, i32, i32) {
    %c0_i32 = arith.constant 0 : i32
    %c0_i32_0 = arith.constant 0 : i32
    %c0_i32_1 = arith.constant 0 : i32
    return %arg0, %c0_i32, %c0_i32_0 : i32, i32, i32
  }
  func.func @transform_1(%arg0: i32) -> (i32, i32) {
    %c0_i32 = arith.constant 0 : i32
    %c0_i32_0 = arith.constant 0 : i32
    %c0_i32_1 = arith.constant 0 : i32
    return %c0_i32, %c0_i32_0 : i32, i32
  }
  func.func @transform_2(%arg0: i32) -> (i32, i32, i32) {
    %c0_i32 = arith.constant 0 : i32
    %c0_i32_0 = arith.constant 0 : i32
    %c0_i32_1 = arith.constant 0 : i32
    return %arg0, %c0_i32, %c0_i32_0 : i32, i32, i32
  }
  func.func @transform_3(%arg0: i32) -> (i32, i32, i32) {
    %c0_i32 = arith.constant 0 : i32
    %c0_i32_0 = arith.constant 0 : i32
    %c0_i32_1 = arith.constant 0 : i32
    return %arg0, %c0_i32, %c0_i32_0 : i32, i32, i32
  }
  func.func @transform_4(%arg0: i32) -> (i32, i32, i32) {
    %c0_i32 = arith.constant 0 : i32
    %c0_i32_0 = arith.constant 0 : i32
    %c0_i32_1 = arith.constant 0 : i32
    %c0_i32_2 = arith.constant 0 : i32
    return %c0_i32, %c0_i32_0, %c0_i32_1 : i32, i32, i32
  }
  func.func @transform_5(%arg0: i32) -> i32 {
    %c0_i32 = arith.constant 0 : i32
    %c0_i32_0 = arith.constant 0 : i32
    return %c0_i32 : i32
  }
  func.func @transform_6(%arg0: i32) -> (i32, i32) {
    %c0_i32 = arith.constant 0 : i32
    %c0_i32_0 = arith.constant 0 : i32
    %c0_i32_1 = arith.constant 0 : i32
    return %c0_i32, %c0_i32_0 : i32, i32
  }
  func.func @transform_7(%arg0: i32) -> (i32, i32) {
    %c0_i32 = arith.constant 0 : i32
    %c0_i32_0 = arith.constant 0 : i32
    %c0_i32_1 = arith.constant 0 : i32
    return %c0_i32, %c0_i32_0 : i32, i32
  }
  func.func @transform_8(%arg0: i32) -> i32 {
    %c0_i32 = arith.constant 0 : i32
    %c0_i32_0 = arith.constant 0 : i32
    return %c0_i32 : i32
  }
  func.func @transform_9(%arg0: i32) -> (i32, i32) {
    %c0_i32 = arith.constant 0 : i32
    %c0_i32_0 = arith.constant 0 : i32
    %c0_i32_1 = arith.constant 0 : i32
    return %c0_i32, %c0_i32_0 : i32, i32
  }
  func.func @transform_10(%arg0: i32) -> i32 {
    %c0_i32 = arith.constant 0 : i32
    %c0_i32_0 = arith.constant 0 : i32
    return %c0_i32 : i32
  }
  func.func @transform_11(%arg0: i32) -> (i32, i32) {
    %c0_i32 = arith.constant 0 : i32
    %c0_i32_0 = arith.constant 0 : i32
    %c0_i32_1 = arith.constant 0 : i32
    return %c0_i32, %c0_i32_0 : i32, i32
  }
  func.func @transform_12(%arg0: i32) -> i32 {
    %c0_i32 = arith.constant 0 : i32
    %c0_i32_0 = arith.constant 0 : i32
    return %c0_i32 : i32
  }
  func.func @transform_13(%arg0: i32) -> (i32, i32, i32) {
    %c0_i32 = arith.constant 0 : i32
    %c0_i32_0 = arith.constant 0 : i32
    %c0_i32_1 = arith.constant 0 : i32
    return %arg0, %c0_i32, %c0_i32_0 : i32, i32, i32
  }
}

</mosaic_0001>

<sc_bundles>
// kernel: kernel.10.cloned.1.call-start
scs
__scs_entry_jumppad:
0x0: {  	(pc) =	sbr.rel $0x88, $3  }
0x1: {  	(tag) =	ssettag $0x0;
	lr =	simm.s32 $0x1  }
0x2: {  	[smem:$0x3F8E] =	sst lr;
	_ =	strace $0xD0000000  }
0x3: {  	_ = 	snop  }
0x4: {  	_ = 	snop  }
0x5: {  	_ = 	snop  }
0x6: {  	_ = 	snop  }
0x7: {  	_ = 	snop  }
__scs_overlays_trampoline_lowered:
0x8: {  	[smem:$0x3F9D] =	sst s0  }
0x9: {  	[smem:$0x3F9E] =	sst s1  }
0xa: {  	[smem:$0x3F9F] =	sst s2  }
0xb: {  	[smem:$0x3FA0] =	sst s3  }
0xc: {  	[smem:$0x3FA1] =	sst s4  }
0xd: {  	[smem:$0x3FA2] =	sst s5  }
0xe: {  	[smem:$0x3FA3] =	sst s6  }
0xf: {  	[smem:$0x3FA4] =	sst s7  }
0x10: {  	[smem:$0x3FA5] =	sst s8  }
0x11: {  	[smem:$0x3FA6] =	sst s9;
	s0 =	simm.s32 @!p0 $0x0  }
0x12: {  	s1 =	sld [smem:$0x3F8C];
	s0 =	simm.s32 @p0 $0x1  }
0x13: {  	[smem:$0x3FA7] =	sst s0;
	s0 =	simm.s32 @!p1 $0x0  }
0x14: {  	s2 =	sld [smem:$0x3F8B];
	s0 =	simm.s32 @p1 $0x1  }
0x15: {  	[smem:$0x3FA8] =	sst s0;
	s0 =	simm.s32 @!p2 $0x0  }
0x16: {  	s3 =	sld [smem:$0x3FDB];
	s0 =	simm.s32 @p2 $0x1  }
0x17: {  	s4 =	simm.s32 $0x1BF5;
	[smem:$0x3FAA] =	sst s0  }
0x18: {  	s0 =	sld [smem:$0x3F8D];
	_ =	swait.ge [sflag:s4], $0x0  }
0x19: {  	s7 =	sld [smem:$0x3F8E]  }
0x1a: {  	s8 =	sadd.s32 $0xFFFFE003, lr  }
0x1b: {  	s9 =	sadd.s32 $0xFFFFFEF7, lr;
	s5 =	simm.s32 $0xFFFFFFFF;
	p2 =	slt.u32 s8, $0xFFFFF086  }
0x1c: {  	p1 =	slt.u32 s9, $0xF7A;
	s5 =	simm.s32 @!p2 $0x0  }
0x1d: {  	s5 =	simm.s32 @p1 $0x1;
	p0 =	seq.s32 s7, s2  }
0x1e: {  	s7 =	smul.u32 @!p0 $0xF7A, s2;
	p2 =	seq.s32 @!p0 s5, $0x0  }
0x1f: {  	s9 =	smul.u32 $0xF7A, s1;
	s8 =	simm.s32 @!p0 $0x1BF5;
	p2 =	por !p2, p0  }
0x20: {  	[sflag:s8] =	ssyncset.s32 @!p0 $0xFFFFF086;
	s6 =	sadd.s32 @!p0 s3, s7;
	s7 =	simm.s32 @!p0 $0x108  }
0x21: {  	s3 =	sadd.s32 s3, s9;
	s6 =	sadd.s32 @!p0 $0x88, s6;
	s7 =	simm.s32 @p2 $0x1082  }
0x22: {  	[simem:s7], [sflag:s8] =	dma.local @!p0 [hbm:s6], $0xF7A  }
0x23: {  	s9 =	sor.u32 $0xD0000000, s2;
	s6 =	simm.s32 $0x108;
	_ =	swait.ge @!p0 [sflag:s8], $0x0  }
0x24: {  	s3 =	sadd.s32 $0x88, s3;
	s6 =	simm.s32 @!p1 $0x1082;
	[sflag:s4] =	ssyncset.s32 $0xFFFFF086  }
0x25: {  	[simem:s6], [sflag:s4] =	dma.local [hbm:s3], $0xF7A  }
0x26: {  	[smem:$0x3F8E] =	sst s1;
	(tag) =	ssettag s2;
	_ =	strace s9  }
0x27: {  	s1 =	sld [smem:$0x3F9E]  }
0x28: {  	s2 =	sld [smem:$0x3F9F]  }
0x29: {  	s4 =	sld [smem:$0x3FA1]  }
0x2a: {  	p0 =	seq.s32 s5, $0x0;
	s5 =	sld [smem:$0x3FA2]  }
0x2b: {  	s6 =	sld [smem:$0x3FA3]  }
0x2c: {  	s7 =	sld [smem:$0x3FA4]  }
0x2d: {  	s3 =	simm.s32 $0x108;
	s8 =	sld [smem:$0x3FA5]  }
0x2e: {  	s3 =	simm.s32 @!p0 $0x1082;
	s9 =	sld [smem:$0x3FA6]  }
0x2f: {  	lr =	sadd.s32 s0, s3;
	s0 =	sld [smem:$0x3F9D]  }
0x30: {  	s3 =	sld [smem:$0x3FA0]  }
0x31: {  	[smem:$0x3FA9] =	sst s10  }
0x32: {  	s10 =	sld [smem:$0x3FA7];
	_ =	sdelay $0x3  }
0x33: {  	p0 =	seq.s32 s10, $0x1;
	s10 =	sld [smem:$0x3FA9];
	_ =	sdelay $0x3  }
0x34: {  	[smem:$0x3FA9] =	sst s10  }
0x35: {  	s10 =	sld [smem:$0x3FA8];
	_ =	sdelay $0x3  }
0x36: {  	p1 =	seq.s32 s10, $0x1;
	s10 =	sld [smem:$0x3FA9];
	_ =	sdelay $0x3  }
0x37: {  	[smem:$0x3FA9] =	sst s10  }
0x38: {  	s10 =	sld [smem:$0x3FAA]  }
0x39: {  	_ = 	snop;
	(pc) =	sbr.ind lr, $3  }
0x3a: {  	_ = 	snop  }
0x3b: {  	_ = 	snop  }
0x3c: {  	p2 =	seq.s32 s10, $0x1;
	s10 =	sld [smem:$0x3FA9]  }
0x3d: {  	_ =	shalt  }
0x3e: {  	_ =	shalt  }
0x3f: {  	_ =	shalt  }
0x40: {  	_ =	shalt  }
0x41: {  	_ =	shalt  }
0x42: {  	_ =	shalt  }
0x43: {  	_ =	shalt  }
0x44: {  	_ =	shalt  }
0x45: {  	_ =	shalt  }
0x46: {  	_ =	shalt  }
0x47: {  	_ =	shalt  }
0x48: {  	_ =	shalt  }
0x49: {  	_ =	shalt  }
0x4a: {  	_ =	shalt  }
0x4b: {  	_ =	shalt  }
0x4c: {  	_ =	shalt  }
0x4d: {  	_ =	shalt  }
0x4e: {  	_ =	shalt  }
0x4f: {  	_ =	shalt  }
0x50: {  	_ =	shalt  }
0x51: {  	_ =	shalt  }
0x52: {  	_ =	shalt  }
0x53: {  	_ =	shalt  }
0x54: {  	_ =	shalt  }
0x55: {  	_ =	shalt  }
0x56: {  	_ =	shalt  }
0x57: {  	_ =	shalt  }
0x58: {  	_ =	shalt  }
0x59: {  	_ =	shalt  }
0x5a: {  	_ =	shalt  }
0x5b: {  	_ =	shalt  }
0x5c: {  	_ =	shalt  }
0x5d: {  	_ =	shalt  }
0x5e: {  	_ =	shalt  }
0x5f: {  	_ =	shalt  }
0x60: {  	_ =	shalt  }
0x61: {  	_ =	shalt  }
0x62: {  	_ =	shalt  }
0x63: {  	_ =	shalt  }
0x64: {  	_ =	shalt  }
0x65: {  	_ =	shalt  }
0x66: {  	_ =	shalt  }
0x67: {  	_ =	shalt  }
0x68: {  	_ =	shalt  }
0x69: {  	_ =	shalt  }
0x6a: {  	_ =	shalt  }
0x6b: {  	_ =	shalt  }
0x6c: {  	_ =	shalt  }
0x6d: {  	_ =	shalt  }
0x6e: {  	_ =	shalt  }
0x6f: {  	_ =	shalt  }
0x70: {  	_ =	shalt  }
0x71: {  	_ =	shalt  }
0x72: {  	_ =	shalt  }
0x73: {  	_ =	shalt  }
0x74: {  	_ =	shalt  }
0x75: {  	_ =	shalt  }
0x76: {  	_ =	shalt  }
0x77: {  	_ =	shalt  }
0x78: {  	_ =	shalt  }
0x79: {  	_ =	shalt  }
0x7a: {  	_ =	shalt  }
0x7b: {  	_ =	shalt  }
0x7c: {  	_ =	shalt  }
0x7d: {  	_ =	shalt  }
0x7e: {  	_ =	shalt  }
0x7f: {  	_ =	shalt  }
0x80: {  	_ =	shalt  }
0x81: {  	_ =	shalt  }
0x82: {  	_ =	shalt  }
0x83: {  	_ =	shalt  }
0x84: {  	_ =	shalt  }
0x85: {  	_ =	shalt  }
0x86: {  	_ =	shalt  }
0x87: {  	_ =	shalt  }
.Lfunc_end0:
.L_simem_size_0:
called_computation_lowered:
.L_overlay_start_0:
0x88: {  	s2 =	sld [smem:$0x3FD9]  }
0x89: {  	s3 =	sld [smem:$0x3FFE];
	_ =	sdelay $0x1  }
0x8a: {  	s1 =	srdreg.scid  }
0x8b: {  	s0 =	sand.u32 $0x1, s1  }
0x8c: {  	s16 =	sshll.u32 s0, $0xA;
	s2 =	sadd.s32 s3, s2  }
0x8d: {  	s2 =	sadd.s32 s2, s16  }
0x8e: {  	[smem:$0x3FB5] =	sst s2  }
0x8f: {  	_ = 	snop  }
0x90: {  	(tm) =	ssettm $0x1  }
0x91: {  	s17 =	sld [smem:$0x3FFB];
	_ =	sdelay $0x3  }
0x92: {  	_ =	strace s17  }
0x93: {  	s2 =	sld [smem:$0x3FFC];
	_ =	sdelay $0x3  }
0x94: {  	_ =	strace s2  }
0x95: {  	s2 =	sld [smem:$0x3FFD];
	_ =	sdelay $0x3  }
0x96: {  	_ =	strace s2  }
0x97: {  	_ =	strace $0x8FFFFFFF  }
0x98: {  	s18 =	sld [smem:$0x3FDB];
	_ =	sdelay $0x1  }
0x99: {  	s19 =	simm.s32 $_scs_section_size  }
0x9a: {  	s4 =	simm.s32 $_size__tile_overlayer_lowered;
	s5 =	simm.s32 $_tile_overlayer_lowered  }
0x9b: {  	s22 =	simm.s32 $0x1BFF;
	s21 =	sshll.u32 s5, $0x1;
	s2 =	sadd.s32 s19, s18  }
0x9c: {  	s6 =	simm.s32 $0x0;
	s20 =	sshll.u32 s4, $0x1;
	s4 =	sadd.s32 s21, s2  }
0x9d: {  	[timem:s6], [sflag:s22] =	dma.local [hbm:s4], s20  }
0x9e: {  	_ =	swait.ge [sflag:s22], s20  }
0x9f: {  	s3 =	ssub.s32 $0x0, s20;
	[sflag:s22] =	ssyncset.done $0x0  }
0xa0: {  	[sflag:s22] =	ssyncadd.s32 s3;
	_ =	sdelay $0x1  }
0xa1: {  	s23 =	simm.s32 $0x1B8B  }
0xa2: {  	_ =	swait.ge [sflag:s23], $0x1  }
0xa3: {  	[sflag:s23] =	ssyncset.done $0x0  }
0xa4: {  	s25 =	simm.s32 $0x1B8E;
	s24 =	sld [smem:$0x3FFE];
	[sflag:s23] =	ssyncadd.s32 $0xFFFFFFFF  }
0xa5: {  	s26 =	simm.s32 $execute0_lowered;
	[smem:$0x3FD2] =	sst s25  }
0xa6: {  	s4 =	sshll.u32 s26, $0x1;
	_ =	strace $0x80000046;
	[dreg:$0x1] =	wrdreg $0xFFFFFFFF  }
0xa7: {  	s28 =	simm.s32 $_size_execute0_lowered;
	s2 =	sadd.s32 s2, s4;
	[dreg:$0x0] =	wrdreg $0x0  }
0xa8: {  	s4 =	sshll.u32 s28, $0x1;
	[dreg:$0x2] =	wrdreg s2  }
0xa9: {  	[dreg:$0x3] =	wrdreg s4  }
0xaa: {  	[dreg:$0x4] =	wrdreg $0xC0  }
0xab: {  	_ =	task [dreg:s6], $0x5FFFF  }
0xac: {  	[dreg:$0x1] =	wrdreg $0xFFFFFFFF  }
0xad: {  	[dreg:$0x0] =	wrdreg $0x60  }
0xae: {  	[dreg:$0x2] =	wrdreg s24  }
0xaf: {  	[dreg:$0x3] =	wrdreg $0x0  }
0xb0: {  	[dreg:$0x4] =	wrdreg $0x9  }
0xb1: {  	_ =	task.clear_ibuf [dreg:s6], $0x5FFFF;
	_ =	strace $0x90000046  }
0xb2: {  	s29 =	simm.s32 $0x9;
	_ =	strace $0x80000048  }
0xb3: {  	_ =	swait.ge [sflag:s29], $0x1  }
0xb4: {  	[sflag:s29] =	ssyncadd.s32 $0xFFFFFFFF  }
0xb5: {  	_ =	strace $0x90000048  }
0xb6: {  	_ =	sfence  }
0xb7: {  	s30 =	sld [smem:$0x0];
	_ =	sdelay $0x2  }
0xb8: {  	s31 =	sshll.u32 s1, $0xD;
	s1 =	sshrl.u32 s1, $0x2  }
0xb9: {  	s3 =	sand.u32 $0x4000, s31;
	s1 =	sadd.s32 s1, s30  }
0xba: {  	s0 =	sor.u32 s3, s0;
	s1 =	sshll.u32 s1, $0x11  }
0xbb: {  	s0 =	sor.u32 s1, s0  }
0xbc: {  	s0 =	sadd.s32 $0x8F2B, s0  }
0xbd: {  	[sflag:s0] =	ssyncadd.remote.s32 $0x1  }
0xbe: {  	_ =	sfence.sel $0xFFFF  }
0xbf: {  	[dreg:$0x0] =	wrdreg $0xFFFFFFFF;
	(pc) =	sbr.abs _section_cstart, $3  }
0xc0: {  	[dreg:$0x1] =	wrdreg $0xFFFFFFFF  }
0xc1: {  	_ =	task.clear_ibuf [dreg:s6], $0x2FFFF;
	_ =	strace $0x9FFFFFFF  }
0xc2: {  	(tm) =	ssettm $0x7FFFFFFF  }
0xc3: {  	_ =	shalt  }
tec
execute0_lowered:
.L_overlay_start_1:
0x0: {  	(tag) =	ssettag $0x1  }
0x1: {  	s4 =	rddreg [dreg:$0x0];
	s0 =	srdreg.scid  }
0x2: {  	s2 =	rddreg [dreg:$0x1];
	s1 =	stileid.u32  }
0x3: {  	s3 =	simm.s32 $0x0;
	s15 =	simm.s32 $0x5080;
	s16 =	simm.s32 $0x1  }
0x4: {  	s17 =	simm.s32 $0x2800;
	s18 =	simm.s32 $0x50;
	s7 =	smul.u32 $0x14000, s1  }
0x5: {  	s19 =	simm.s32 $0x2880;
	s22 =	simm.s32 $0x0;
	s29 =	smul.u32 $0x50000, s1  }
0x6: {  	s5 =	sand.u32 $0x1, s0;
	s0 =	rddreg [dreg:$0x2];
	s13 =	smul.u32 $0x7D0, s1  }
0x7: {  	[smem:$0x7FF] =	sst s3;
	s20 =	sshll.u32 s1, $0x6;
	s6 =	smul.u32 $0x140000, s5  }
0x8: {  	_ =	strace $0x80000047;
	s8 =	smul.u32 $0x7D00, s5;
	s5 =	ssub.s32 $0x2, s5  }
0x9: {  	s20 =	sor.u32 $0x1C01, s20;
	s30 =	sshrl.u32 s5, $0x1;
	s6 =	sadd.s32 s7, s6  }
0xa: {  	s31 =	sshrl.u32 s29, $0x2;
	s12 =	sadd.s32 s8, s4;
	s6 =	sshrl.u32 s6, $0x3  }
0xb: {  	s14 =	sadd.s32 s13, s12;
	s4 =	sadd.s32 s6, s4;
	s6 =	ssub.s32 s5, s30  }
0xc: {  	s5 =	sadd.s32 s31, s2;
	s14 =	sadd.s32 $0x3E00, s14;
	s4 =	sadd.s32 $0x13800, s4  }
0xd: {  	s6 =	smax.u32 s6, $0x1;
	s7 =	sadd.s32 $0x2800, s5;
	s8 =	sadd.s32 $0x5000, s5  }
0xe: {  	s9 =	sadd.s32 $0x7800, s5;
	s10 =	sadd.s32 $0xA000, s5;
	s11 =	sadd.s32 $0xC800, s5  }
0xf: {  	v0 =	vimm.f32 $1.000000000e+00;
	v1 =	vimm.f32 $0.0e+00;
	s12 =	sadd.s32 $0xF000, s5;
	s13 =	sadd.s32 $0x11800, s5;
	s21 =	sshrl.u32 s5, $0x3  }
.LBB2_1:
0x10: {  	s23 =	simm.s32 $0x200;
	s24 =	simm.s32 $0x0  }
.LBB2_2:
0x11: {  	p0 =	sne.s32 s23, $0x9E00;
	[tilespmem:s24+$0x2880] =	vst v0;
	s25 =	smov.u32 s23;
	s23 =	sadd.s32 $0x200, s23  }
.Ltmp0:
0x12: {  	[tilespmem:s24+$0x5080] =	vst v1;
	(pc) =	sbr.rel @p0 .LBB2_2-.Ltmp0, $2  }
0x13: {  	_ =	sdelay $0x2  }
0x14: {  	s24 =	sshra.s32 s25, $0x2  }
0x15: {  	[tilespmem:s24+$0x2880] =	vst v0  }
0x16: {  	[tilespmem:s24+$0x5080] =	vst v1  }
0x17: {  	[spmem:s5] =	stream.linear.scatter [tilespmem:s15], [sflag:$0x1], $0x2800, $0x38;
	[tilespmem:$0x7880] =	vst v63  }
0x18: {  	_ =	swait.ge [sflag:s16], $0x2800  }
0x19: {  	[sflag:s16] =	ssyncset.done $0x0  }
0x1a: {  	[sflag:s16] =	ssyncadd.s32 $0xFFFFD800  }
0x1b: {  	[spmem:s7] =	stream.linear.scatter [tilespmem:s15], [sflag:$0x1], $0x2800, $0x38;
	[tilespmem:$0x7880] =	vst v63  }
0x1c: {  	_ =	swait.ge [sflag:s16], $0x2800  }
0x1d: {  	[sflag:s16] =	ssyncset.done $0x0  }
0x1e: {  	[sflag:s16] =	ssyncadd.s32 $0xFFFFD800  }
0x1f: {  	[spmem:s8] =	stream.linear.scatter [tilespmem:s15], [sflag:$0x1], $0x2800, $0x38;
	[tilespmem:$0x7880] =	vst v63  }
0x20: {  	_ =	swait.ge [sflag:s16], $0x2800  }
0x21: {  	[sflag:s16] =	ssyncset.done $0x0  }
0x22: {  	[sflag:s16] =	ssyncadd.s32 $0xFFFFD800  }
0x23: {  	[spmem:s9] =	stream.linear.scatter [tilespmem:s15], [sflag:$0x1], $0x2800, $0x38;
	[tilespmem:$0x7880] =	vst v63  }
0x24: {  	_ =	swait.ge [sflag:s16], $0x2800  }
0x25: {  	[sflag:s16] =	ssyncset.done $0x0  }
0x26: {  	[sflag:s16] =	ssyncadd.s32 $0xFFFFD800  }
0x27: {  	[spmem:s10] =	stream.linear.scatter [tilespmem:s15], [sflag:$0x1], $0x2800, $0x38;
	[tilespmem:$0x7880] =	vst v63  }
0x28: {  	_ =	swait.ge [sflag:s16], $0x2800  }
0x29: {  	[sflag:s16] =	ssyncset.done $0x0  }
0x2a: {  	[sflag:s16] =	ssyncadd.s32 $0xFFFFD800  }
0x2b: {  	[spmem:s11] =	stream.linear.scatter [tilespmem:s15], [sflag:$0x1], $0x2800, $0x38;
	[tilespmem:$0x7880] =	vst v63  }
0x2c: {  	_ =	swait.ge [sflag:s16], $0x2800  }
0x2d: {  	[sflag:s16] =	ssyncset.done $0x0  }
0x2e: {  	[sflag:s16] =	ssyncadd.s32 $0xFFFFD800  }
0x2f: {  	[spmem:s12] =	stream.linear.scatter [tilespmem:s15], [sflag:$0x1], $0x2800, $0x38;
	[tilespmem:$0x7880] =	vst v63  }
0x30: {  	_ =	swait.ge [sflag:s16], $0x2800  }
0x31: {  	[sflag:s16] =	ssyncset.done $0x0  }
0x32: {  	[sflag:s16] =	ssyncadd.s32 $0xFFFFD800  }
0x33: {  	[spmem:s13] =	stream.linear.scatter [tilespmem:s15], [sflag:$0x1], $0x2800, $0x38;
	[tilespmem:$0x7880] =	vst v63  }
0x34: {  	_ =	swait.ge [sflag:s16], $0x2800  }
0x35: {  	[sflag:s16] =	ssyncset.done $0x0  }
0x36: {  	[sflag:s16] =	ssyncadd.s32 $0xFFFFD800  }
0x37: {  	s23 =	sadd.s32 $0x0, s14;
	[bflag:$0x0] =	sbarrier.arrive $0xFFFF  }
0x38: {  	[tilespmem:s17], [sflag:$0x1] =	stream.linear.gather [hbm4b:s23+s3], $0x80, $0x38;
	[tilespmem:$0x7880] =	vst v63  }
0x39: {  	_ =	swait.ge [sflag:s16], $0x80  }
0x3a: {  	[sflag:s16] =	ssyncset.done $0x0  }
0x3b: {  	[sflag:s16] =	ssyncadd.s32 $0xFFFFFF80  }
0x3c: {  	[spmem:s2] =	stream.indirect.scatter.add.f32 [tilespmem:s19], [sflag:$0x1], $0x10, s17, s18, $0xb8;
	[tilespmem:$0x7880] =	vst v63  }
0x3d: {  	_ =	swait.ge [sflag:s16], $0x500  }
0x3e: {  	s24 =	simm.s32 $0x20;
	s23 =	simm.s32 $0x10;
	[sflag:s16] =	ssyncset.done $0x0  }
.LBB2_4:
0x3f: {  	s25 =	sadd.s32 s23, s14  }
0x40: {  	[sflag:s16] =	ssyncadd.s32 $0xFFFFFB00;
	s23 =	smov.u32 s24;
	s26 =	sadd.s32 $0x10, s24  }
0x41: {  	[tilespmem:s17], [sflag:$0x1] =	stream.linear.gather [hbm4b:s25+s3], $0x80, $0x38;
	[tilespmem:$0x7880] =	vst v63  }
0x42: {  	p0 =	sne.s32 s24, $0x7C0;
	_ =	swait.ge [sflag:s16], $0x80  }
.Ltmp1:
0x43: {  	[sflag:s16] =	ssyncset.done $0x0;
	(pc) =	sbr.rel @p0 .LBB2_4-.Ltmp1, $4  }
0x44: {  	[sflag:s16] =	ssyncadd.s32 $0xFFFFFF80  }
0x45: {  	[spmem:s2] =	stream.indirect.scatter.add.f32 [tilespmem:s19], [sflag:$0x1], $0x10, s17, s18, $0xb8;
	[tilespmem:$0x7880] =	vst v63  }
0x46: {  	_ =	swait.ge [sflag:s16], $0x500  }
0x47: {  	s24 =	smov.u32 s26;
	[sflag:s16] =	ssyncset.done $0x0  }
0x48: {  	s23 =	sadd.s32 s23, s14;
	[sflag:s16] =	ssyncadd.s32 $0xFFFFFB00  }
0x49: {  	[tilespmem:s17], [sflag:$0x1] =	stream.linear.gather [hbm4b:s23+s3], $0x80, $0x38;
	[tilespmem:$0x7880] =	vst v63  }
0x4a: {  	_ =	swait.ge [sflag:s16], $0x80  }
0x4b: {  	[sflag:s16] =	ssyncset.done $0x0  }
0x4c: {  	[sflag:s16] =	ssyncadd.s32 $0xFFFFFF80  }
0x4d: {  	[spmem:s2] =	stream.indirect.scatter.add.f32 [tilespmem:s19], [sflag:$0x1], $0x10, s17, s18, $0xb8;
	[tilespmem:$0x7880] =	vst v63  }
0x4e: {  	_ =	swait.ge [sflag:s16], $0x500  }
0x4f: {  	s22 =	sadd.s32 $0x1, s22;
	[sflag:s16] =	ssyncset.done $0x0  }
0x50: {  	p0 =	sne.s32 s22, s6;
	[sflag:s16] =	ssyncadd.s32 $0xFFFFFB00  }
.Ltmp2:
0x51: {  	[bflag:$0x0] =	sbarrier.arrive $0xFFFF;
	(pc) =	sbr.rel @p0 .LBB2_1-.Ltmp2, $4  }
0x52: {  	[hbm:s4], [sflag:s20] =	dma.local [spmem:s21], $0x2800  }
0x53: {  	_ =	swait.ge [sflag:s16], $0x2800  }
0x54: {  	[sflag:s16] =	ssyncset.done $0x0  }
0x55: {  	[sflag:s16] =	ssyncadd.s32 $0xFFFFD800  }
0x56: {  	_ =	sfence.sel $0x180000  }
0x57: {  	[bflag:$0x0] =	sbarrier.arrive $0xFFFF  }
0x58: {  	p0 =	sne.s32 s1, $0x0;
	_ =	strace $0x90000047  }
0x59: {  	s0 =	sadd.s32 @!p0 $0x100000, s0;
	[bflag:$0x2] =	sbarrier.arrive $0xFFFF  }
0x5a: {  	[sflag:s0] =	ssyncadd.tile.s32 @!p0 $0x1;
	_ =	shalt  }
.Lfunc_end2:
_tile_overlayer_lowered:
.L_overlay_start_2:
0x5b: {  	(tag) =	ssettag $0x2  }
0x5c: {  	s0 =	rddreg [dreg:$0x0];
	s2 =	stileid.u32  }
0x5d: {  	s1 =	rddreg [dreg:$0x1];
	p0 =	sne.s32 s2, $0x0  }
0x5e: {  	s3 =	rddreg [dreg:$0x2];
	[bflag:$0x3] =	sbarrier.arrive $0xFFFF;
	s2 =	simm.s32 @!p0 $0x1C01  }
0x5f: {  	[timem:s3], [sflag:s2] =	dma.local @!p0 [hbm:s0], s1  }
0x60: {  	s0 =	simm.s32 @!p0 $0x1  }
0x61: {  	_ =	swait.ge @!p0 [sflag:s0], s1  }
0x62: {  	s1 =	ssub.s32 @!p0 $0x0, s1;
	[sflag:s0] =	ssyncset.done @!p0 $0x0  }
0x63: {  	[sflag:s0] =	ssyncadd.s32 @!p0 s1  }
0x64: {  	[bflag:$0x3] =	sbarrier.arrive $0xFFFF  }
0x65: {  	_ =	shalt  }

// kernel: kernel.13.cloned.1.call-start
scs
__scs_entry_jumppad:
0x0: {  	(pc) =	sbr.rel $0x88, $3  }
0x1: {  	(tag) =	ssettag $0x0;
	lr =	simm.s32 $0x1  }
0x2: {  	[smem:$0x3F8E] =	sst lr;
	_ =	strace $0xD0000000  }
0x3: {  	_ = 	snop  }
0x4: {  	_ = 	snop  }
0x5: {  	_ = 	snop  }
0x6: {  	_ = 	snop  }
0x7: {  	_ = 	snop  }
__scs_overlays_trampoline_lowered:
0x8: {  	[smem:$0x3F9D] =	sst s0  }
0x9: {  	[smem:$0x3F9E] =	sst s1  }
0xa: {  	[smem:$0x3F9F] =	sst s2  }
0xb: {  	[smem:$0x3FA0] =	sst s3  }
0xc: {  	[smem:$0x3FA1] =	sst s4  }
0xd: {  	[smem:$0x3FA2] =	sst s5  }
0xe: {  	[smem:$0x3FA3] =	sst s6  }
0xf: {  	[smem:$0x3FA4] =	sst s7  }
0x10: {  	[smem:$0x3FA5] =	sst s8  }
0x11: {  	[smem:$0x3FA6] =	sst s9;
	s0 =	simm.s32 @!p0 $0x0  }
0x12: {  	s1 =	sld [smem:$0x3F8C];
	s0 =	simm.s32 @p0 $0x1  }
0x13: {  	[smem:$0x3FA7] =	sst s0;
	s0 =	simm.s32 @!p1 $0x0  }
0x14: {  	s2 =	sld [smem:$0x3F8B];
	s0 =	simm.s32 @p1 $0x1  }
0x15: {  	[smem:$0x3FA8] =	sst s0;
	s0 =	simm.s32 @!p2 $0x0  }
0x16: {  	s3 =	sld [smem:$0x3FDB];
	s0 =	simm.s32 @p2 $0x1  }
0x17: {  	s4 =	simm.s32 $0x1BF5;
	[smem:$0x3FAA] =	sst s0  }
0x18: {  	s0 =	sld [smem:$0x3F8D];
	_ =	swait.ge [sflag:s4], $0x0  }
0x19: {  	s7 =	sld [smem:$0x3F8E]  }
0x1a: {  	s8 =	sadd.s32 $0xFFFFE003, lr  }
0x1b: {  	s9 =	sadd.s32 $0xFFFFFEF7, lr;
	s5 =	simm.s32 $0xFFFFFFFF;
	p2 =	slt.u32 s8, $0xFFFFF086  }
0x1c: {  	p1 =	slt.u32 s9, $0xF7A;
	s5 =	simm.s32 @!p2 $0x0  }
0x1d: {  	s5 =	simm.s32 @p1 $0x1;
	p0 =	seq.s32 s7, s2  }
0x1e: {  	s7 =	smul.u32 @!p0 $0xF7A, s2;
	p2 =	seq.s32 @!p0 s5, $0x0  }
0x1f: {  	s9 =	smul.u32 $0xF7A, s1;
	s8 =	simm.s32 @!p0 $0x1BF5;
	p2 =	por !p2, p0  }
0x20: {  	[sflag:s8] =	ssyncset.s32 @!p0 $0xFFFFF086;
	s6 =	sadd.s32 @!p0 s3, s7;
	s7 =	simm.s32 @!p0 $0x108  }
0x21: {  	s3 =	sadd.s32 s3, s9;
	s6 =	sadd.s32 @!p0 $0x88, s6;
	s7 =	simm.s32 @p2 $0x1082  }
0x22: {  	[simem:s7], [sflag:s8] =	dma.local @!p0 [hbm:s6], $0xF7A  }
0x23: {  	s9 =	sor.u32 $0xD0000000, s2;
	s6 =	simm.s32 $0x108;
	_ =	swait.ge @!p0 [sflag:s8], $0x0  }
0x24: {  	s3 =	sadd.s32 $0x88, s3;
	s6 =	simm.s32 @!p1 $0x1082;
	[sflag:s4] =	ssyncset.s32 $0xFFFFF086  }
0x25: {  	[simem:s6], [sflag:s4] =	dma.local [hbm:s3], $0xF7A  }
0x26: {  	[smem:$0x3F8E] =	sst s1;
	(tag) =	ssettag s2;
	_ =	strace s9  }
0x27: {  	s1 =	sld [smem:$0x3F9E]  }
0x28: {  	s2 =	sld [smem:$0x3F9F]  }
0x29: {  	s4 =	sld [smem:$0x3FA1]  }
0x2a: {  	p0 =	seq.s32 s5, $0x0;
	s5 =	sld [smem:$0x3FA2]  }
0x2b: {  	s6 =	sld [smem:$0x3FA3]  }
0x2c: {  	s7 =	sld [smem:$0x3FA4]  }
0x2d: {  	s3 =	simm.s32 $0x108;
	s8 =	sld [smem:$0x3FA5]  }
0x2e: {  	s3 =	simm.s32 @!p0 $0x1082;
	s9 =	sld [smem:$0x3FA6]  }
0x2f: {  	lr =	sadd.s32 s0, s3;
	s0 =	sld [smem:$0x3F9D]  }
0x30: {  	s3 =	sld [smem:$0x3FA0]  }
0x31: {  	[smem:$0x3FA9] =	sst s10  }
0x32: {  	s10 =	sld [smem:$0x3FA7];
	_ =	sdelay $0x3  }
0x33: {  	p0 =	seq.s32 s10, $0x1;
	s10 =	sld [smem:$0x3FA9];
	_ =	sdelay $0x3  }
0x34: {  	[smem:$0x3FA9] =	sst s10  }
0x35: {  	s10 =	sld [smem:$0x3FA8];
	_ =	sdelay $0x3  }
0x36: {  	p1 =	seq.s32 s10, $0x1;
	s10 =	sld [smem:$0x3FA9];
	_ =	sdelay $0x3  }
0x37: {  	[smem:$0x3FA9] =	sst s10  }
0x38: {  	s10 =	sld [smem:$0x3FAA]  }
0x39: {  	_ = 	snop;
	(pc) =	sbr.ind lr, $3  }
0x3a: {  	_ = 	snop  }
0x3b: {  	_ = 	snop  }
0x3c: {  	p2 =	seq.s32 s10, $0x1;
	s10 =	sld [smem:$0x3FA9]  }
0x3d: {  	_ =	shalt  }
0x3e: {  	_ =	shalt  }
0x3f: {  	_ =	shalt  }
0x40: {  	_ =	shalt  }
0x41: {  	_ =	shalt  }
0x42: {  	_ =	shalt  }
0x43: {  	_ =	shalt  }
0x44: {  	_ =	shalt  }
0x45: {  	_ =	shalt  }
0x46: {  	_ =	shalt  }
0x47: {  	_ =	shalt  }
0x48: {  	_ =	shalt  }
0x49: {  	_ =	shalt  }
0x4a: {  	_ =	shalt  }
0x4b: {  	_ =	shalt  }
0x4c: {  	_ =	shalt  }
0x4d: {  	_ =	shalt  }
0x4e: {  	_ =	shalt  }
0x4f: {  	_ =	shalt  }
0x50: {  	_ =	shalt  }
0x51: {  	_ =	shalt  }
0x52: {  	_ =	shalt  }
0x53: {  	_ =	shalt  }
0x54: {  	_ =	shalt  }
0x55: {  	_ =	shalt  }
0x56: {  	_ =	shalt  }
0x57: {  	_ =	shalt  }
0x58: {  	_ =	shalt  }
0x59: {  	_ =	shalt  }
0x5a: {  	_ =	shalt  }
0x5b: {  	_ =	shalt  }
0x5c: {  	_ =	shalt  }
0x5d: {  	_ =	shalt  }
0x5e: {  	_ =	shalt  }
0x5f: {  	_ =	shalt  }
0x60: {  	_ =	shalt  }
0x61: {  	_ =	shalt  }
0x62: {  	_ =	shalt  }
0x63: {  	_ =	shalt  }
0x64: {  	_ =	shalt  }
0x65: {  	_ =	shalt  }
0x66: {  	_ =	shalt  }
0x67: {  	_ =	shalt  }
0x68: {  	_ =	shalt  }
0x69: {  	_ =	shalt  }
0x6a: {  	_ =	shalt  }
0x6b: {  	_ =	shalt  }
0x6c: {  	_ =	shalt  }
0x6d: {  	_ =	shalt  }
0x6e: {  	_ =	shalt  }
0x6f: {  	_ =	shalt  }
0x70: {  	_ =	shalt  }
0x71: {  	_ =	shalt  }
0x72: {  	_ =	shalt  }
0x73: {  	_ =	shalt  }
0x74: {  	_ =	shalt  }
0x75: {  	_ =	shalt  }
0x76: {  	_ =	shalt  }
0x77: {  	_ =	shalt  }
0x78: {  	_ =	shalt  }
0x79: {  	_ =	shalt  }
0x7a: {  	_ =	shalt  }
0x7b: {  	_ =	shalt  }
0x7c: {  	_ =	shalt  }
0x7d: {  	_ =	shalt  }
0x7e: {  	_ =	shalt  }
0x7f: {  	_ =	shalt  }
0x80: {  	_ =	shalt  }
0x81: {  	_ =	shalt  }
0x82: {  	_ =	shalt  }
0x83: {  	_ =	shalt  }
0x84: {  	_ =	shalt  }
0x85: {  	_ =	shalt  }
0x86: {  	_ =	shalt  }
0x87: {  	_ =	shalt  }
.Lfunc_end0:
.L_simem_size_0:
called_computation.1_lowered:
.L_overlay_start_0:
0x88: {  	s2 =	sld [smem:$0x3FD9]  }
0x89: {  	s3 =	sld [smem:$0x3FFE];
	_ =	sdelay $0x1  }
0x8a: {  	s1 =	srdreg.scid  }
0x8b: {  	s0 =	sand.u32 $0x1, s1  }
0x8c: {  	s16 =	sshll.u32 s0, $0xA;
	s2 =	sadd.s32 s3, s2  }
0x8d: {  	s2 =	sadd.s32 s2, s16  }
0x8e: {  	[smem:$0x3FB5] =	sst s2  }
0x8f: {  	_ = 	snop  }
0x90: {  	(tm) =	ssettm $0x1  }
0x91: {  	s17 =	sld [smem:$0x3FFB];
	_ =	sdelay $0x3  }
0x92: {  	_ =	strace s17  }
0x93: {  	s2 =	sld [smem:$0x3FFC];
	_ =	sdelay $0x3  }
0x94: {  	_ =	strace s2  }
0x95: {  	s2 =	sld [smem:$0x3FFD];
	_ =	sdelay $0x3  }
0x96: {  	_ =	strace s2  }
0x97: {  	_ =	strace $0x8FFFFFFF  }
0x98: {  	s18 =	sld [smem:$0x3FDB];
	_ =	sdelay $0x1  }
0x99: {  	s19 =	simm.s32 $_scs_section_size  }
0x9a: {  	s4 =	simm.s32 $_size__tile_overlayer_lowered;
	s5 =	simm.s32 $_tile_overlayer_lowered  }
0x9b: {  	s22 =	simm.s32 $0x1BFF;
	s21 =	sshll.u32 s5, $0x1;
	s2 =	sadd.s32 s19, s18  }
0x9c: {  	s6 =	simm.s32 $0x0;
	s20 =	sshll.u32 s4, $0x1;
	s4 =	sadd.s32 s21, s2  }
0x9d: {  	[timem:s6], [sflag:s22] =	dma.local [hbm:s4], s20  }
0x9e: {  	_ =	swait.ge [sflag:s22], s20  }
0x9f: {  	s3 =	ssub.s32 $0x0, s20;
	[sflag:s22] =	ssyncset.done $0x0  }
0xa0: {  	[sflag:s22] =	ssyncadd.s32 s3;
	_ =	sdelay $0x1  }
0xa1: {  	s23 =	simm.s32 $0x1B8B  }
0xa2: {  	_ =	swait.ge [sflag:s23], $0x1  }
0xa3: {  	[sflag:s23] =	ssyncset.done $0x0  }
0xa4: {  	s25 =	simm.s32 $0x1B8E;
	s24 =	sld [smem:$0x3FFE];
	[sflag:s23] =	ssyncadd.s32 $0xFFFFFFFF  }
0xa5: {  	s26 =	simm.s32 $execute0_lowered;
	[smem:$0x3FD2] =	sst s25  }
0xa6: {  	s4 =	sshll.u32 s26, $0x1;
	_ =	strace $0x80000049;
	[dreg:$0x1] =	wrdreg $0xFFFFFFFF  }
0xa7: {  	s28 =	simm.s32 $_size_execute0_lowered;
	s2 =	sadd.s32 s2, s4;
	[dreg:$0x0] =	wrdreg $0x0  }
0xa8: {  	s4 =	sshll.u32 s28, $0x1;
	[dreg:$0x2] =	wrdreg s2  }
0xa9: {  	[dreg:$0x3] =	wrdreg s4  }
0xaa: {  	[dreg:$0x4] =	wrdreg $0xC0  }
0xab: {  	_ =	task [dreg:s6], $0x5FFFF  }
0xac: {  	[dreg:$0x1] =	wrdreg $0xFFFFFFFF  }
0xad: {  	[dreg:$0x0] =	wrdreg $0x60  }
0xae: {  	[dreg:$0x2] =	wrdreg s24  }
0xaf: {  	[dreg:$0x3] =	wrdreg $0x0  }
0xb0: {  	[dreg:$0x4] =	wrdreg $0x9  }
0xb1: {  	_ =	task.clear_ibuf [dreg:s6], $0x5FFFF;
	_ =	strace $0x90000049  }
0xb2: {  	s29 =	simm.s32 $0x9;
	_ =	strace $0x8000004B  }
0xb3: {  	_ =	swait.ge [sflag:s29], $0x1  }
0xb4: {  	[sflag:s29] =	ssyncadd.s32 $0xFFFFFFFF  }
0xb5: {  	_ =	strace $0x9000004B  }
0xb6: {  	_ =	sfence  }
0xb7: {  	s30 =	sld [smem:$0x0];
	_ =	sdelay $0x2  }
0xb8: {  	s31 =	sshll.u32 s1, $0xD;
	s1 =	sshrl.u32 s1, $0x2  }
0xb9: {  	s3 =	sand.u32 $0x4000, s31;
	s1 =	sadd.s32 s1, s30  }
0xba: {  	s0 =	sor.u32 s3, s0;
	s1 =	sshll.u32 s1, $0x11  }
0xbb: {  	s0 =	sor.u32 s1, s0  }
0xbc: {  	s0 =	sadd.s32 $0x8F2B, s0  }
0xbd: {  	[sflag:s0] =	ssyncadd.remote.s32 $0x1  }
0xbe: {  	_ =	sfence.sel $0xFFFF  }
0xbf: {  	[dreg:$0x0] =	wrdreg $0xFFFFFFFF;
	(pc) =	sbr.abs _section_cstart, $3  }
0xc0: {  	[dreg:$0x1] =	wrdreg $0xFFFFFFFF  }
0xc1: {  	_ =	task.clear_ibuf [dreg:s6], $0x2FFFF;
	_ =	strace $0x9FFFFFFF  }
0xc2: {  	(tm) =	ssettm $0x7FFFFFFF  }
0xc3: {  	_ =	shalt  }
tec
execute0_lowered:
.L_overlay_start_1:
0x0: {  	(tag) =	ssettag $0x1  }
0x1: {  	s0 =	rddreg [dreg:$0x0];
	s1 =	srdreg.scid  }
0x2: {  	s2 =	rddreg [dreg:$0x1];
	s10 =	stileid.u32  }
0x3: {  	s3 =	simm.s32 $0x0;
	s28 =	simm.s32 $0x18400;
	s6 =	smul.u32 $0x14000, s10  }
0x4: {  	s29 =	simm.s32 $0x1;
	s30 =	simm.s32 $0x14080;
	s8 =	smul.u32 $0xA000, s10  }
0x5: {  	s31 =	simm.s32 $0x3;
	s1 =	sand.u32 $0x1, s1;
	s11 =	smul.u32 $0x50000, s10  }
0x6: {  	[smem:$0x7FF] =	sst s3;
	s9 =	sadd.s32 $0x63800, s0;
	s5 =	smul.u32 $0x140000, s1  }
0x7: {  	s4 =	sadd.s32 $0x8B800, s0;
	s7 =	smul.u32 $0xA0000, s1;
	s1 =	ssub.s32 $0x2, s1  }
0x8: {  	_ =	strace $0x8000004A;
	s13 =	sshrl.u32 s1, $0x1;
	s5 =	sadd.s32 s6, s5  }
0x9: {  	s7 =	sadd.s32 s8, s7;
	s6 =	sshrl.u32 s11, $0x2;
	s1 =	ssub.s32 s1, s13  }
0xa: {  	s8 =	simm.s32 $0x14380;
	s5 =	sshrl.u32 s5, $0x3;
	s12 =	sshrl.u32 s7, $0x3  }
0xb: {  	s6 =	sadd.s32 s6, s2;
	s17 =	smax.u32 s1, $0x1;
	s19 =	sor.u32 $0x700, s7  }
0xc: {  	s23 =	sor.u32 $0x600, s7;
	s24 =	sor.u32 $0x500, s7;
	s7 =	sor.u32 $0x400, s7  }
0xd: {  	s1 =	simm.s32 $0x14180;
	s0 =	sadd.s32 s5, s0;
	s5 =	sadd.s32 s9, s12  }
0xe: {  	[dreg:$0x7] =	wrdreg s17;
	s18 =	sadd.s32 $0x4000, s6;
	s20 =	sadd.s32 $0x8000, s6  }
0xf: {  	s21 =	sadd.s32 $0xC000, s6;
	s22 =	sadd.s32 $0x10000, s6;
	[dreg:$0x8] =	wrdreg s18  }
0x10: {  	s25 =	sshrl.u32 s24, $0x3;
	s26 =	sshrl.u32 s7, $0x3;
	[dreg:$0x9] =	wrdreg s20  }
0x11: {  	s24 =	simm.s32 $0x14200;
	s7 =	simm.s32 $0x4;
	[dreg:$0xa] =	wrdreg s21  }
0x12: {  	s14 =	sadd.s32 $0x20, s5;
	s15 =	sadd.s32 $0x40, s5;
	[dreg:$0xb] =	wrdreg s22  }
0x13: {  	s16 =	sadd.s32 $0x60, s5;
	s0 =	sadd.s32 $0xDB800, s0;
	[dreg:$0x3] =	wrdreg s14  }
0x14: {  	s18 =	sadd.s32 s25, s9;
	s20 =	simm.s32 $0x14400;
	[dreg:$0x4] =	wrdreg s15  }
.Ltmp0:
0x15: {  	s21 =	simm.s32 $0x5;
	[dreg:$0x5] =	wrdreg s16;
	(pc) =	sbr.rel .LBB2_1-.Ltmp0, $4  }
0x16: {  	s22 =	simm.s32 $0x14000;
	s25 =	simm.s32 $0x14300;
	[dreg:$0x6] =	wrdreg s0  }
0x17: {  	s0 =	sshrl.u32 s19, $0x3;
	s19 =	sadd.s32 s26, s9;
	s26 =	simm.s32 $0x80  }
0x18: {  	s16 =	sadd.s32 s0, s9;
	s0 =	sshrl.u32 s23, $0x3;
	s23 =	simm.s32 $0x14100  }
0x19: {  	v0 =	vimm.f32 $0.0e+00;
	s17 =	sadd.s32 s0, s9;
	s0 =	simm.s32 $0x2;
	s9 =	simm.s32 $0x0  }
.LBB2_6:
0x1a: {  	s10 =	stileid.u32  }
0x1b: {  	[bflag:$0x0] =	sbarrier.arrive $0xFFFF;
	s10 =	sshll.u32 s10, $0x6  }
0x1c: {  	s11 =	sshrl.u32 s6, $0x3;
	s12 =	rddreg [dreg:$0x6];
	s10 =	sor.u32 $0x1C05, s10  }
0x1d: {  	[hbm:s12], [sflag:s10] =	dma.local [spmem:s11], $0x2800  }
0x1e: {  	_ =	swait.ge [sflag:s21], $0x2800  }
0x1f: {  	s9 =	sadd.s32 $0x1, s9;
	s15 =	rddreg [dreg:$0x7]  }
0x20: {  	p0 =	sne.s32 s9, s15  }
.Ltmp1:
0x21: {  	_ = 	snop;
	(pc) =	sbr.rel @!p0 .LBB2_7-.Ltmp1, $3  }
0x22: {  	_ =	sdelay $0x1  }
0x23: {  	[sflag:s21] =	ssyncset.done $0x0  }
0x24: {  	[sflag:s21] =	ssyncadd.s32 $0xFFFFD800  }
.LBB2_1:
0x25: {  	s10 =	sand.u32 $0xFE00, s3  }
0x26: {  	s11 =	sand.u32 $0x70, s3;
	s12 =	sshrl.u32 s10, $0x2  }
0x27: {  	s10 =	simm.s32 $0x40;
	s12 =	sor.u32 s11, s12;
	s11 =	simm.s32 $0x0  }
.LBB2_2:
0x28: {  	p0 =	sne.s32 s10, $0xFFC0  }
0x29: {  	[tilespmem:s12+$0x14400] =	vst v0;
	s11 =	sadd.s32 $0x10, s11;
	s12 =	smov.u32 s10;
	s10 =	sadd.s32 $0x40, s10  }
.Ltmp2:
0x2a: {  	(pc) =	sbr.rel @p0 .LBB2_2-.Ltmp2, $4  }
0x2b: {  	_ = 	snop  }
0x2c: {  	s12 =	sand.u32 $0xFE00, s12  }
0x2d: {  	s13 =	sand.u32 $0x70, s11;
	s12 =	sshrl.u32 s12, $0x2  }
0x2e: {  	s12 =	sor.u32 s13, s12  }
0x2f: {  	[tilespmem:s12+$0x14400] =	vst v0  }
0x30: {  	[spmem:s6] =	stream.linear.scatter [tilespmem:s20], [sflag:$0x5], $0x4000, $0x38;
	[tilespmem:$0x1C400] =	vst v63  }
0x31: {  	_ =	swait.ge [sflag:s21], $0x4000  }
0x32: {  	[sflag:s21] =	ssyncset.done $0x0  }
0x33: {  	s10 =	rddreg [dreg:$0x8];
	[sflag:s21] =	ssyncadd.s32 $0xFFFFC000  }
0x34: {  	[spmem:s10] =	stream.linear.scatter [tilespmem:s20], [sflag:$0x5], $0x4000, $0x38;
	[tilespmem:$0x1C400] =	vst v63  }
0x35: {  	_ =	swait.ge [sflag:s21], $0x4000  }
0x36: {  	[sflag:s21] =	ssyncset.done $0x0  }
0x37: {  	s11 =	rddreg [dreg:$0x9];
	[sflag:s21] =	ssyncadd.s32 $0xFFFFC000  }
0x38: {  	[spmem:s11] =	stream.linear.scatter [tilespmem:s20], [sflag:$0x5], $0x4000, $0x38;
	[tilespmem:$0x1C400] =	vst v63  }
0x39: {  	_ =	swait.ge [sflag:s21], $0x4000  }
0x3a: {  	[sflag:s21] =	ssyncset.done $0x0  }
0x3b: {  	s12 =	rddreg [dreg:$0xa];
	[sflag:s21] =	ssyncadd.s32 $0xFFFFC000  }
0x3c: {  	[spmem:s12] =	stream.linear.scatter [tilespmem:s20], [sflag:$0x5], $0x4000, $0x38;
	[tilespmem:$0x1C400] =	vst v63  }
0x3d: {  	_ =	swait.ge [sflag:s21], $0x4000  }
0x3e: {  	[sflag:s21] =	ssyncset.done $0x0  }
0x3f: {  	s13 =	rddreg [dreg:$0xb];
	[sflag:s21] =	ssyncadd.s32 $0xFFFFC000  }
0x40: {  	[spmem:s13] =	stream.linear.scatter [tilespmem:s20], [sflag:$0x5], $0x4000, $0x38;
	[tilespmem:$0x1C400] =	vst v63  }
0x41: {  	_ =	swait.ge [sflag:s21], $0x4000  }
0x42: {  	[sflag:s21] =	ssyncset.done $0x0  }
0x43: {  	[sflag:s21] =	ssyncadd.s32 $0xFFFFC000  }
0x44: {  	s10 =	simm.s32 $0x0;
	[bflag:$0x0] =	sbarrier.arrive $0xFFFF  }
0x45: {  	[tilespmem:s22], [sflag:$0x5] =	stream.linear.gather [hbm4b:s5+s10], $0x100, $0x38;
	[tilespmem:$0x1C400] =	vst v63  }
0x46: {  	_ =	swait.ge [sflag:s21], $0x100  }
0x47: {  	[sflag:s21] =	ssyncset.done $0x0  }
0x48: {  	s11 =	rddreg [dreg:$0x3];
	[sflag:s21] =	ssyncadd.s32 $0xFFFFFF00  }
0x49: {  	[tilespmem:s23], [sflag:$0x5] =	stream.linear.gather [hbm4b:s11+s10], $0x100, $0x38;
	[tilespmem:$0x1C400] =	vst v63  }
0x4a: {  	_ =	swait.ge [sflag:s21], $0x100  }
0x4b: {  	[sflag:s21] =	ssyncset.done $0x0  }
0x4c: {  	s14 =	rddreg [dreg:$0x4];
	[sflag:s21] =	ssyncadd.s32 $0xFFFFFF00  }
0x4d: {  	[tilespmem:s24], [sflag:$0x3] =	stream.linear.gather [hbm4b:s14+s10], $0x100, $0x38;
	[tilespmem:$0x1C400] =	vst v63  }
0x4e: {  	s15 =	rddreg [dreg:$0x5]  }
0x4f: {  	[tilespmem:s25], [sflag:$0x4] =	stream.linear.gather [hbm4b:s15+s10], $0x100, $0x38;
	[tilespmem:$0x1C400] =	vst v63  }
0x50: {  	_ = 	snop  }
0x51: {  	[tilespmem:s20], [sflag:$0x1] =	stream.indirect.gather [hbm4b:s4+s26], $0x80, s22, s26, $0xb8;
	[tilespmem:$0x1C400] =	vst v63  }
0x52: {  	_ = 	snop  }
0x53: {  	[tilespmem:s28], [sflag:$0x2] =	stream.indirect.gather [hbm4b:s4+s26], $0x80, s23, s26, $0xb8;
	[tilespmem:$0x1C400] =	vst v63  }
.LBB2_4:
0x54: {  	_ =	swait.ge [sflag:s29], $0x4000  }
0x55: {  	[sflag:s29] =	ssyncset.done $0x0  }
0x56: {  	[sflag:s29] =	ssyncadd.s32 $0xFFFFC000  }
0x57: {  	[spmem:s2] =	stream.indirect.scatter.add.f32 [tilespmem:s20], [sflag:$0x5], $0x80, s30, s26, $0xb8;
	[tilespmem:$0x1C400] =	vst v63  }
0x58: {  	_ =	swait.ge [sflag:s21], $0x4000  }
0x59: {  	[sflag:s21] =	ssyncset.done $0x0  }
0x5a: {  	[sflag:s21] =	ssyncadd.s32 $0xFFFFC000  }
0x5b: {  	_ =	swait.ge [sflag:s31], $0x100  }
0x5c: {  	[sflag:s31] =	ssyncset.done $0x0  }
0x5d: {  	p0 =	seq.s32 s10, $0x1380;
	[sflag:s31] =	ssyncadd.s32 $0xFFFFFF00  }
0x5e: {  	[tilespmem:s20], [sflag:$0x1] =	stream.indirect.gather [hbm4b:s4+s26], $0x80, s24, s26, $0xb8;
	[tilespmem:$0x1C400] =	vst v63  }
0x5f: {  	s11 =	sadd.s32 @!p0 s10, s19;
	s12 =	simm.s32 @!p0 $0x0;
	s13 =	simm.s32 @!p0 $0x14000  }
0x60: {  	[tilespmem:s13], [sflag:$0x3] =	stream.linear.gather @!p0 [hbm4b:s11+s12], $0x100, $0x38;
	[tilespmem:$0x1C400] =	vst v63  }
0x61: {  	_ =	swait.ge [sflag:s0], $0x4000  }
0x62: {  	[sflag:s0] =	ssyncset.done $0x0  }
0x63: {  	[sflag:s0] =	ssyncadd.s32 $0xFFFFC000  }
0x64: {  	[spmem:s2] =	stream.indirect.scatter.add.f32 [tilespmem:s28], [sflag:$0x5], $0x80, s1, s26, $0xb8;
	[tilespmem:$0x1C400] =	vst v63  }
0x65: {  	_ =	swait.ge [sflag:s21], $0x4000  }
0x66: {  	[sflag:s21] =	ssyncset.done $0x0  }
0x67: {  	[sflag:s21] =	ssyncadd.s32 $0xFFFFC000  }
0x68: {  	_ =	swait.ge [sflag:s7], $0x100  }
0x69: {  	[sflag:s7] =	ssyncset.done $0x0  }
0x6a: {  	s11 =	simm.s32 @p0 $0x1;
	[sflag:s7] =	ssyncadd.s32 $0xFFFFFF00  }
0x6b: {  	[tilespmem:s28], [sflag:$0x2] =	stream.indirect.gather [hbm4b:s4+s26], $0x80, s25, s26, $0xb8;
	[tilespmem:$0x1C400] =	vst v63  }
0x6c: {  	_ =	swait.ge @p0 [sflag:s11], $0x4000  }
0x6d: {  	s14 =	simm.s32 @p0 $0x14280;
	[sflag:s11] =	ssyncset.done @p0 $0x0  }
0x6e: {  	s15 =	simm.s32 @p0 $0x14400;
	[sflag:s11] =	ssyncadd.s32 @p0 $0xFFFFC000;
	s11 =	simm.s32 @p0 $0x80  }
0x6f: {  	[spmem:s2] =	stream.indirect.scatter.add.f32 @p0 [tilespmem:s15], [sflag:$0x5], $0x80, s14, s11, $0xb8;
	[tilespmem:$0x1C400] =	vst v63  }
0x70: {  	s11 =	simm.s32 @p0 $0x5  }
0x71: {  	_ =	swait.ge @p0 [sflag:s11], $0x4000  }
0x72: {  	[sflag:s11] =	ssyncset.done @p0 $0x0  }
0x73: {  	s14 =	simm.s32 @!p0 $0x14100;
	[sflag:s11] =	ssyncadd.s32 @p0 $0xFFFFC000;
	s11 =	sadd.s32 @!p0 s10, s18  }
0x74: {  	[tilespmem:s14], [sflag:$0x4] =	stream.linear.gather @!p0 [hbm4b:s11+s12], $0x100, $0x38;
	[tilespmem:$0x1C400] =	vst v63  }
0x75: {  	s11 =	simm.s32 @!p0 $0x1  }
0x76: {  	_ =	swait.ge @!p0 [sflag:s11], $0x4000  }
0x77: {  	s15 =	simm.s32 @!p0 $0x14400;
	[sflag:s11] =	ssyncset.done @!p0 $0x0  }
0x78: {  	s14 =	simm.s32 @!p0 $0x14280;
	[sflag:s11] =	ssyncadd.s32 @!p0 $0xFFFFC000;
	s11 =	simm.s32 @!p0 $0x80  }
0x79: {  	[spmem:s2] =	stream.indirect.scatter.add.f32 @!p0 [tilespmem:s15], [sflag:$0x5], $0x80, s14, s11, $0xb8;
	[tilespmem:$0x1C400] =	vst v63  }
0x7a: {  	s14 =	simm.s32 @!p0 $0x5  }
0x7b: {  	_ =	swait.ge @!p0 [sflag:s14], $0x4000  }
0x7c: {  	[sflag:s14] =	ssyncset.done @!p0 $0x0  }
0x7d: {  	[sflag:s14] =	ssyncadd.s32 @!p0 $0xFFFFC000;
	s14 =	simm.s32 @!p0 $0x3  }
0x7e: {  	_ =	swait.ge @!p0 [sflag:s14], $0x100  }
0x7f: {  	[sflag:s14] =	ssyncset.done @!p0 $0x0  }
0x80: {  	[sflag:s14] =	ssyncadd.s32 @!p0 $0xFFFFFF00  }
0x81: {  	[tilespmem:s15], [sflag:$0x1] =	stream.indirect.gather @!p0 [hbm4b:s4+s11], $0x80, s13, s11, $0xb8;
	[tilespmem:$0x1C400] =	vst v63  }
0x82: {  	s11 =	sadd.s32 @!p0 s10, s17;
	s13 =	simm.s32 @!p0 $0x14200  }
0x83: {  	[tilespmem:s13], [sflag:$0x3] =	stream.linear.gather @!p0 [hbm4b:s11+s12], $0x100, $0x38;
	[tilespmem:$0x1C400] =	vst v63  }
0x84: {  	_ =	swait.ge [sflag:s0], $0x4000  }
0x85: {  	[sflag:s0] =	ssyncset.done $0x0  }
.Ltmp3:
0x86: {  	[sflag:s0] =	ssyncadd.s32 $0xFFFFC000;
	(pc) =	sbr.rel @p0 .LBB2_6-.Ltmp3, $4  }
0x87: {  	[spmem:s2] =	stream.indirect.scatter.add.f32 [tilespmem:s28], [sflag:$0x5], $0x80, s8, s26, $0xb8;
	[tilespmem:$0x1C400] =	vst v63  }
0x88: {  	_ =	swait.ge [sflag:s21], $0x4000  }
0x89: {  	[sflag:s21] =	ssyncset.done $0x0  }
0x8a: {  	[sflag:s21] =	ssyncadd.s32 $0xFFFFC000  }
0x8b: {  	_ =	swait.ge [sflag:s7], $0x100  }
.Ltmp4:
0x8c: {  	[sflag:s7] =	ssyncset.done $0x0;
	(pc) =	sbr.rel .LBB2_4-.Ltmp4, $4  }
0x8d: {  	[sflag:s7] =	ssyncadd.s32 $0xFFFFFF00  }
0x8e: {  	[tilespmem:s28], [sflag:$0x2] =	stream.indirect.gather [hbm4b:s4+s26], $0x80, s23, s26, $0xb8;
	[tilespmem:$0x1C400] =	vst v63  }
0x8f: {  	s11 =	sadd.s32 s10, s16;
	s10 =	sadd.s32 $0x80, s10  }
0x90: {  	[tilespmem:s25], [sflag:$0x4] =	stream.linear.gather [hbm4b:s11+s3], $0x100, $0x38;
	[tilespmem:$0x1C400] =	vst v63  }
.LBB2_7:
0x91: {  	_ =	sfence.sel $0x180000  }
0x92: {  	[bflag:$0x0] =	sbarrier.arrive $0xFFFF  }
0x93: {  	_ =	strace $0x9000004A  }
0x94: {  	s0 =	stileid.u32;
	[bflag:$0x2] =	sbarrier.arrive $0xFFFF  }
0x95: {  	p0 =	sne.s32 s0, $0x0;
	s0 =	rddreg [dreg:$0x2]  }
0x96: {  	s0 =	sadd.s32 @!p0 $0x100000, s0  }
0x97: {  	[sflag:s0] =	ssyncadd.tile.s32 @!p0 $0x1;
	_ =	shalt  }
.Lfunc_end2:
_tile_overlayer_lowered:
.L_overlay_start_2:
0x98: {  	(tag) =	ssettag $0x2  }
0x99: {  	s0 =	rddreg [dreg:$0x0];
	s2 =	stileid.u32  }
0x9a: {  	s1 =	rddreg [dreg:$0x1];
	p0 =	sne.s32 s2, $0x0  }
0x9b: {  	s3 =	rddreg [dreg:$0x2];
	[bflag:$0x3] =	sbarrier.arrive $0xFFFF;
	s2 =	simm.s32 @!p0 $0x1C05  }
0x9c: {  	[timem:s3], [sflag:s2] =	dma.local @!p0 [hbm:s0], s1  }
0x9d: {  	s0 =	simm.s32 @!p0 $0x5  }
0x9e: {  	_ =	swait.ge @!p0 [sflag:s0], s1  }
0x9f: {  	s1 =	ssub.s32 @!p0 $0x0, s1;
	[sflag:s0] =	ssyncset.done @!p0 $0x0  }
0xa0: {  	[sflag:s0] =	ssyncadd.s32 @!p0 s1  }
0xa1: {  	[bflag:$0x3] =	sbarrier.arrive $0xFFFF  }
0xa2: {  	_ =	shalt  }

// kernel: kernel.16.cloned.1.call-start
scs
__scs_entry_jumppad:
0x0: {  	(pc) =	sbr.rel $0x88, $3  }
0x1: {  	(tag) =	ssettag $0x0;
	lr =	simm.s32 $0x1  }
0x2: {  	[smem:$0x3F8E] =	sst lr;
	_ =	strace $0xD0000000  }
0x3: {  	_ = 	snop  }
0x4: {  	_ = 	snop  }
0x5: {  	_ = 	snop  }
0x6: {  	_ = 	snop  }
0x7: {  	_ = 	snop  }
__scs_overlays_trampoline_lowered:
0x8: {  	[smem:$0x3F9D] =	sst s0  }
0x9: {  	[smem:$0x3F9E] =	sst s1  }
0xa: {  	[smem:$0x3F9F] =	sst s2  }
0xb: {  	[smem:$0x3FA0] =	sst s3  }
0xc: {  	[smem:$0x3FA1] =	sst s4  }
0xd: {  	[smem:$0x3FA2] =	sst s5  }
0xe: {  	[smem:$0x3FA3] =	sst s6  }
0xf: {  	[smem:$0x3FA4] =	sst s7  }
0x10: {  	[smem:$0x3FA5] =	sst s8  }
0x11: {  	[smem:$0x3FA6] =	sst s9;
	s0 =	simm.s32 @!p0 $0x0  }
0x12: {  	s1 =	sld [smem:$0x3F8C];
	s0 =	simm.s32 @p0 $0x1  }
0x13: {  	[smem:$0x3FA7] =	sst s0;
	s0 =	simm.s32 @!p1 $0x0  }
0x14: {  	s2 =	sld [smem:$0x3F8B];
	s0 =	simm.s32 @p1 $0x1  }
0x15: {  	[smem:$0x3FA8] =	sst s0;
	s0 =	simm.s32 @!p2 $0x0  }
0x16: {  	s3 =	sld [smem:$0x3FDB];
	s0 =	simm.s32 @p2 $0x1  }
0x17: {  	s4 =	simm.s32 $0x1BF5;
	[smem:$0x3FAA] =	sst s0  }
0x18: {  	s0 =	sld [smem:$0x3F8D];
	_ =	swait.ge [sflag:s4], $0x0  }
0x19: {  	s7 =	sld [smem:$0x3F8E]  }
0x1a: {  	s8 =	sadd.s32 $0xFFFFE003, lr  }
0x1b: {  	s9 =	sadd.s32 $0xFFFFFEF7, lr;
	s5 =	simm.s32 $0xFFFFFFFF;
	p2 =	slt.u32 s8, $0xFFFFF086  }
0x1c: {  	p1 =	slt.u32 s9, $0xF7A;
	s5 =	simm.s32 @!p2 $0x0  }
0x1d: {  	s5 =	simm.s32 @p1 $0x1;
	p0 =	seq.s32 s7, s2  }
0x1e: {  	s7 =	smul.u32 @!p0 $0xF7A, s2;
	p2 =	seq.s32 @!p0 s5, $0x0  }
0x1f: {  	s9 =	smul.u32 $0xF7A, s1;
	s8 =	simm.s32 @!p0 $0x1BF5;
	p2 =	por !p2, p0  }
0x20: {  	[sflag:s8] =	ssyncset.s32 @!p0 $0xFFFFF086;
	s6 =	sadd.s32 @!p0 s3, s7;
	s7 =	simm.s32 @!p0 $0x108  }
0x21: {  	s3 =	sadd.s32 s3, s9;
	s6 =	sadd.s32 @!p0 $0x88, s6;
	s7 =	simm.s32 @p2 $0x1082  }
0x22: {  	[simem:s7], [sflag:s8] =	dma.local @!p0 [hbm:s6], $0xF7A  }
0x23: {  	s9 =	sor.u32 $0xD0000000, s2;
	s6 =	simm.s32 $0x108;
	_ =	swait.ge @!p0 [sflag:s8], $0x0  }
0x24: {  	s3 =	sadd.s32 $0x88, s3;
	s6 =	simm.s32 @!p1 $0x1082;
	[sflag:s4] =	ssyncset.s32 $0xFFFFF086  }
0x25: {  	[simem:s6], [sflag:s4] =	dma.local [hbm:s3], $0xF7A  }
0x26: {  	[smem:$0x3F8E] =	sst s1;
	(tag) =	ssettag s2;
	_ =	strace s9  }
0x27: {  	s1 =	sld [smem:$0x3F9E]  }
0x28: {  	s2 =	sld [smem:$0x3F9F]  }
0x29: {  	s4 =	sld [smem:$0x3FA1]  }
0x2a: {  	p0 =	seq.s32 s5, $0x0;
	s5 =	sld [smem:$0x3FA2]  }
0x2b: {  	s6 =	sld [smem:$0x3FA3]  }
0x2c: {  	s7 =	sld [smem:$0x3FA4]  }
0x2d: {  	s3 =	simm.s32 $0x108;
	s8 =	sld [smem:$0x3FA5]  }
0x2e: {  	s3 =	simm.s32 @!p0 $0x1082;
	s9 =	sld [smem:$0x3FA6]  }
0x2f: {  	lr =	sadd.s32 s0, s3;
	s0 =	sld [smem:$0x3F9D]  }
0x30: {  	s3 =	sld [smem:$0x3FA0]  }
0x31: {  	[smem:$0x3FA9] =	sst s10  }
0x32: {  	s10 =	sld [smem:$0x3FA7];
	_ =	sdelay $0x3  }
0x33: {  	p0 =	seq.s32 s10, $0x1;
	s10 =	sld [smem:$0x3FA9];
	_ =	sdelay $0x3  }
0x34: {  	[smem:$0x3FA9] =	sst s10  }
0x35: {  	s10 =	sld [smem:$0x3FA8];
	_ =	sdelay $0x3  }
0x36: {  	p1 =	seq.s32 s10, $0x1;
	s10 =	sld [smem:$0x3FA9];
	_ =	sdelay $0x3  }
0x37: {  	[smem:$0x3FA9] =	sst s10  }
0x38: {  	s10 =	sld [smem:$0x3FAA]  }
0x39: {  	_ = 	snop;
	(pc) =	sbr.ind lr, $3  }
0x3a: {  	_ = 	snop  }
0x3b: {  	_ = 	snop  }
0x3c: {  	p2 =	seq.s32 s10, $0x1;
	s10 =	sld [smem:$0x3FA9]  }
0x3d: {  	_ =	shalt  }
0x3e: {  	_ =	shalt  }
0x3f: {  	_ =	shalt  }
0x40: {  	_ =	shalt  }
0x41: {  	_ =	shalt  }
0x42: {  	_ =	shalt  }
0x43: {  	_ =	shalt  }
0x44: {  	_ =	shalt  }
0x45: {  	_ =	shalt  }
0x46: {  	_ =	shalt  }
0x47: {  	_ =	shalt  }
0x48: {  	_ =	shalt  }
0x49: {  	_ =	shalt  }
0x4a: {  	_ =	shalt  }
0x4b: {  	_ =	shalt  }
0x4c: {  	_ =	shalt  }
0x4d: {  	_ =	shalt  }
0x4e: {  	_ =	shalt  }
0x4f: {  	_ =	shalt  }
0x50: {  	_ =	shalt  }
0x51: {  	_ =	shalt  }
0x52: {  	_ =	shalt  }
0x53: {  	_ =	shalt  }
0x54: {  	_ =	shalt  }
0x55: {  	_ =	shalt  }
0x56: {  	_ =	shalt  }
0x57: {  	_ =	shalt  }
0x58: {  	_ =	shalt  }
0x59: {  	_ =	shalt  }
0x5a: {  	_ =	shalt  }
0x5b: {  	_ =	shalt  }
0x5c: {  	_ =	shalt  }
0x5d: {  	_ =	shalt  }
0x5e: {  	_ =	shalt  }
0x5f: {  	_ =	shalt  }
0x60: {  	_ =	shalt  }
0x61: {  	_ =	shalt  }
0x62: {  	_ =	shalt  }
0x63: {  	_ =	shalt  }
0x64: {  	_ =	shalt  }
0x65: {  	_ =	shalt  }
0x66: {  	_ =	shalt  }
0x67: {  	_ =	shalt  }
0x68: {  	_ =	shalt  }
0x69: {  	_ =	shalt  }
0x6a: {  	_ =	shalt  }
0x6b: {  	_ =	shalt  }
0x6c: {  	_ =	shalt  }
0x6d: {  	_ =	shalt  }
0x6e: {  	_ =	shalt  }
0x6f: {  	_ =	shalt  }
0x70: {  	_ =	shalt  }
0x71: {  	_ =	shalt  }
0x72: {  	_ =	shalt  }
0x73: {  	_ =	shalt  }
0x74: {  	_ =	shalt  }
0x75: {  	_ =	shalt  }
0x76: {  	_ =	shalt  }
0x77: {  	_ =	shalt  }
0x78: {  	_ =	shalt  }
0x79: {  	_ =	shalt  }
0x7a: {  	_ =	shalt  }
0x7b: {  	_ =	shalt  }
0x7c: {  	_ =	shalt  }
0x7d: {  	_ =	shalt  }
0x7e: {  	_ =	shalt  }
0x7f: {  	_ =	shalt  }
0x80: {  	_ =	shalt  }
0x81: {  	_ =	shalt  }
0x82: {  	_ =	shalt  }
0x83: {  	_ =	shalt  }
0x84: {  	_ =	shalt  }
0x85: {  	_ =	shalt  }
0x86: {  	_ =	shalt  }
0x87: {  	_ =	shalt  }
.Lfunc_end0:
.L_simem_size_0:
called_computation.2_lowered:
.L_overlay_start_0:
0x88: {  	s2 =	sld [smem:$0x3FD9]  }
0x89: {  	s3 =	sld [smem:$0x3FFE];
	_ =	sdelay $0x1  }
0x8a: {  	s1 =	srdreg.scid  }
0x8b: {  	s0 =	sand.u32 $0x1, s1  }
0x8c: {  	s16 =	sshll.u32 s0, $0xA;
	s2 =	sadd.s32 s3, s2  }
0x8d: {  	s2 =	sadd.s32 s2, s16  }
0x8e: {  	[smem:$0x3FB5] =	sst s2  }
0x8f: {  	_ = 	snop  }
0x90: {  	(tm) =	ssettm $0x1  }
0x91: {  	s17 =	sld [smem:$0x3FFB];
	_ =	sdelay $0x3  }
0x92: {  	_ =	strace s17  }
0x93: {  	s2 =	sld [smem:$0x3FFC];
	_ =	sdelay $0x3  }
0x94: {  	_ =	strace s2  }
0x95: {  	s2 =	sld [smem:$0x3FFD];
	_ =	sdelay $0x3  }
0x96: {  	_ =	strace s2  }
0x97: {  	_ =	strace $0x8FFFFFFF  }
0x98: {  	s18 =	sld [smem:$0x3FDB];
	_ =	sdelay $0x1  }
0x99: {  	s19 =	simm.s32 $_scs_section_size  }
0x9a: {  	s4 =	simm.s32 $_size__tile_overlayer_lowered;
	s5 =	simm.s32 $_tile_overlayer_lowered  }
0x9b: {  	s22 =	simm.s32 $0x1BFF;
	s21 =	sshll.u32 s5, $0x1;
	s2 =	sadd.s32 s19, s18  }
0x9c: {  	s6 =	simm.s32 $0x0;
	s20 =	sshll.u32 s4, $0x1;
	s4 =	sadd.s32 s21, s2  }
0x9d: {  	[timem:s6], [sflag:s22] =	dma.local [hbm:s4], s20  }
0x9e: {  	_ =	swait.ge [sflag:s22], s20  }
0x9f: {  	s3 =	ssub.s32 $0x0, s20;
	[sflag:s22] =	ssyncset.done $0x0  }
0xa0: {  	[sflag:s22] =	ssyncadd.s32 s3;
	_ =	sdelay $0x1  }
0xa1: {  	s23 =	simm.s32 $0x1B8B  }
0xa2: {  	_ =	swait.ge [sflag:s23], $0x1  }
0xa3: {  	[sflag:s23] =	ssyncset.done $0x0  }
0xa4: {  	s25 =	simm.s32 $0x1B8E;
	s24 =	sld [smem:$0x3FFE];
	[sflag:s23] =	ssyncadd.s32 $0xFFFFFFFF  }
0xa5: {  	s26 =	simm.s32 $execute0_lowered;
	[smem:$0x3FD2] =	sst s25  }
0xa6: {  	s4 =	sshll.u32 s26, $0x1;
	_ =	strace $0x8000004C;
	[dreg:$0x1] =	wrdreg $0xFFFFFFFF  }
0xa7: {  	s28 =	simm.s32 $_size_execute0_lowered;
	s2 =	sadd.s32 s2, s4;
	[dreg:$0x0] =	wrdreg $0x0  }
0xa8: {  	s4 =	sshll.u32 s28, $0x1;
	[dreg:$0x2] =	wrdreg s2  }
0xa9: {  	[dreg:$0x3] =	wrdreg s4  }
0xaa: {  	[dreg:$0x4] =	wrdreg $0xC0  }
0xab: {  	_ =	task [dreg:s6], $0x5FFFF  }
0xac: {  	[dreg:$0x1] =	wrdreg $0xFFFFFFFF  }
0xad: {  	[dreg:$0x0] =	wrdreg $0x60  }
0xae: {  	[dreg:$0x2] =	wrdreg s24  }
0xaf: {  	[dreg:$0x3] =	wrdreg $0x0  }
0xb0: {  	[dreg:$0x4] =	wrdreg $0x9  }
0xb1: {  	_ =	task.clear_ibuf [dreg:s6], $0x5FFFF;
	_ =	strace $0x9000004C  }
0xb2: {  	s29 =	simm.s32 $0x9;
	_ =	strace $0x8000004E  }
0xb3: {  	_ =	swait.ge [sflag:s29], $0x1  }
0xb4: {  	[sflag:s29] =	ssyncadd.s32 $0xFFFFFFFF  }
0xb5: {  	_ =	strace $0x9000004E  }
0xb6: {  	_ =	sfence  }
0xb7: {  	s30 =	sld [smem:$0x0];
	_ =	sdelay $0x2  }
0xb8: {  	s31 =	sshll.u32 s1, $0xD;
	s1 =	sshrl.u32 s1, $0x2  }
0xb9: {  	s3 =	sand.u32 $0x4000, s31;
	s1 =	sadd.s32 s1, s30  }
0xba: {  	s0 =	sor.u32 s3, s0;
	s1 =	sshll.u32 s1, $0x11  }
0xbb: {  	s0 =	sor.u32 s1, s0  }
0xbc: {  	s0 =	sadd.s32 $0x8F2B, s0  }
0xbd: {  	[sflag:s0] =	ssyncadd.remote.s32 $0x1  }
0xbe: {  	_ =	sfence.sel $0xFFFF  }
0xbf: {  	[dreg:$0x0] =	wrdreg $0xFFFFFFFF;
	(pc) =	sbr.abs _section_cstart, $3  }
0xc0: {  	[dreg:$0x1] =	wrdreg $0xFFFFFFFF  }
0xc1: {  	_ =	task.clear_ibuf [dreg:s6], $0x2FFFF;
	_ =	strace $0x9FFFFFFF  }
0xc2: {  	(tm) =	ssettm $0x7FFFFFFF  }
0xc3: {  	_ =	shalt  }
tec
execute0_lowered:
.L_overlay_start_1:
0x0: {  	(tag) =	ssettag $0x1  }
0x1: {  	s0 =	rddreg [dreg:$0x0];
	s1 =	srdreg.scid  }
0x2: {  	s2 =	rddreg [dreg:$0x1];
	s10 =	stileid.u32  }
0x3: {  	s3 =	simm.s32 $0x0;
	s28 =	simm.s32 $0x18400;
	s6 =	smul.u32 $0x14000, s10  }
0x4: {  	s29 =	simm.s32 $0x1;
	s30 =	simm.s32 $0x14080;
	s8 =	smul.u32 $0xA000, s10  }
0x5: {  	s31 =	simm.s32 $0x3;
	s1 =	sand.u32 $0x1, s1;
	s11 =	smul.u32 $0x50000, s10  }
0x6: {  	[smem:$0x7FF] =	sst s3;
	s9 =	sadd.s32 $0x63800, s0;
	s5 =	smul.u32 $0x140000, s1  }
0x7: {  	s4 =	sadd.s32 $0x8B800, s0;
	s7 =	smul.u32 $0xA0000, s1;
	s1 =	ssub.s32 $0x2, s1  }
0x8: {  	_ =	strace $0x8000004D;
	s13 =	sshrl.u32 s1, $0x1;
	s5 =	sadd.s32 s6, s5  }
0x9: {  	s7 =	sadd.s32 s8, s7;
	s6 =	sshrl.u32 s11, $0x2;
	s1 =	ssub.s32 s1, s13  }
0xa: {  	s8 =	simm.s32 $0x14380;
	s5 =	sshrl.u32 s5, $0x3;
	s12 =	sshrl.u32 s7, $0x3  }
0xb: {  	s6 =	sadd.s32 s6, s2;
	s17 =	smax.u32 s1, $0x1;
	s19 =	sor.u32 $0x700, s7  }
0xc: {  	s23 =	sor.u32 $0x600, s7;
	s24 =	sor.u32 $0x500, s7;
	s7 =	sor.u32 $0x400, s7  }
0xd: {  	s1 =	simm.s32 $0x14180;
	s0 =	sadd.s32 s5, s0;
	s5 =	sadd.s32 s9, s12  }
0xe: {  	[dreg:$0x7] =	wrdreg s17;
	s18 =	sadd.s32 $0x4000, s6;
	s20 =	sadd.s32 $0x8000, s6  }
0xf: {  	s21 =	sadd.s32 $0xC000, s6;
	s22 =	sadd.s32 $0x10000, s6;
	[dreg:$0x8] =	wrdreg s18  }
0x10: {  	s25 =	sshrl.u32 s24, $0x3;
	s26 =	sshrl.u32 s7, $0x3;
	[dreg:$0x9] =	wrdreg s20  }
0x11: {  	s24 =	simm.s32 $0x14200;
	s7 =	simm.s32 $0x4;
	[dreg:$0xa] =	wrdreg s21  }
0x12: {  	s14 =	sadd.s32 $0x20, s5;
	s15 =	sadd.s32 $0x40, s5;
	[dreg:$0xb] =	wrdreg s22  }
0x13: {  	s16 =	sadd.s32 $0x60, s5;
	s0 =	sadd.s32 $0xDB800, s0;
	[dreg:$0x3] =	wrdreg s14  }
0x14: {  	s18 =	sadd.s32 s25, s9;
	s20 =	simm.s32 $0x14400;
	[dreg:$0x4] =	wrdreg s15  }
.Ltmp0:
0x15: {  	s21 =	simm.s32 $0x5;
	[dreg:$0x5] =	wrdreg s16;
	(pc) =	sbr.rel .LBB2_1-.Ltmp0, $4  }
0x16: {  	s22 =	simm.s32 $0x14000;
	s25 =	simm.s32 $0x14300;
	[dreg:$0x6] =	wrdreg s0  }
0x17: {  	s0 =	sshrl.u32 s19, $0x3;
	s19 =	sadd.s32 s26, s9;
	s26 =	simm.s32 $0x80  }
0x18: {  	s16 =	sadd.s32 s0, s9;
	s0 =	sshrl.u32 s23, $0x3;
	s23 =	simm.s32 $0x14100  }
0x19: {  	v0 =	vimm.f32 $0.0e+00;
	s17 =	sadd.s32 s0, s9;
	s0 =	simm.s32 $0x2;
	s9 =	simm.s32 $0x0  }
.LBB2_6:
0x1a: {  	s10 =	stileid.u32  }
0x1b: {  	[bflag:$0x0] =	sbarrier.arrive $0xFFFF;
	s10 =	sshll.u32 s10, $0x6  }
0x1c: {  	s11 =	sshrl.u32 s6, $0x3;
	s12 =	rddreg [dreg:$0x6];
	s10 =	sor.u32 $0x1C05, s10  }
0x1d: {  	[hbm:s12], [sflag:s10] =	dma.local [spmem:s11], $0x2800  }
0x1e: {  	_ =	swait.ge [sflag:s21], $0x2800  }
0x1f: {  	s9 =	sadd.s32 $0x1, s9;
	s15 =	rddreg [dreg:$0x7]  }
0x20: {  	p0 =	sne.s32 s9, s15  }
.Ltmp1:
0x21: {  	_ = 	snop;
	(pc) =	sbr.rel @!p0 .LBB2_7-.Ltmp1, $3  }
0x22: {  	_ =	sdelay $0x1  }
0x23: {  	[sflag:s21] =	ssyncset.done $0x0  }
0x24: {  	[sflag:s21] =	ssyncadd.s32 $0xFFFFD800  }
.LBB2_1:
0x25: {  	s10 =	sand.u32 $0xFE00, s3  }
0x26: {  	s11 =	sand.u32 $0x70, s3;
	s12 =	sshrl.u32 s10, $0x2  }
0x27: {  	s10 =	simm.s32 $0x40;
	s12 =	sor.u32 s11, s12;
	s11 =	simm.s32 $0x0  }
.LBB2_2:
0x28: {  	p0 =	sne.s32 s10, $0xFFC0  }
0x29: {  	[tilespmem:s12+$0x14400] =	vst v0;
	s11 =	sadd.s32 $0x10, s11;
	s12 =	smov.u32 s10;
	s10 =	sadd.s32 $0x40, s10  }
.Ltmp2:
0x2a: {  	(pc) =	sbr.rel @p0 .LBB2_2-.Ltmp2, $4  }
0x2b: {  	_ = 	snop  }
0x2c: {  	s12 =	sand.u32 $0xFE00, s12  }
0x2d: {  	s13 =	sand.u32 $0x70, s11;
	s12 =	sshrl.u32 s12, $0x2  }
0x2e: {  	s12 =	sor.u32 s13, s12  }
0x2f: {  	[tilespmem:s12+$0x14400] =	vst v0  }
0x30: {  	[spmem:s6] =	stream.linear.scatter [tilespmem:s20], [sflag:$0x5], $0x4000, $0x38;
	[tilespmem:$0x1C400] =	vst v63  }
0x31: {  	_ =	swait.ge [sflag:s21], $0x4000  }
0x32: {  	[sflag:s21] =	ssyncset.done $0x0  }
0x33: {  	s10 =	rddreg [dreg:$0x8];
	[sflag:s21] =	ssyncadd.s32 $0xFFFFC000  }
0x34: {  	[spmem:s10] =	stream.linear.scatter [tilespmem:s20], [sflag:$0x5], $0x4000, $0x38;
	[tilespmem:$0x1C400] =	vst v63  }
0x35: {  	_ =	swait.ge [sflag:s21], $0x4000  }
0x36: {  	[sflag:s21] =	ssyncset.done $0x0  }
0x37: {  	s11 =	rddreg [dreg:$0x9];
	[sflag:s21] =	ssyncadd.s32 $0xFFFFC000  }
0x38: {  	[spmem:s11] =	stream.linear.scatter [tilespmem:s20], [sflag:$0x5], $0x4000, $0x38;
	[tilespmem:$0x1C400] =	vst v63  }
0x39: {  	_ =	swait.ge [sflag:s21], $0x4000  }
0x3a: {  	[sflag:s21] =	ssyncset.done $0x0  }
0x3b: {  	s12 =	rddreg [dreg:$0xa];
	[sflag:s21] =	ssyncadd.s32 $0xFFFFC000  }
0x3c: {  	[spmem:s12] =	stream.linear.scatter [tilespmem:s20], [sflag:$0x5], $0x4000, $0x38;
	[tilespmem:$0x1C400] =	vst v63  }
0x3d: {  	_ =	swait.ge [sflag:s21], $0x4000  }
0x3e: {  	[sflag:s21] =	ssyncset.done $0x0  }
0x3f: {  	s13 =	rddreg [dreg:$0xb];
	[sflag:s21] =	ssyncadd.s32 $0xFFFFC000  }
0x40: {  	[spmem:s13] =	stream.linear.scatter [tilespmem:s20], [sflag:$0x5], $0x4000, $0x38;
	[tilespmem:$0x1C400] =	vst v63  }
0x41: {  	_ =	swait.ge [sflag:s21], $0x4000  }
0x42: {  	[sflag:s21] =	ssyncset.done $0x0  }
0x43: {  	[sflag:s21] =	ssyncadd.s32 $0xFFFFC000  }
0x44: {  	s10 =	simm.s32 $0x0;
	[bflag:$0x0] =	sbarrier.arrive $0xFFFF  }
0x45: {  	[tilespmem:s22], [sflag:$0x5] =	stream.linear.gather [hbm4b:s5+s10], $0x100, $0x38;
	[tilespmem:$0x1C400] =	vst v63  }
0x46: {  	_ =	swait.ge [sflag:s21], $0x100  }
0x47: {  	[sflag:s21] =	ssyncset.done $0x0  }
0x48: {  	s11 =	rddreg [dreg:$0x3];
	[sflag:s21] =	ssyncadd.s32 $0xFFFFFF00  }
0x49: {  	[tilespmem:s23], [sflag:$0x5] =	stream.linear.gather [hbm4b:s11+s10], $0x100, $0x38;
	[tilespmem:$0x1C400] =	vst v63  }
0x4a: {  	_ =	swait.ge [sflag:s21], $0x100  }
0x4b: {  	[sflag:s21] =	ssyncset.done $0x0  }
0x4c: {  	s14 =	rddreg [dreg:$0x4];
	[sflag:s21] =	ssyncadd.s32 $0xFFFFFF00  }
0x4d: {  	[tilespmem:s24], [sflag:$0x3] =	stream.linear.gather [hbm4b:s14+s10], $0x100, $0x38;
	[tilespmem:$0x1C400] =	vst v63  }
0x4e: {  	s15 =	rddreg [dreg:$0x5]  }
0x4f: {  	[tilespmem:s25], [sflag:$0x4] =	stream.linear.gather [hbm4b:s15+s10], $0x100, $0x38;
	[tilespmem:$0x1C400] =	vst v63  }
0x50: {  	_ = 	snop  }
0x51: {  	[tilespmem:s20], [sflag:$0x1] =	stream.indirect.gather [hbm4b:s4+s26], $0x80, s22, s26, $0xb8;
	[tilespmem:$0x1C400] =	vst v63  }
0x52: {  	_ = 	snop  }
0x53: {  	[tilespmem:s28], [sflag:$0x2] =	stream.indirect.gather [hbm4b:s4+s26], $0x80, s23, s26, $0xb8;
	[tilespmem:$0x1C400] =	vst v63  }
.LBB2_4:
0x54: {  	_ =	swait.ge [sflag:s29], $0x4000  }
0x55: {  	[sflag:s29] =	ssyncset.done $0x0  }
0x56: {  	[sflag:s29] =	ssyncadd.s32 $0xFFFFC000  }
0x57: {  	[spmem:s2] =	stream.indirect.scatter.add.f32 [tilespmem:s20], [sflag:$0x5], $0x80, s30, s26, $0xb8;
	[tilespmem:$0x1C400] =	vst v63  }
0x58: {  	_ =	swait.ge [sflag:s21], $0x4000  }
0x59: {  	[sflag:s21] =	ssyncset.done $0x0  }
0x5a: {  	[sflag:s21] =	ssyncadd.s32 $0xFFFFC000  }
0x5b: {  	_ =	swait.ge [sflag:s31], $0x100  }
0x5c: {  	[sflag:s31] =	ssyncset.done $0x0  }
0x5d: {  	p0 =	seq.s32 s10, $0x1380;
	[sflag:s31] =	ssyncadd.s32 $0xFFFFFF00  }
0x5e: {  	[tilespmem:s20], [sflag:$0x1] =	stream.indirect.gather [hbm4b:s4+s26], $0x80, s24, s26, $0xb8;
	[tilespmem:$0x1C400] =	vst v63  }
0x5f: {  	s11 =	sadd.s32 @!p0 s10, s19;
	s12 =	simm.s32 @!p0 $0x0;
	s13 =	simm.s32 @!p0 $0x14000  }
0x60: {  	[tilespmem:s13], [sflag:$0x3] =	stream.linear.gather @!p0 [hbm4b:s11+s12], $0x100, $0x38;
	[tilespmem:$0x1C400] =	vst v63  }
0x61: {  	_ =	swait.ge [sflag:s0], $0x4000  }
0x62: {  	[sflag:s0] =	ssyncset.done $0x0  }
0x63: {  	[sflag:s0] =	ssyncadd.s32 $0xFFFFC000  }
0x64: {  	[spmem:s2] =	stream.indirect.scatter.add.f32 [tilespmem:s28], [sflag:$0x5], $0x80, s1, s26, $0xb8;
	[tilespmem:$0x1C400] =	vst v63  }
0x65: {  	_ =	swait.ge [sflag:s21], $0x4000  }
0x66: {  	[sflag:s21] =	ssyncset.done $0x0  }
0x67: {  	[sflag:s21] =	ssyncadd.s32 $0xFFFFC000  }
0x68: {  	_ =	swait.ge [sflag:s7], $0x100  }
0x69: {  	[sflag:s7] =	ssyncset.done $0x0  }
0x6a: {  	s11 =	simm.s32 @p0 $0x1;
	[sflag:s7] =	ssyncadd.s32 $0xFFFFFF00  }
0x6b: {  	[tilespmem:s28], [sflag:$0x2] =	stream.indirect.gather [hbm4b:s4+s26], $0x80, s25, s26, $0xb8;
	[tilespmem:$0x1C400] =	vst v63  }
0x6c: {  	_ =	swait.ge @p0 [sflag:s11], $0x4000  }
0x6d: {  	s14 =	simm.s32 @p0 $0x14280;
	[sflag:s11] =	ssyncset.done @p0 $0x0  }
0x6e: {  	s15 =	simm.s32 @p0 $0x14400;
	[sflag:s11] =	ssyncadd.s32 @p0 $0xFFFFC000;
	s11 =	simm.s32 @p0 $0x80  }
0x6f: {  	[spmem:s2] =	stream.indirect.scatter.add.f32 @p0 [tilespmem:s15], [sflag:$0x5], $0x80, s14, s11, $0xb8;
	[tilespmem:$0x1C400] =	vst v63  }
0x70: {  	s11 =	simm.s32 @p0 $0x5  }
0x71: {  	_ =	swait.ge @p0 [sflag:s11], $0x4000  }
0x72: {  	[sflag:s11] =	ssyncset.done @p0 $0x0  }
0x73: {  	s14 =	simm.s32 @!p0 $0x14100;
	[sflag:s11] =	ssyncadd.s32 @p0 $0xFFFFC000;
	s11 =	sadd.s32 @!p0 s10, s18  }
0x74: {  	[tilespmem:s14], [sflag:$0x4] =	stream.linear.gather @!p0 [hbm4b:s11+s12], $0x100, $0x38;
	[tilespmem:$0x1C400] =	vst v63  }
0x75: {  	s11 =	simm.s32 @!p0 $0x1  }
0x76: {  	_ =	swait.ge @!p0 [sflag:s11], $0x4000  }
0x77: {  	s15 =	simm.s32 @!p0 $0x14400;
	[sflag:s11] =	ssyncset.done @!p0 $0x0  }
0x78: {  	s14 =	simm.s32 @!p0 $0x14280;
	[sflag:s11] =	ssyncadd.s32 @!p0 $0xFFFFC000;
	s11 =	simm.s32 @!p0 $0x80  }
0x79: {  	[spmem:s2] =	stream.indirect.scatter.add.f32 @!p0 [tilespmem:s15], [sflag:$0x5], $0x80, s14, s11, $0xb8;
	[tilespmem:$0x1C400] =	vst v63  }
0x7a: {  	s14 =	simm.s32 @!p0 $0x5  }
0x7b: {  	_ =	swait.ge @!p0 [sflag:s14], $0x4000  }
0x7c: {  	[sflag:s14] =	ssyncset.done @!p0 $0x0  }
0x7d: {  	[sflag:s14] =	ssyncadd.s32 @!p0 $0xFFFFC000;
	s14 =	simm.s32 @!p0 $0x3  }
0x7e: {  	_ =	swait.ge @!p0 [sflag:s14], $0x100  }
0x7f: {  	[sflag:s14] =	ssyncset.done @!p0 $0x0  }
0x80: {  	[sflag:s14] =	ssyncadd.s32 @!p0 $0xFFFFFF00  }
0x81: {  	[tilespmem:s15], [sflag:$0x1] =	stream.indirect.gather @!p0 [hbm4b:s4+s11], $0x80, s13, s11, $0xb8;
	[tilespmem:$0x1C400] =	vst v63  }
0x82: {  	s11 =	sadd.s32 @!p0 s10, s17;
	s13 =	simm.s32 @!p0 $0x14200  }
0x83: {  	[tilespmem:s13], [sflag:$0x3] =	stream.linear.gather @!p0 [hbm4b:s11+s12], $0x100, $0x38;
	[tilespmem:$0x1C400] =	vst v63  }
0x84: {  	_ =	swait.ge [sflag:s0], $0x4000  }
0x85: {  	[sflag:s0] =	ssyncset.done $0x0  }
.Ltmp3:
0x86: {  	[sflag:s0] =	ssyncadd.s32 $0xFFFFC000;
	(pc) =	sbr.rel @p0 .LBB2_6-.Ltmp3, $4  }
0x87: {  	[spmem:s2] =	stream.indirect.scatter.add.f32 [tilespmem:s28], [sflag:$0x5], $0x80, s8, s26, $0xb8;
	[tilespmem:$0x1C400] =	vst v63  }
0x88: {  	_ =	swait.ge [sflag:s21], $0x4000  }
0x89: {  	[sflag:s21] =	ssyncset.done $0x0  }
0x8a: {  	[sflag:s21] =	ssyncadd.s32 $0xFFFFC000  }
0x8b: {  	_ =	swait.ge [sflag:s7], $0x100  }
.Ltmp4:
0x8c: {  	[sflag:s7] =	ssyncset.done $0x0;
	(pc) =	sbr.rel .LBB2_4-.Ltmp4, $4  }
0x8d: {  	[sflag:s7] =	ssyncadd.s32 $0xFFFFFF00  }
0x8e: {  	[tilespmem:s28], [sflag:$0x2] =	stream.indirect.gather [hbm4b:s4+s26], $0x80, s23, s26, $0xb8;
	[tilespmem:$0x1C400] =	vst v63  }
0x8f: {  	s11 =	sadd.s32 s10, s16;
	s10 =	sadd.s32 $0x80, s10  }
0x90: {  	[tilespmem:s25], [sflag:$0x4] =	stream.linear.gather [hbm4b:s11+s3], $0x100, $0x38;
	[tilespmem:$0x1C400] =	vst v63  }
.LBB2_7:
0x91: {  	_ =	sfence.sel $0x180000  }
0x92: {  	[bflag:$0x0] =	sbarrier.arrive $0xFFFF  }
0x93: {  	_ =	strace $0x9000004D  }
0x94: {  	s0 =	stileid.u32;
	[bflag:$0x2] =	sbarrier.arrive $0xFFFF  }
0x95: {  	p0 =	sne.s32 s0, $0x0;
	s0 =	rddreg [dreg:$0x2]  }
0x96: {  	s0 =	sadd.s32 @!p0 $0x100000, s0  }
0x97: {  	[sflag:s0] =	ssyncadd.tile.s32 @!p0 $0x1;
	_ =	shalt  }
.Lfunc_end2:
_tile_overlayer_lowered:
.L_overlay_start_2:
0x98: {  	(tag) =	ssettag $0x2  }
0x99: {  	s0 =	rddreg [dreg:$0x0];
	s2 =	stileid.u32  }
0x9a: {  	s1 =	rddreg [dreg:$0x1];
	p0 =	sne.s32 s2, $0x0  }
0x9b: {  	s3 =	rddreg [dreg:$0x2];
	[bflag:$0x3] =	sbarrier.arrive $0xFFFF;
	s2 =	simm.s32 @!p0 $0x1C05  }
0x9c: {  	[timem:s3], [sflag:s2] =	dma.local @!p0 [hbm:s0], s1  }
0x9d: {  	s0 =	simm.s32 @!p0 $0x5  }
0x9e: {  	_ =	swait.ge @!p0 [sflag:s0], s1  }
0x9f: {  	s1 =	ssub.s32 @!p0 $0x0, s1;
	[sflag:s0] =	ssyncset.done @!p0 $0x0  }
0xa0: {  	[sflag:s0] =	ssyncadd.s32 @!p0 s1  }
0xa1: {  	[bflag:$0x3] =	sbarrier.arrive $0xFFFF  }
0xa2: {  	_ =	shalt  }

// kernel: kernel.19.cloned.1.call-start
scs
__scs_entry_jumppad:
0x0: {  	(pc) =	sbr.rel $0x88, $3  }
0x1: {  	(tag) =	ssettag $0x0;
	lr =	simm.s32 $0x1  }
0x2: {  	[smem:$0x3F8E] =	sst lr;
	_ =	strace $0xD0000000  }
0x3: {  	_ = 	snop  }
0x4: {  	_ = 	snop  }
0x5: {  	_ = 	snop  }
0x6: {  	_ = 	snop  }
0x7: {  	_ = 	snop  }
__scs_overlays_trampoline_lowered:
0x8: {  	[smem:$0x3F9D] =	sst s0  }
0x9: {  	[smem:$0x3F9E] =	sst s1  }
0xa: {  	[smem:$0x3F9F] =	sst s2  }
0xb: {  	[smem:$0x3FA0] =	sst s3  }
0xc: {  	[smem:$0x3FA1] =	sst s4  }
0xd: {  	[smem:$0x3FA2] =	sst s5  }
0xe: {  	[smem:$0x3FA3] =	sst s6  }
0xf: {  	[smem:$0x3FA4] =	sst s7  }
0x10: {  	[smem:$0x3FA5] =	sst s8  }
0x11: {  	[smem:$0x3FA6] =	sst s9;
	s0 =	simm.s32 @!p0 $0x0  }
0x12: {  	s1 =	sld [smem:$0x3F8C];
	s0 =	simm.s32 @p0 $0x1  }
0x13: {  	[smem:$0x3FA7] =	sst s0;
	s0 =	simm.s32 @!p1 $0x0  }
0x14: {  	s2 =	sld [smem:$0x3F8B];
	s0 =	simm.s32 @p1 $0x1  }
0x15: {  	[smem:$0x3FA8] =	sst s0;
	s0 =	simm.s32 @!p2 $0x0  }
0x16: {  	s3 =	sld [smem:$0x3FDB];
	s0 =	simm.s32 @p2 $0x1  }
0x17: {  	s4 =	simm.s32 $0x1BF5;
	[smem:$0x3FAA] =	sst s0  }
0x18: {  	s0 =	sld [smem:$0x3F8D];
	_ =	swait.ge [sflag:s4], $0x0  }
0x19: {  	s7 =	sld [smem:$0x3F8E]  }
0x1a: {  	s8 =	sadd.s32 $0xFFFFE003, lr  }
0x1b: {  	s9 =	sadd.s32 $0xFFFFFEF7, lr;
	s5 =	simm.s32 $0xFFFFFFFF;
	p2 =	slt.u32 s8, $0xFFFFF086  }
0x1c: {  	p1 =	slt.u32 s9, $0xF7A;
	s5 =	simm.s32 @!p2 $0x0  }
0x1d: {  	s5 =	simm.s32 @p1 $0x1;
	p0 =	seq.s32 s7, s2  }
0x1e: {  	s7 =	smul.u32 @!p0 $0xF7A, s2;
	p2 =	seq.s32 @!p0 s5, $0x0  }
0x1f: {  	s9 =	smul.u32 $0xF7A, s1;
	s8 =	simm.s32 @!p0 $0x1BF5;
	p2 =	por !p2, p0  }
0x20: {  	[sflag:s8] =	ssyncset.s32 @!p0 $0xFFFFF086;
	s6 =	sadd.s32 @!p0 s3, s7;
	s7 =	simm.s32 @!p0 $0x108  }
0x21: {  	s3 =	sadd.s32 s3, s9;
	s6 =	sadd.s32 @!p0 $0x88, s6;
	s7 =	simm.s32 @p2 $0x1082  }
0x22: {  	[simem:s7], [sflag:s8] =	dma.local @!p0 [hbm:s6], $0xF7A  }
0x23: {  	s9 =	sor.u32 $0xD0000000, s2;
	s6 =	simm.s32 $0x108;
	_ =	swait.ge @!p0 [sflag:s8], $0x0  }
0x24: {  	s3 =	sadd.s32 $0x88, s3;
	s6 =	simm.s32 @!p1 $0x1082;
	[sflag:s4] =	ssyncset.s32 $0xFFFFF086  }
0x25: {  	[simem:s6], [sflag:s4] =	dma.local [hbm:s3], $0xF7A  }
0x26: {  	[smem:$0x3F8E] =	sst s1;
	(tag) =	ssettag s2;
	_ =	strace s9  }
0x27: {  	s1 =	sld [smem:$0x3F9E]  }
0x28: {  	s2 =	sld [smem:$0x3F9F]  }
0x29: {  	s4 =	sld [smem:$0x3FA1]  }
0x2a: {  	p0 =	seq.s32 s5, $0x0;
	s5 =	sld [smem:$0x3FA2]  }
0x2b: {  	s6 =	sld [smem:$0x3FA3]  }
0x2c: {  	s7 =	sld [smem:$0x3FA4]  }
0x2d: {  	s3 =	simm.s32 $0x108;
	s8 =	sld [smem:$0x3FA5]  }
0x2e: {  	s3 =	simm.s32 @!p0 $0x1082;
	s9 =	sld [smem:$0x3FA6]  }
0x2f: {  	lr =	sadd.s32 s0, s3;
	s0 =	sld [smem:$0x3F9D]  }
0x30: {  	s3 =	sld [smem:$0x3FA0]  }
0x31: {  	[smem:$0x3FA9] =	sst s10  }
0x32: {  	s10 =	sld [smem:$0x3FA7];
	_ =	sdelay $0x3  }
0x33: {  	p0 =	seq.s32 s10, $0x1;
	s10 =	sld [smem:$0x3FA9];
	_ =	sdelay $0x3  }
0x34: {  	[smem:$0x3FA9] =	sst s10  }
0x35: {  	s10 =	sld [smem:$0x3FA8];
	_ =	sdelay $0x3  }
0x36: {  	p1 =	seq.s32 s10, $0x1;
	s10 =	sld [smem:$0x3FA9];
	_ =	sdelay $0x3  }
0x37: {  	[smem:$0x3FA9] =	sst s10  }
0x38: {  	s10 =	sld [smem:$0x3FAA]  }
0x39: {  	_ = 	snop;
	(pc) =	sbr.ind lr, $3  }
0x3a: {  	_ = 	snop  }
0x3b: {  	_ = 	snop  }
0x3c: {  	p2 =	seq.s32 s10, $0x1;
	s10 =	sld [smem:$0x3FA9]  }
0x3d: {  	_ =	shalt  }
0x3e: {  	_ =	shalt  }
0x3f: {  	_ =	shalt  }
0x40: {  	_ =	shalt  }
0x41: {  	_ =	shalt  }
0x42: {  	_ =	shalt  }
0x43: {  	_ =	shalt  }
0x44: {  	_ =	shalt  }
0x45: {  	_ =	shalt  }
0x46: {  	_ =	shalt  }
0x47: {  	_ =	shalt  }
0x48: {  	_ =	shalt  }
0x49: {  	_ =	shalt  }
0x4a: {  	_ =	shalt  }
0x4b: {  	_ =	shalt  }
0x4c: {  	_ =	shalt  }
0x4d: {  	_ =	shalt  }
0x4e: {  	_ =	shalt  }
0x4f: {  	_ =	shalt  }
0x50: {  	_ =	shalt  }
0x51: {  	_ =	shalt  }
0x52: {  	_ =	shalt  }
0x53: {  	_ =	shalt  }
0x54: {  	_ =	shalt  }
0x55: {  	_ =	shalt  }
0x56: {  	_ =	shalt  }
0x57: {  	_ =	shalt  }
0x58: {  	_ =	shalt  }
0x59: {  	_ =	shalt  }
0x5a: {  	_ =	shalt  }
0x5b: {  	_ =	shalt  }
0x5c: {  	_ =	shalt  }
0x5d: {  	_ =	shalt  }
0x5e: {  	_ =	shalt  }
0x5f: {  	_ =	shalt  }
0x60: {  	_ =	shalt  }
0x61: {  	_ =	shalt  }
0x62: {  	_ =	shalt  }
0x63: {  	_ =	shalt  }
0x64: {  	_ =	shalt  }
0x65: {  	_ =	shalt  }
0x66: {  	_ =	shalt  }
0x67: {  	_ =	shalt  }
0x68: {  	_ =	shalt  }
0x69: {  	_ =	shalt  }
0x6a: {  	_ =	shalt  }
0x6b: {  	_ =	shalt  }
0x6c: {  	_ =	shalt  }
0x6d: {  	_ =	shalt  }
0x6e: {  	_ =	shalt  }
0x6f: {  	_ =	shalt  }
0x70: {  	_ =	shalt  }
0x71: {  	_ =	shalt  }
0x72: {  	_ =	shalt  }
0x73: {  	_ =	shalt  }
0x74: {  	_ =	shalt  }
0x75: {  	_ =	shalt  }
0x76: {  	_ =	shalt  }
0x77: {  	_ =	shalt  }
0x78: {  	_ =	shalt  }
0x79: {  	_ =	shalt  }
0x7a: {  	_ =	shalt  }
0x7b: {  	_ =	shalt  }
0x7c: {  	_ =	shalt  }
0x7d: {  	_ =	shalt  }
0x7e: {  	_ =	shalt  }
0x7f: {  	_ =	shalt  }
0x80: {  	_ =	shalt  }
0x81: {  	_ =	shalt  }
0x82: {  	_ =	shalt  }
0x83: {  	_ =	shalt  }
0x84: {  	_ =	shalt  }
0x85: {  	_ =	shalt  }
0x86: {  	_ =	shalt  }
0x87: {  	_ =	shalt  }
.Lfunc_end0:
.L_simem_size_0:
called_computation.3_lowered:
.L_overlay_start_0:
0x88: {  	s2 =	sld [smem:$0x3FD9]  }
0x89: {  	s3 =	sld [smem:$0x3FFE];
	_ =	sdelay $0x1  }
0x8a: {  	s1 =	srdreg.scid  }
0x8b: {  	s0 =	sand.u32 $0x1, s1  }
0x8c: {  	s16 =	sshll.u32 s0, $0xA;
	s2 =	sadd.s32 s3, s2  }
0x8d: {  	s2 =	sadd.s32 s2, s16  }
0x8e: {  	[smem:$0x3FB5] =	sst s2  }
0x8f: {  	_ = 	snop  }
0x90: {  	(tm) =	ssettm $0x1  }
0x91: {  	s17 =	sld [smem:$0x3FFB];
	_ =	sdelay $0x3  }
0x92: {  	_ =	strace s17  }
0x93: {  	s2 =	sld [smem:$0x3FFC];
	_ =	sdelay $0x3  }
0x94: {  	_ =	strace s2  }
0x95: {  	s2 =	sld [smem:$0x3FFD];
	_ =	sdelay $0x3  }
0x96: {  	_ =	strace s2  }
0x97: {  	_ =	strace $0x8FFFFFFF  }
0x98: {  	s18 =	sld [smem:$0x3FDB];
	_ =	sdelay $0x1  }
0x99: {  	s19 =	simm.s32 $_scs_section_size  }
0x9a: {  	s4 =	simm.s32 $_size__tile_overlayer_lowered;
	s5 =	simm.s32 $_tile_overlayer_lowered  }
0x9b: {  	s22 =	simm.s32 $0x1BFF;
	s21 =	sshll.u32 s5, $0x1;
	s2 =	sadd.s32 s19, s18  }
0x9c: {  	s6 =	simm.s32 $0x0;
	s20 =	sshll.u32 s4, $0x1;
	s4 =	sadd.s32 s21, s2  }
0x9d: {  	[timem:s6], [sflag:s22] =	dma.local [hbm:s4], s20  }
0x9e: {  	_ =	swait.ge [sflag:s22], s20  }
0x9f: {  	s3 =	ssub.s32 $0x0, s20;
	[sflag:s22] =	ssyncset.done $0x0  }
0xa0: {  	[sflag:s22] =	ssyncadd.s32 s3;
	_ =	sdelay $0x1  }
0xa1: {  	s23 =	simm.s32 $0x1B8B  }
0xa2: {  	_ =	swait.ge [sflag:s23], $0x1  }
0xa3: {  	[sflag:s23] =	ssyncset.done $0x0  }
0xa4: {  	s25 =	simm.s32 $0x1B8E;
	s24 =	sld [smem:$0x3FFE];
	[sflag:s23] =	ssyncadd.s32 $0xFFFFFFFF  }
0xa5: {  	s26 =	simm.s32 $execute0_lowered;
	[smem:$0x3FD2] =	sst s25  }
0xa6: {  	s4 =	sshll.u32 s26, $0x1;
	_ =	strace $0x8000004F;
	[dreg:$0x1] =	wrdreg $0xFFFFFFFF  }
0xa7: {  	s28 =	simm.s32 $_size_execute0_lowered;
	s2 =	sadd.s32 s2, s4;
	[dreg:$0x0] =	wrdreg $0x0  }
0xa8: {  	s4 =	sshll.u32 s28, $0x1;
	[dreg:$0x2] =	wrdreg s2  }
0xa9: {  	[dreg:$0x3] =	wrdreg s4  }
0xaa: {  	[dreg:$0x4] =	wrdreg $0xC0  }
0xab: {  	_ =	task [dreg:s6], $0x5FFFF  }
0xac: {  	[dreg:$0x1] =	wrdreg $0xFFFFFFFF  }
0xad: {  	[dreg:$0x0] =	wrdreg $0x60  }
0xae: {  	[dreg:$0x2] =	wrdreg s24  }
0xaf: {  	[dreg:$0x3] =	wrdreg $0x0  }
0xb0: {  	[dreg:$0x4] =	wrdreg $0x9  }
0xb1: {  	_ =	task.clear_ibuf [dreg:s6], $0x5FFFF;
	_ =	strace $0x9000004F  }
0xb2: {  	s29 =	simm.s32 $0x9;
	_ =	strace $0x80000051  }
0xb3: {  	_ =	swait.ge [sflag:s29], $0x1  }
0xb4: {  	[sflag:s29] =	ssyncadd.s32 $0xFFFFFFFF  }
0xb5: {  	_ =	strace $0x90000051  }
0xb6: {  	_ =	sfence  }
0xb7: {  	s30 =	sld [smem:$0x0];
	_ =	sdelay $0x2  }
0xb8: {  	s31 =	sshll.u32 s1, $0xD;
	s1 =	sshrl.u32 s1, $0x2  }
0xb9: {  	s3 =	sand.u32 $0x4000, s31;
	s1 =	sadd.s32 s1, s30  }
0xba: {  	s0 =	sor.u32 s3, s0;
	s1 =	sshll.u32 s1, $0x11  }
0xbb: {  	s0 =	sor.u32 s1, s0  }
0xbc: {  	s0 =	sadd.s32 $0x8F2B, s0  }
0xbd: {  	[sflag:s0] =	ssyncadd.remote.s32 $0x1  }
0xbe: {  	_ =	sfence.sel $0xFFFF  }
0xbf: {  	[dreg:$0x0] =	wrdreg $0xFFFFFFFF;
	(pc) =	sbr.abs _section_cstart, $3  }
0xc0: {  	[dreg:$0x1] =	wrdreg $0xFFFFFFFF  }
0xc1: {  	_ =	task.clear_ibuf [dreg:s6], $0x2FFFF;
	_ =	strace $0x9FFFFFFF  }
0xc2: {  	(tm) =	ssettm $0x7FFFFFFF  }
0xc3: {  	_ =	shalt  }
tec
execute0_lowered:
.L_overlay_start_1:
0x0: {  	(tag) =	ssettag $0x1  }
0x1: {  	s0 =	rddreg [dreg:$0x0];
	s1 =	srdreg.scid  }
0x2: {  	s2 =	rddreg [dreg:$0x1];
	s10 =	stileid.u32  }
0x3: {  	s3 =	simm.s32 $0x0;
	s28 =	simm.s32 $0x18400;
	s6 =	smul.u32 $0x14000, s10  }
0x4: {  	s29 =	simm.s32 $0x1;
	s30 =	simm.s32 $0x14080;
	s8 =	smul.u32 $0xA000, s10  }
0x5: {  	s31 =	simm.s32 $0x3;
	s1 =	sand.u32 $0x1, s1;
	s11 =	smul.u32 $0x50000, s10  }
0x6: {  	[smem:$0x7FF] =	sst s3;
	s9 =	sadd.s32 $0x63800, s0;
	s5 =	smul.u32 $0x140000, s1  }
0x7: {  	s4 =	sadd.s32 $0x8B800, s0;
	s7 =	smul.u32 $0xA0000, s1;
	s1 =	ssub.s32 $0x2, s1  }
0x8: {  	_ =	strace $0x80000050;
	s13 =	sshrl.u32 s1, $0x1;
	s5 =	sadd.s32 s6, s5  }
0x9: {  	s7 =	sadd.s32 s8, s7;
	s6 =	sshrl.u32 s11, $0x2;
	s1 =	ssub.s32 s1, s13  }
0xa: {  	s8 =	simm.s32 $0x14380;
	s5 =	sshrl.u32 s5, $0x3;
	s12 =	sshrl.u32 s7, $0x3  }
0xb: {  	s6 =	sadd.s32 s6, s2;
	s17 =	smax.u32 s1, $0x1;
	s19 =	sor.u32 $0x700, s7  }
0xc: {  	s23 =	sor.u32 $0x600, s7;
	s24 =	sor.u32 $0x500, s7;
	s7 =	sor.u32 $0x400, s7  }
0xd: {  	s1 =	simm.s32 $0x14180;
	s0 =	sadd.s32 s5, s0;
	s5 =	sadd.s32 s9, s12  }
0xe: {  	[dreg:$0x7] =	wrdreg s17;
	s18 =	sadd.s32 $0x4000, s6;
	s20 =	sadd.s32 $0x8000, s6  }
0xf: {  	s21 =	sadd.s32 $0xC000, s6;
	s22 =	sadd.s32 $0x10000, s6;
	[dreg:$0x8] =	wrdreg s18  }
0x10: {  	s25 =	sshrl.u32 s24, $0x3;
	s26 =	sshrl.u32 s7, $0x3;
	[dreg:$0x9] =	wrdreg s20  }
0x11: {  	s24 =	simm.s32 $0x14200;
	s7 =	simm.s32 $0x4;
	[dreg:$0xa] =	wrdreg s21  }
0x12: {  	s14 =	sadd.s32 $0x20, s5;
	s15 =	sadd.s32 $0x40, s5;
	[dreg:$0xb] =	wrdreg s22  }
0x13: {  	s16 =	sadd.s32 $0x60, s5;
	s0 =	sadd.s32 $0xDB800, s0;
	[dreg:$0x3] =	wrdreg s14  }
0x14: {  	s18 =	sadd.s32 s25, s9;
	s20 =	simm.s32 $0x14400;
	[dreg:$0x4] =	wrdreg s15  }
.Ltmp0:
0x15: {  	s21 =	simm.s32 $0x5;
	[dreg:$0x5] =	wrdreg s16;
	(pc) =	sbr.rel .LBB2_1-.Ltmp0, $4  }
0x16: {  	s22 =	simm.s32 $0x14000;
	s25 =	simm.s32 $0x14300;
	[dreg:$0x6] =	wrdreg s0  }
0x17: {  	s0 =	sshrl.u32 s19, $0x3;
	s19 =	sadd.s32 s26, s9;
	s26 =	simm.s32 $0x80  }
0x18: {  	s16 =	sadd.s32 s0, s9;
	s0 =	sshrl.u32 s23, $0x3;
	s23 =	simm.s32 $0x14100  }
0x19: {  	v0 =	vimm.f32 $0.0e+00;
	s17 =	sadd.s32 s0, s9;
	s0 =	simm.s32 $0x2;
	s9 =	simm.s32 $0x0  }
.LBB2_6:
0x1a: {  	s10 =	stileid.u32  }
0x1b: {  	[bflag:$0x0] =	sbarrier.arrive $0xFFFF;
	s10 =	sshll.u32 s10, $0x6  }
0x1c: {  	s11 =	sshrl.u32 s6, $0x3;
	s12 =	rddreg [dreg:$0x6];
	s10 =	sor.u32 $0x1C05, s10  }
0x1d: {  	[hbm:s12], [sflag:s10] =	dma.local [spmem:s11], $0x2800  }
0x1e: {  	_ =	swait.ge [sflag:s21], $0x2800  }
0x1f: {  	s9 =	sadd.s32 $0x1, s9;
	s15 =	rddreg [dreg:$0x7]  }
0x20: {  	p0 =	sne.s32 s9, s15  }
.Ltmp1:
0x21: {  	_ = 	snop;
	(pc) =	sbr.rel @!p0 .LBB2_7-.Ltmp1, $3  }
0x22: {  	_ =	sdelay $0x1  }
0x23: {  	[sflag:s21] =	ssyncset.done $0x0  }
0x24: {  	[sflag:s21] =	ssyncadd.s32 $0xFFFFD800  }
.LBB2_1:
0x25: {  	s10 =	sand.u32 $0xFE00, s3  }
0x26: {  	s11 =	sand.u32 $0x70, s3;
	s12 =	sshrl.u32 s10, $0x2  }
0x27: {  	s10 =	simm.s32 $0x40;
	s12 =	sor.u32 s11, s12;
	s11 =	simm.s32 $0x0  }
.LBB2_2:
0x28: {  	p0 =	sne.s32 s10, $0xFFC0  }
0x29: {  	[tilespmem:s12+$0x14400] =	vst v0;
	s11 =	sadd.s32 $0x10, s11;
	s12 =	smov.u32 s10;
	s10 =	sadd.s32 $0x40, s10  }
.Ltmp2:
0x2a: {  	(pc) =	sbr.rel @p0 .LBB2_2-.Ltmp2, $4  }
0x2b: {  	_ = 	snop  }
0x2c: {  	s12 =	sand.u32 $0xFE00, s12  }
0x2d: {  	s13 =	sand.u32 $0x70, s11;
	s12 =	sshrl.u32 s12, $0x2  }
0x2e: {  	s12 =	sor.u32 s13, s12  }
0x2f: {  	[tilespmem:s12+$0x14400] =	vst v0  }
0x30: {  	[spmem:s6] =	stream.linear.scatter [tilespmem:s20], [sflag:$0x5], $0x4000, $0x38;
	[tilespmem:$0x1C400] =	vst v63  }
0x31: {  	_ =	swait.ge [sflag:s21], $0x4000  }
0x32: {  	[sflag:s21] =	ssyncset.done $0x0  }
0x33: {  	s10 =	rddreg [dreg:$0x8];
	[sflag:s21] =	ssyncadd.s32 $0xFFFFC000  }
0x34: {  	[spmem:s10] =	stream.linear.scatter [tilespmem:s20], [sflag:$0x5], $0x4000, $0x38;
	[tilespmem:$0x1C400] =	vst v63  }
0x35: {  	_ =	swait.ge [sflag:s21], $0x4000  }
0x36: {  	[sflag:s21] =	ssyncset.done $0x0  }
0x37: {  	s11 =	rddreg [dreg:$0x9];
	[sflag:s21] =	ssyncadd.s32 $0xFFFFC000  }
0x38: {  	[spmem:s11] =	stream.linear.scatter [tilespmem:s20], [sflag:$0x5], $0x4000, $0x38;
	[tilespmem:$0x1C400] =	vst v63  }
0x39: {  	_ =	swait.ge [sflag:s21], $0x4000  }
0x3a: {  	[sflag:s21] =	ssyncset.done $0x0  }
0x3b: {  	s12 =	rddreg [dreg:$0xa];
	[sflag:s21] =	ssyncadd.s32 $0xFFFFC000  }
0x3c: {  	[spmem:s12] =	stream.linear.scatter [tilespmem:s20], [sflag:$0x5], $0x4000, $0x38;
	[tilespmem:$0x1C400] =	vst v63  }
0x3d: {  	_ =	swait.ge [sflag:s21], $0x4000  }
0x3e: {  	[sflag:s21] =	ssyncset.done $0x0  }
0x3f: {  	s13 =	rddreg [dreg:$0xb];
	[sflag:s21] =	ssyncadd.s32 $0xFFFFC000  }
0x40: {  	[spmem:s13] =	stream.linear.scatter [tilespmem:s20], [sflag:$0x5], $0x4000, $0x38;
	[tilespmem:$0x1C400] =	vst v63  }
0x41: {  	_ =	swait.ge [sflag:s21], $0x4000  }
0x42: {  	[sflag:s21] =	ssyncset.done $0x0  }
0x43: {  	[sflag:s21] =	ssyncadd.s32 $0xFFFFC000  }
0x44: {  	s10 =	simm.s32 $0x0;
	[bflag:$0x0] =	sbarrier.arrive $0xFFFF  }
0x45: {  	[tilespmem:s22], [sflag:$0x5] =	stream.linear.gather [hbm4b:s5+s10], $0x100, $0x38;
	[tilespmem:$0x1C400] =	vst v63  }
0x46: {  	_ =	swait.ge [sflag:s21], $0x100  }
0x47: {  	[sflag:s21] =	ssyncset.done $0x0  }
0x48: {  	s11 =	rddreg [dreg:$0x3];
	[sflag:s21] =	ssyncadd.s32 $0xFFFFFF00  }
0x49: {  	[tilespmem:s23], [sflag:$0x5] =	stream.linear.gather [hbm4b:s11+s10], $0x100, $0x38;
	[tilespmem:$0x1C400] =	vst v63  }
0x4a: {  	_ =	swait.ge [sflag:s21], $0x100  }
0x4b: {  	[sflag:s21] =	ssyncset.done $0x0  }
0x4c: {  	s14 =	rddreg [dreg:$0x4];
	[sflag:s21] =	ssyncadd.s32 $0xFFFFFF00  }
0x4d: {  	[tilespmem:s24], [sflag:$0x3] =	stream.linear.gather [hbm4b:s14+s10], $0x100, $0x38;
	[tilespmem:$0x1C400] =	vst v63  }
0x4e: {  	s15 =	rddreg [dreg:$0x5]  }
0x4f: {  	[tilespmem:s25], [sflag:$0x4] =	stream.linear.gather [hbm4b:s15+s10], $0x100, $0x38;
	[tilespmem:$0x1C400] =	vst v63  }
0x50: {  	_ = 	snop  }
0x51: {  	[tilespmem:s20], [sflag:$0x1] =	stream.indirect.gather [hbm4b:s4+s26], $0x80, s22, s26, $0xb8;
	[tilespmem:$0x1C400] =	vst v63  }
0x52: {  	_ = 	snop  }
0x53: {  	[tilespmem:s28], [sflag:$0x2] =	stream.indirect.gather [hbm4b:s4+s26], $0x80, s23, s26, $0xb8;
	[tilespmem:$0x1C400] =	vst v63  }
.LBB2_4:
0x54: {  	_ =	swait.ge [sflag:s29], $0x4000  }
0x55: {  	[sflag:s29] =	ssyncset.done $0x0  }
0x56: {  	[sflag:s29] =	ssyncadd.s32 $0xFFFFC000  }
0x57: {  	[spmem:s2] =	stream.indirect.scatter.add.f32 [tilespmem:s20], [sflag:$0x5], $0x80, s30, s26, $0xb8;
	[tilespmem:$0x1C400] =	vst v63  }
0x58: {  	_ =	swait.ge [sflag:s21], $0x4000  }
0x59: {  	[sflag:s21] =	ssyncset.done $0x0  }
0x5a: {  	[sflag:s21] =	ssyncadd.s32 $0xFFFFC000  }
0x5b: {  	_ =	swait.ge [sflag:s31], $0x100  }
0x5c: {  	[sflag:s31] =	ssyncset.done $0x0  }
0x5d: {  	p0 =	seq.s32 s10, $0x1380;
	[sflag:s31] =	ssyncadd.s32 $0xFFFFFF00  }
0x5e: {  	[tilespmem:s20], [sflag:$0x1] =	stream.indirect.gather [hbm4b:s4+s26], $0x80, s24, s26, $0xb8;
	[tilespmem:$0x1C400] =	vst v63  }
0x5f: {  	s11 =	sadd.s32 @!p0 s10, s19;
	s12 =	simm.s32 @!p0 $0x0;
	s13 =	simm.s32 @!p0 $0x14000  }
0x60: {  	[tilespmem:s13], [sflag:$0x3] =	stream.linear.gather @!p0 [hbm4b:s11+s12], $0x100, $0x38;
	[tilespmem:$0x1C400] =	vst v63  }
0x61: {  	_ =	swait.ge [sflag:s0], $0x4000  }
0x62: {  	[sflag:s0] =	ssyncset.done $0x0  }
0x63: {  	[sflag:s0] =	ssyncadd.s32 $0xFFFFC000  }
0x64: {  	[spmem:s2] =	stream.indirect.scatter.add.f32 [tilespmem:s28], [sflag:$0x5], $0x80, s1, s26, $0xb8;
	[tilespmem:$0x1C400] =	vst v63  }
0x65: {  	_ =	swait.ge [sflag:s21], $0x4000  }
0x66: {  	[sflag:s21] =	ssyncset.done $0x0  }
0x67: {  	[sflag:s21] =	ssyncadd.s32 $0xFFFFC000  }
0x68: {  	_ =	swait.ge [sflag:s7], $0x100  }
0x69: {  	[sflag:s7] =	ssyncset.done $0x0  }
0x6a: {  	s11 =	simm.s32 @p0 $0x1;
	[sflag:s7] =	ssyncadd.s32 $0xFFFFFF00  }
0x6b: {  	[tilespmem:s28], [sflag:$0x2] =	stream.indirect.gather [hbm4b:s4+s26], $0x80, s25, s26, $0xb8;
	[tilespmem:$0x1C400] =	vst v63  }
0x6c: {  	_ =	swait.ge @p0 [sflag:s11], $0x4000  }
0x6d: {  	s14 =	simm.s32 @p0 $0x14280;
	[sflag:s11] =	ssyncset.done @p0 $0x0  }
0x6e: {  	s15 =	simm.s32 @p0 $0x14400;
	[sflag:s11] =	ssyncadd.s32 @p0 $0xFFFFC000;
	s11 =	simm.s32 @p0 $0x80  }
0x6f: {  	[spmem:s2] =	stream.indirect.scatter.add.f32 @p0 [tilespmem:s15], [sflag:$0x5], $0x80, s14, s11, $0xb8;
	[tilespmem:$0x1C400] =	vst v63  }
0x70: {  	s11 =	simm.s32 @p0 $0x5  }
0x71: {  	_ =	swait.ge @p0 [sflag:s11], $0x4000  }
0x72: {  	[sflag:s11] =	ssyncset.done @p0 $0x0  }
0x73: {  	s14 =	simm.s32 @!p0 $0x14100;
	[sflag:s11] =	ssyncadd.s32 @p0 $0xFFFFC000;
	s11 =	sadd.s32 @!p0 s10, s18  }
0x74: {  	[tilespmem:s14], [sflag:$0x4] =	stream.linear.gather @!p0 [hbm4b:s11+s12], $0x100, $0x38;
	[tilespmem:$0x1C400] =	vst v63  }
0x75: {  	s11 =	simm.s32 @!p0 $0x1  }
0x76: {  	_ =	swait.ge @!p0 [sflag:s11], $0x4000  }
0x77: {  	s15 =	simm.s32 @!p0 $0x14400;
	[sflag:s11] =	ssyncset.done @!p0 $0x0  }
0x78: {  	s14 =	simm.s32 @!p0 $0x14280;
	[sflag:s11] =	ssyncadd.s32 @!p0 $0xFFFFC000;
	s11 =	simm.s32 @!p0 $0x80  }
0x79: {  	[spmem:s2] =	stream.indirect.scatter.add.f32 @!p0 [tilespmem:s15], [sflag:$0x5], $0x80, s14, s11, $0xb8;
	[tilespmem:$0x1C400] =	vst v63  }
0x7a: {  	s14 =	simm.s32 @!p0 $0x5  }
0x7b: {  	_ =	swait.ge @!p0 [sflag:s14], $0x4000  }
0x7c: {  	[sflag:s14] =	ssyncset.done @!p0 $0x0  }
0x7d: {  	[sflag:s14] =	ssyncadd.s32 @!p0 $0xFFFFC000;
	s14 =	simm.s32 @!p0 $0x3  }
0x7e: {  	_ =	swait.ge @!p0 [sflag:s14], $0x100  }
0x7f: {  	[sflag:s14] =	ssyncset.done @!p0 $0x0  }
0x80: {  	[sflag:s14] =	ssyncadd.s32 @!p0 $0xFFFFFF00  }
0x81: {  	[tilespmem:s15], [sflag:$0x1] =	stream.indirect.gather @!p0 [hbm4b:s4+s11], $0x80, s13, s11, $0xb8;
	[tilespmem:$0x1C400] =	vst v63  }
0x82: {  	s11 =	sadd.s32 @!p0 s10, s17;
	s13 =	simm.s32 @!p0 $0x14200  }
0x83: {  	[tilespmem:s13], [sflag:$0x3] =	stream.linear.gather @!p0 [hbm4b:s11+s12], $0x100, $0x38;
	[tilespmem:$0x1C400] =	vst v63  }
0x84: {  	_ =	swait.ge [sflag:s0], $0x4000  }
0x85: {  	[sflag:s0] =	ssyncset.done $0x0  }
.Ltmp3:
0x86: {  	[sflag:s0] =	ssyncadd.s32 $0xFFFFC000;
	(pc) =	sbr.rel @p0 .LBB2_6-.Ltmp3, $4  }
0x87: {  	[spmem:s2] =	stream.indirect.scatter.add.f32 [tilespmem:s28], [sflag:$0x5], $0x80, s8, s26, $0xb8;
	[tilespmem:$0x1C400] =	vst v63  }
0x88: {  	_ =	swait.ge [sflag:s21], $0x4000  }
0x89: {  	[sflag:s21] =	ssyncset.done $0x0  }
0x8a: {  	[sflag:s21] =	ssyncadd.s32 $0xFFFFC000  }
0x8b: {  	_ =	swait.ge [sflag:s7], $0x100  }
.Ltmp4:
0x8c: {  	[sflag:s7] =	ssyncset.done $0x0;
	(pc) =	sbr.rel .LBB2_4-.Ltmp4, $4  }
0x8d: {  	[sflag:s7] =	ssyncadd.s32 $0xFFFFFF00  }
0x8e: {  	[tilespmem:s28], [sflag:$0x2] =	stream.indirect.gather [hbm4b:s4+s26], $0x80, s23, s26, $0xb8;
	[tilespmem:$0x1C400] =	vst v63  }
0x8f: {  	s11 =	sadd.s32 s10, s16;
	s10 =	sadd.s32 $0x80, s10  }
0x90: {  	[tilespmem:s25], [sflag:$0x4] =	stream.linear.gather [hbm4b:s11+s3], $0x100, $0x38;
	[tilespmem:$0x1C400] =	vst v63  }
.LBB2_7:
0x91: {  	_ =	sfence.sel $0x180000  }
0x92: {  	[bflag:$0x0] =	sbarrier.arrive $0xFFFF  }
0x93: {  	_ =	strace $0x90000050  }
0x94: {  	s0 =	stileid.u32;
	[bflag:$0x2] =	sbarrier.arrive $0xFFFF  }
0x95: {  	p0 =	sne.s32 s0, $0x0;
	s0 =	rddreg [dreg:$0x2]  }
0x96: {  	s0 =	sadd.s32 @!p0 $0x100000, s0  }
0x97: {  	[sflag:s0] =	ssyncadd.tile.s32 @!p0 $0x1;
	_ =	shalt  }
.Lfunc_end2:
_tile_overlayer_lowered:
.L_overlay_start_2:
0x98: {  	(tag) =	ssettag $0x2  }
0x99: {  	s0 =	rddreg [dreg:$0x0];
	s2 =	stileid.u32  }
0x9a: {  	s1 =	rddreg [dreg:$0x1];
	p0 =	sne.s32 s2, $0x0  }
0x9b: {  	s3 =	rddreg [dreg:$0x2];
	[bflag:$0x3] =	sbarrier.arrive $0xFFFF;
	s2 =	simm.s32 @!p0 $0x1C05  }
0x9c: {  	[timem:s3], [sflag:s2] =	dma.local @!p0 [hbm:s0], s1  }
0x9d: {  	s0 =	simm.s32 @!p0 $0x5  }
0x9e: {  	_ =	swait.ge @!p0 [sflag:s0], s1  }
0x9f: {  	s1 =	ssub.s32 @!p0 $0x0, s1;
	[sflag:s0] =	ssyncset.done @!p0 $0x0  }
0xa0: {  	[sflag:s0] =	ssyncadd.s32 @!p0 s1  }
0xa1: {  	[bflag:$0x3] =	sbarrier.arrive $0xFFFF  }
0xa2: {  	_ =	shalt  }

</sc_bundles>
